<compile_context>
chip_gen: v7x
topology: tpu7x:2x2x1
jax: 0.10.2.dev20260603
libtpu: 0.0.44.dev20260713+nightly
codegen_flags: <defaults>
</compile_context>

<pallas_src>
import jax
import jax.numpy as jnp
from jax import lax
from jax.experimental import pallas as pl
from jax.experimental.pallas import tpu as pltpu
from jax.experimental.pallas import tpu_sc as plsc

N_NODES = 10000
N_PAD = 10240
N_EDGES = 320000
E_PAD = 327680
NUM_FEATURES = 128
EDGE_DIM = 16
N_HIDDEN = 100
HP = 128

NS = 16
LANES = 16

EB = 80
NBLK = E_PAD // EB
NBLK_T = NBLK // NS
ROWS_T = N_PAD // NS
IGRP = 8
DUMMY = N_NODES

_f32 = jnp.float32


def _pad_w(w):
    return jnp.pad(w, ((0, HP - w.shape[0]), (0, HP - w.shape[1])))


def _pad_v(v):
    return jnp.pad(v, (0, HP - v.shape[0])).reshape(1, HP)



def _embed_nodes_body(x_ref, w_ref, b_ref, o_ref):
    o_ref[...] = (
        jnp.dot(x_ref[...], w_ref[...], preferred_element_type=_f32) + b_ref[...]
    )


def _embed_nodes(x, w, b):
    return pl.pallas_call(
        _embed_nodes_body,
        out_shape=jax.ShapeDtypeStruct((N_PAD, HP), _f32),
    )(x, w, b)


def _embed_edges_body(a_ref, w_ref, b_ref, o_ref):
    o_ref[...] = (
        jnp.dot(a_ref[...], w_ref[...], preferred_element_type=_f32) + b_ref[...]
    )


def _embed_edges(edge_attr, w, b):
    BE = 8192
    return pl.pallas_call(
        _embed_edges_body,
        grid=(E_PAD // BE,),
        in_specs=[
            pl.BlockSpec((BE, EDGE_DIM), lambda i: (i, 0)),
            pl.BlockSpec((EDGE_DIM, HP), lambda i: (0, 0)),
            pl.BlockSpec((1, HP), lambda i: (0, 0)),
        ],
        out_specs=pl.BlockSpec((BE, HP), lambda i: (i, 0)),
        out_shape=jax.ShapeDtypeStruct((E_PAD, HP), _f32),
    )(edge_attr, w, b)


def _layer_body(h_ref, of_ref, orr_ref,
                wf1, bf1, wf2, bf2, gf, betaf,
                wr1, br1, wr2, br2, gr, betar,
                o_ref):
    h = h_ref[...]

    def branch(o, w1, b1, w2, b2, g, beta):
        z = jnp.maximum(
            jnp.dot(o, w1[...], preferred_element_type=_f32) + b1[...], 0.0)
        z = jnp.dot(z, w2[...], preferred_element_type=_f32) + b2[...]
        z10 = z[:N_NODES]
        mu = jnp.mean(z10, axis=0, keepdims=True)
        var = jnp.mean((z10 - mu) * (z10 - mu), axis=0, keepdims=True)
        zn = (z - mu) * lax.rsqrt(var + 1e-5) * g[...] + beta[...]
        return jnp.maximum(zn, 0.0)

    hf = branch(of_ref[...], wf1, bf1, wf2, bf2, gf, betaf)
    hr = branch(orr_ref[...], wr1, br1, wr2, br2, gr, betar)
    o_ref[...] = (h + hf + hr) * (1.0 / 3.0)


def _tc_layer(h, out_f, out_r, wf, wr):
    return pl.pallas_call(
        _layer_body,
        out_shape=jax.ShapeDtypeStruct((N_PAD, HP), _f32),
    )(h, out_f, out_r, *wf, *wr)


def _head_body(h_ref, w1, b1, w2, b2, w3, b3, o_ref):
    hh = h_ref[...][:N_NODES]
    z = jnp.maximum(
        jnp.dot(hh, w1[...], preferred_element_type=_f32) + b1[...], 0.0)
    z = jnp.maximum(
        jnp.dot(z, w2[...], preferred_element_type=_f32) + b2[...], 0.0)
    o_ref[...] = jnp.dot(z, w3[...], preferred_element_type=_f32) + b3[...]


def _tc_head(h, w1, b1, w2, b2, w3, b3):
    return pl.pallas_call(
        _head_body,
        out_shape=jax.ShapeDtypeStruct((N_NODES, 2), _f32),
    )(h, w1, b1, w2, b2, w3, b3)



def _sc_conv_body(h_hbm, ea_hbm, src_hbm, dst_hbm, of_hbm, orr_hbm,
                  accum, idx_g, idx_s, rows, eab, sem):
    c = lax.axis_index("c")
    s = lax.axis_index("s")

    rsl = pl.ds(s * ROWS_T, ROWS_T)
    pltpu.sync_copy(h_hbm.at[rsl], accum.at[rsl])

    plsc.subcore_barrier()

    blk0 = s * NBLK_T

    def group(g, carry):
        gsl = pl.ds(blk0 + g * IGRP, IGRP)

        @pl.when(c == 0)
        def _():
            pltpu.sync_copy(src_hbm.at[gsl], idx_g)
            pltpu.sync_copy(dst_hbm.at[gsl], idx_s)

        @pl.when(c != 0)
        def _():
            pltpu.sync_copy(dst_hbm.at[gsl], idx_g)
            pltpu.sync_copy(src_hbm.at[gsl], idx_s)

        def step(k, carry1):
            gcp = pltpu.async_copy(h_hbm.at[idx_g.at[k]], rows, sem)
            pltpu.sync_copy(
                ea_hbm.at[pl.ds((blk0 + g * IGRP + k) * EB, EB)], eab)
            gcp.wait()

            def row_step(r4, carry2):
                for rr in range(4):
                    for j in range(HP // LANES):
                        sl = pl.ds(j * LANES, LANES)
                        r = r4 * 4 + rr
                        rows[r, sl] = jnp.maximum(rows[r, sl] + eab[r, sl], 0.0)
                return carry2

            lax.fori_loop(0, EB // 4, row_step, 0, unroll=False)
            pltpu.sync_copy(rows, accum.at[idx_s.at[k]], add=True)
            return carry1

        lax.fori_loop(0, IGRP, step, 0, unroll=False)
        return carry

    lax.fori_loop(0, NBLK_T // IGRP, group, 0, unroll=False)

    plsc.subcore_barrier()

    @pl.when(c == 0)
    def _():
        pltpu.sync_copy(accum.at[rsl], of_hbm.at[rsl])

    @pl.when(c != 0)
    def _():
        pltpu.sync_copy(accum.at[rsl], orr_hbm.at[rsl])


def _sc_conv(h, ea, src2d, dst2d):
    mesh = plsc.VectorSubcoreMesh(core_axis_name="c", subcore_axis_name="s")
    f = pl.kernel(
        _sc_conv_body,
        out_type=(
            jax.ShapeDtypeStruct((N_PAD, HP), _f32),
            jax.ShapeDtypeStruct((N_PAD, HP), _f32),
        ),
        mesh=mesh,
        scratch_types=[
            pltpu.VMEM_SHARED((N_PAD, HP), _f32),
            pltpu.VMEM((IGRP, EB), jnp.int32),
            pltpu.VMEM((IGRP, EB), jnp.int32),
            pltpu.VMEM((EB, HP), _f32),
            pltpu.VMEM((EB, HP), _f32),
            pltpu.SemaphoreType.DMA,
        ],
    )
    return f(h, ea, src2d, dst2d)



def kernel(x, edge_index, edge_attr, params):
    p = params
    epad = E_PAD - N_EDGES
    src2d = jnp.concatenate(
        [edge_index[0], jnp.full((epad,), DUMMY, jnp.int32)]).reshape(NBLK, EB)
    dst2d = jnp.concatenate(
        [edge_index[1], jnp.full((epad,), DUMMY, jnp.int32)]).reshape(NBLK, EB)
    x_pad = jnp.pad(x, ((0, N_PAD - N_NODES), (0, 0)))
    ea_pad = jnp.pad(edge_attr, ((0, epad), (0, 0)))

    node_w = jnp.pad(p['node_emb_w'], ((0, 0), (0, HP - N_HIDDEN)))
    node_b = _pad_v(p['node_emb_b'])
    edge_w = jnp.pad(p['edge_emb_w'], ((0, 0), (0, HP - N_HIDDEN)))
    edge_b = _pad_v(p['edge_emb_b'])

    h = _embed_nodes(x_pad, node_w, node_b)
    ea = _embed_edges(ea_pad, edge_w, edge_b)

    for i in range(2):
        out_f, out_r = _sc_conv(h, ea, src2d, dst2d)
        wf = (_pad_w(p[f'conv_f{i}_w1']), _pad_v(p[f'conv_f{i}_b1']),
              _pad_w(p[f'conv_f{i}_w2']), _pad_v(p[f'conv_f{i}_b2']),
              _pad_v(p[f'bn_f{i}_g']), _pad_v(p[f'bn_f{i}_b']))
        wr = (_pad_w(p[f'conv_r{i}_w1']), _pad_v(p[f'conv_r{i}_b1']),
              _pad_w(p[f'conv_r{i}_w2']), _pad_v(p[f'conv_r{i}_b2']),
              _pad_v(p[f'bn_r{i}_g']), _pad_v(p[f'bn_r{i}_b']))
        h = _tc_layer(h, out_f, out_r, wf, wr)

    w1 = jnp.pad(p['mlp_w1'], ((0, HP - N_HIDDEN), (0, 0)))
    out = _tc_head(h, w1, p['mlp_b1'].reshape(1, -1),
                   p['mlp_w2'], p['mlp_b2'].reshape(1, -1),
                   p['mlp_w3'], p['mlp_b3'].reshape(1, -1))
    return out

# --- scband reference (transcript-rebuilt; emitter-appended) ---
"""Pipeline reference for scband-gine-8160437862721 (READ-ONLY COPY).

The authoritative reference and input builder live on the scoring server;
editing this copy changes nothing except your own understanding.
"""

import jax, jax.numpy as jnp
import numpy as np

N_NODES = 10000
N_EDGES = 320000
NUM_FEATURES = 128
EDGE_DIM = 16
N_HIDDEN = 100
NUM_LAYERS = 2
N_CLASSES = 2


def _init_params(key):
    keys = jax.random.split(key, 40)
    idx = [0]
    def nk():
        k = keys[idx[0]]
        idx[0] += 1
        return k
    def lin(din, dout):
        return jax.random.normal(nk(), (din, dout), dtype=jnp.float32) * 0.05
    p = {}
    p['node_emb_w'] = lin(NUM_FEATURES, N_HIDDEN)
    p['node_emb_b'] = jnp.zeros((N_HIDDEN,), jnp.float32)
    p['edge_emb_w'] = lin(EDGE_DIM, N_HIDDEN)
    p['edge_emb_b'] = jnp.zeros((N_HIDDEN,), jnp.float32)
    for i in range(NUM_LAYERS):
        for tag in ('f', 'r'):
            p[f'conv_{tag}{i}_w1'] = lin(N_HIDDEN, N_HIDDEN)
            p[f'conv_{tag}{i}_b1'] = jnp.zeros((N_HIDDEN,), jnp.float32)
            p[f'conv_{tag}{i}_w2'] = lin(N_HIDDEN, N_HIDDEN)
            p[f'conv_{tag}{i}_b2'] = jnp.zeros((N_HIDDEN,), jnp.float32)
            p[f'bn_{tag}{i}_g'] = jnp.ones((N_HIDDEN,), jnp.float32)
            p[f'bn_{tag}{i}_b'] = jnp.zeros((N_HIDDEN,), jnp.float32)
    p['mlp_w1'] = lin(N_HIDDEN, 50)
    p['mlp_b1'] = jnp.zeros((50,), jnp.float32)
    p['mlp_w2'] = lin(50, 25)
    p['mlp_b2'] = jnp.zeros((25,), jnp.float32)
    p['mlp_w3'] = lin(25, N_CLASSES)
    p['mlp_b3'] = jnp.zeros((N_CLASSES,), jnp.float32)
    return p


def setup_inputs(seed: int = 0):
    key = jax.random.key(seed)
    k1, k2, k3, k4 = jax.random.split(key, 4)
    x = jax.random.normal(k1, (N_NODES, NUM_FEATURES), dtype=jnp.float32)
    edge_index = jax.random.randint(k2, (2, N_EDGES), 0, N_NODES, dtype=jnp.int32)
    edge_attr = jax.random.normal(k3, (N_EDGES, EDGE_DIM), dtype=jnp.float32)
    params = _init_params(k4)
    return {'x': x, 'edge_index': edge_index, 'edge_attr': edge_attr, 'params': params}


def _forward(x, edge_attr, params, edge_index):
    src = edge_index[0]
    dst = edge_index[1]

    def gine(h, ea, s, d, w1, b1, w2, b2):
        # PyG GINEConv, eps=0: out = nn((1+eps)*x + sum_j relu(x_j + e_ij))
        msg = jax.nn.relu(h[s] + ea)
        aggr = jnp.zeros_like(h).at[d].add(msg)
        out = h + aggr
        return jax.nn.relu(out @ w1 + b1) @ w2 + b2

    def bn(h, g, b):
        # training-mode BatchNorm (batch statistics)
        mu = jnp.mean(h, axis=0)
        var = jnp.var(h, axis=0)
        return (h - mu) / jnp.sqrt(var + 1e-5) * g + b

    h = x @ params['node_emb_w'] + params['node_emb_b']
    ea = edge_attr @ params['edge_emb_w'] + params['edge_emb_b']
    for i in range(NUM_LAYERS):
        hf = jax.nn.relu(bn(gine(h, ea, src, dst,
                                 params[f'conv_f{i}_w1'], params[f'conv_f{i}_b1'],
                                 params[f'conv_f{i}_w2'], params[f'conv_f{i}_b2']),
                            params[f'bn_f{i}_g'], params[f'bn_f{i}_b']))
        # edge_index.flipud() -> swap src/dst
        hr = jax.nn.relu(bn(gine(h, ea, dst, src,
                                 params[f'conv_r{i}_w1'], params[f'conv_r{i}_b1'],
                                 params[f'conv_r{i}_w2'], params[f'conv_r{i}_b2']),
                            params[f'bn_r{i}_g'], params[f'bn_r{i}_b']))
        h = (h + hf + hr) / 3.0
    # readout == 'node'; dropout is identity in eval mode
    out = jax.nn.relu(h @ params['mlp_w1'] + params['mlp_b1'])
    out = jax.nn.relu(out @ params['mlp_w2'] + params['mlp_b2'])
    out = out @ params['mlp_w3'] + params['mlp_b3']
    return out


def reference(x, edge_index, edge_attr, params):
    return _forward(x, edge_attr, params, edge_index)

if __name__ == "__main__":
    import jax
    _d = setup_inputs()
    print(jax.jit(kernel)(*tuple(_d.values())))

</pallas_src>

<mosaic_0001>
#map = affine_map<(d0, d1) -> (0, 0)>
module attributes {stable_mosaic.version = 14 : i64} {
  func.func @_sc_conv_body(%arg0: i32, %arg1: i32, %arg2: memref<10240x128xf32, #tpu.memory_space<hbm>>, %arg3: memref<327680x128xf32, #tpu.memory_space<hbm>>, %arg4: memref<4096x80xi32, #tpu.memory_space<hbm>>, %arg5: memref<4096x80xi32, #tpu.memory_space<hbm>>, %arg6: memref<10240x128xf32, #tpu.memory_space<hbm>>, %arg7: memref<10240x128xf32, #tpu.memory_space<hbm>>, %arg8: memref<10240x128xf32, #tpu.memory_space<vmem_shared>>, %arg9: memref<8x80xi32, #tpu.memory_space<vmem>>, %arg10: memref<8x80xi32, #tpu.memory_space<vmem>>, %arg11: memref<80x128xf32, #tpu.memory_space<vmem>>, %arg12: memref<80x128xf32, #tpu.memory_space<vmem>>, %arg13: memref<!tpu.dma_semaphore, #tpu.memory_space<semaphore_mem>>) attributes {dimension_semantics = [#tpu.dimension_semantics<core_parallel>, #tpu.dimension_semantics<subcore_parallel>], iteration_bounds = array<i64: 2, 16>, scalar_prefetch = 0 : i64, scratch_operands = 6 : i64, tpu.core_type = #tpu.core_type<sc_vector_subcore>, window_params = [{transform_indices = #map}, {transform_indices = #map}, {transform_indices = #map}, {transform_indices = #map}, {transform_indices = #map}, {transform_indices = #map}]} {
    %mul3A = arith.constant 640 : i32
    %mul3A_0 = arith.muli %arg1, %mul3A : i32
    "tpu.region"() ({
      %run_scoped3A = tpu.sem_alloc : memref<!tpu.dma_semaphore, #tpu.memory_space<semaphore_mem>>
      %dma_start3A = arith.constant 0 : i32
      %dma_start3A_15 = tpu.memref_slice %arg8[%mul3A_0, %dma_start3A] : memref<10240x128xf32, #tpu.memory_space<vmem_shared>> -> memref<640x128xf32, #tpu.memory_space<vmem_shared>>
      %dma_start3A_16 = arith.constant 0 : i32
      %dma_start3A_17 = tpu.memref_slice %arg2[%mul3A_0, %dma_start3A_16] : memref<10240x128xf32, #tpu.memory_space<hbm>> -> memref<640x128xf32, #tpu.memory_space<hbm>>
      tpu.enqueue_dma source(%dma_start3A_17 : memref<640x128xf32, #tpu.memory_space<hbm>>) target(%dma_start3A_15 : memref<640x128xf32, #tpu.memory_space<vmem_shared>>) target_semaphore(%run_scoped3A : memref<!tpu.dma_semaphore, #tpu.memory_space<semaphore_mem>>)
      %dma_wait3A = arith.constant 0 : i32
      %dma_wait3A_18 = tpu.memref_slice %arg8[%mul3A_0, %dma_wait3A] : memref<10240x128xf32, #tpu.memory_space<vmem_shared>> -> memref<640x128xf32, #tpu.memory_space<vmem_shared>>
      %dma_wait3A_19 = arith.constant 0 : i32
      %dma_wait3A_20 = tpu.memref_slice %arg2[%mul3A_0, %dma_wait3A_19] : memref<10240x128xf32, #tpu.memory_space<hbm>> -> memref<640x128xf32, #tpu.memory_space<hbm>>
      tpu.wait_dma2 semaphore(%run_scoped3A : memref<!tpu.dma_semaphore, #tpu.memory_space<semaphore_mem>>) src(%dma_wait3A_20 : memref<640x128xf32, #tpu.memory_space<hbm>>) dst(%dma_wait3A_18 : memref<640x128xf32, #tpu.memory_space<vmem_shared>>)
      tpu.yield
    }) : () -> ()
    %barrier3A = arith.constant 0 : index
    tpu.barrier barrier_id(%barrier3A)
    %mul3A_1 = arith.constant 256 : i32
    %mul3A_2 = arith.muli %arg1, %mul3A_1 : i32
    %scan3A = arith.constant 0 : i32
    %scan3A_3 = arith.constant 0 : i32
    %scan3A_4 = arith.constant 32 : i32
    %scan3A_5 = arith.addi %scan3A_3, %scan3A_4 : i32
    %scan3A_6 = arith.constant 1 : i32
    scf.for %scan3A_15 = %scan3A_3 to %scan3A_5 step %scan3A_6  : i32 {
      %mul3A_16 = arith.constant 8 : i32
      %mul3A_17 = arith.muli %scan3A_15, %mul3A_16 : i32
      %add3A = arith.addi %mul3A_2, %mul3A_17 : i32
      %eq3A_18 = arith.constant 0 : i32
      %eq3A_19 = arith.cmpi eq, %arg0, %eq3A_18 : i32
      %convert_element_type3A_20 = arith.extui %eq3A_19 : i1 to i32
      %cond3A_21 = arith.constant 0 : i32
      %cond3A_22 = arith.cmpi ne, %convert_element_type3A_20, %cond3A_21 : i32
      scf.if %cond3A_22 {
        "tpu.region"() ({
          %run_scoped3A = tpu.sem_alloc : memref<!tpu.dma_semaphore, #tpu.memory_space<semaphore_mem>>
          %dma_start3A = arith.constant 0 : i32
          %dma_start3A_34 = tpu.memref_slice %arg4[%add3A, %dma_start3A] : memref<4096x80xi32, #tpu.memory_space<hbm>> -> memref<8x80xi32, #tpu.memory_space<hbm>>
          %dma_start3A_35 = arith.constant 0 : i32
          %dma_start3A_36 = tpu.memref_slice %arg4[%add3A, %dma_start3A_35] : memref<4096x80xi32, #tpu.memory_space<hbm>> -> memref<8x80xi32, #tpu.memory_space<hbm>>
          tpu.enqueue_dma source(%dma_start3A_36 : memref<8x80xi32, #tpu.memory_space<hbm>>) target(%arg9 : memref<8x80xi32, #tpu.memory_space<vmem>>) target_semaphore(%run_scoped3A : memref<!tpu.dma_semaphore, #tpu.memory_space<semaphore_mem>>)
          %dma_wait3A = arith.constant 0 : i32
          %dma_wait3A_37 = tpu.memref_slice %arg4[%add3A, %dma_wait3A] : memref<4096x80xi32, #tpu.memory_space<hbm>> -> memref<8x80xi32, #tpu.memory_space<hbm>>
          %dma_wait3A_38 = arith.constant 0 : i32
          %dma_wait3A_39 = tpu.memref_slice %arg4[%add3A, %dma_wait3A_38] : memref<4096x80xi32, #tpu.memory_space<hbm>> -> memref<8x80xi32, #tpu.memory_space<hbm>>
          tpu.wait_dma2 semaphore(%run_scoped3A : memref<!tpu.dma_semaphore, #tpu.memory_space<semaphore_mem>>) src(%dma_wait3A_39 : memref<8x80xi32, #tpu.memory_space<hbm>>) dst(%arg9 : memref<8x80xi32, #tpu.memory_space<vmem>>)
          tpu.yield
        }) : () -> ()
        "tpu.region"() ({
          %run_scoped3A = tpu.sem_alloc : memref<!tpu.dma_semaphore, #tpu.memory_space<semaphore_mem>>
          %dma_start3A = arith.constant 0 : i32
          %dma_start3A_34 = tpu.memref_slice %arg5[%add3A, %dma_start3A] : memref<4096x80xi32, #tpu.memory_space<hbm>> -> memref<8x80xi32, #tpu.memory_space<hbm>>
          %dma_start3A_35 = arith.constant 0 : i32
          %dma_start3A_36 = tpu.memref_slice %arg5[%add3A, %dma_start3A_35] : memref<4096x80xi32, #tpu.memory_space<hbm>> -> memref<8x80xi32, #tpu.memory_space<hbm>>
          tpu.enqueue_dma source(%dma_start3A_36 : memref<8x80xi32, #tpu.memory_space<hbm>>) target(%arg10 : memref<8x80xi32, #tpu.memory_space<vmem>>) target_semaphore(%run_scoped3A : memref<!tpu.dma_semaphore, #tpu.memory_space<semaphore_mem>>)
          %dma_wait3A = arith.constant 0 : i32
          %dma_wait3A_37 = tpu.memref_slice %arg5[%add3A, %dma_wait3A] : memref<4096x80xi32, #tpu.memory_space<hbm>> -> memref<8x80xi32, #tpu.memory_space<hbm>>
          %dma_wait3A_38 = arith.constant 0 : i32
          %dma_wait3A_39 = tpu.memref_slice %arg5[%add3A, %dma_wait3A_38] : memref<4096x80xi32, #tpu.memory_space<hbm>> -> memref<8x80xi32, #tpu.memory_space<hbm>>
          tpu.wait_dma2 semaphore(%run_scoped3A : memref<!tpu.dma_semaphore, #tpu.memory_space<semaphore_mem>>) src(%dma_wait3A_39 : memref<8x80xi32, #tpu.memory_space<hbm>>) dst(%arg10 : memref<8x80xi32, #tpu.memory_space<vmem>>)
          tpu.yield
        }) : () -> ()
      } else {
      }
      %ne3A_23 = arith.constant 0 : i32
      %ne3A_24 = arith.cmpi ne, %arg0, %ne3A_23 : i32
      %convert_element_type3A_25 = arith.extui %ne3A_24 : i1 to i32
      %cond3A_26 = arith.constant 0 : i32
      %cond3A_27 = arith.cmpi ne, %convert_element_type3A_25, %cond3A_26 : i32
      scf.if %cond3A_27 {
        "tpu.region"() ({
          %run_scoped3A = tpu.sem_alloc : memref<!tpu.dma_semaphore, #tpu.memory_space<semaphore_mem>>
          %dma_start3A = arith.constant 0 : i32
          %dma_start3A_34 = tpu.memref_slice %arg5[%add3A, %dma_start3A] : memref<4096x80xi32, #tpu.memory_space<hbm>> -> memref<8x80xi32, #tpu.memory_space<hbm>>
          %dma_start3A_35 = arith.constant 0 : i32
          %dma_start3A_36 = tpu.memref_slice %arg5[%add3A, %dma_start3A_35] : memref<4096x80xi32, #tpu.memory_space<hbm>> -> memref<8x80xi32, #tpu.memory_space<hbm>>
          tpu.enqueue_dma source(%dma_start3A_36 : memref<8x80xi32, #tpu.memory_space<hbm>>) target(%arg9 : memref<8x80xi32, #tpu.memory_space<vmem>>) target_semaphore(%run_scoped3A : memref<!tpu.dma_semaphore, #tpu.memory_space<semaphore_mem>>)
          %dma_wait3A = arith.constant 0 : i32
          %dma_wait3A_37 = tpu.memref_slice %arg5[%add3A, %dma_wait3A] : memref<4096x80xi32, #tpu.memory_space<hbm>> -> memref<8x80xi32, #tpu.memory_space<hbm>>
          %dma_wait3A_38 = arith.constant 0 : i32
          %dma_wait3A_39 = tpu.memref_slice %arg5[%add3A, %dma_wait3A_38] : memref<4096x80xi32, #tpu.memory_space<hbm>> -> memref<8x80xi32, #tpu.memory_space<hbm>>
          tpu.wait_dma2 semaphore(%run_scoped3A : memref<!tpu.dma_semaphore, #tpu.memory_space<semaphore_mem>>) src(%dma_wait3A_39 : memref<8x80xi32, #tpu.memory_space<hbm>>) dst(%arg9 : memref<8x80xi32, #tpu.memory_space<vmem>>)
          tpu.yield
        }) : () -> ()
        "tpu.region"() ({
          %run_scoped3A = tpu.sem_alloc : memref<!tpu.dma_semaphore, #tpu.memory_space<semaphore_mem>>
          %dma_start3A = arith.constant 0 : i32
          %dma_start3A_34 = tpu.memref_slice %arg4[%add3A, %dma_start3A] : memref<4096x80xi32, #tpu.memory_space<hbm>> -> memref<8x80xi32, #tpu.memory_space<hbm>>
          %dma_start3A_35 = arith.constant 0 : i32
          %dma_start3A_36 = tpu.memref_slice %arg4[%add3A, %dma_start3A_35] : memref<4096x80xi32, #tpu.memory_space<hbm>> -> memref<8x80xi32, #tpu.memory_space<hbm>>
          tpu.enqueue_dma source(%dma_start3A_36 : memref<8x80xi32, #tpu.memory_space<hbm>>) target(%arg10 : memref<8x80xi32, #tpu.memory_space<vmem>>) target_semaphore(%run_scoped3A : memref<!tpu.dma_semaphore, #tpu.memory_space<semaphore_mem>>)
          %dma_wait3A = arith.constant 0 : i32
          %dma_wait3A_37 = tpu.memref_slice %arg4[%add3A, %dma_wait3A] : memref<4096x80xi32, #tpu.memory_space<hbm>> -> memref<8x80xi32, #tpu.memory_space<hbm>>
          %dma_wait3A_38 = arith.constant 0 : i32
          %dma_wait3A_39 = tpu.memref_slice %arg4[%add3A, %dma_wait3A_38] : memref<4096x80xi32, #tpu.memory_space<hbm>> -> memref<8x80xi32, #tpu.memory_space<hbm>>
          tpu.wait_dma2 semaphore(%run_scoped3A : memref<!tpu.dma_semaphore, #tpu.memory_space<semaphore_mem>>) src(%dma_wait3A_39 : memref<8x80xi32, #tpu.memory_space<hbm>>) dst(%arg10 : memref<8x80xi32, #tpu.memory_space<vmem>>)
          tpu.yield
        }) : () -> ()
      } else {
      }
      %scan3A_28 = arith.constant 0 : i32
      %scan3A_29 = arith.constant 0 : i32
      %scan3A_30 = arith.constant 8 : i32
      %scan3A_31 = arith.addi %scan3A_29, %scan3A_30 : i32
      %scan3A_32 = arith.constant 1 : i32
      scf.for %scan3A_34 = %scan3A_29 to %scan3A_31 step %scan3A_32  : i32 {
        %dma_start3A = arith.constant 0 : i32
        %dma_start3A_35 = tpu.memref_slice %arg9[%scan3A_34, %dma_start3A] : memref<8x80xi32, #tpu.memory_space<vmem>> -> memref<1x80xi32, #tpu.memory_space<vmem>>
        %dma_start3A_36 = tpu.memref_squeeze %dma_start3A_35 : memref<1x80xi32, #tpu.memory_space<vmem>> -> memref<80xi32, #tpu.memory_space<vmem>>
        %dma_start3A_37 = arith.constant 0 : i32
        %dma_start3A_38 = arith.constant 0 : i32
        %dma_start3A_39 = tpu.memref_slice %arg2[%dma_start3A_37, %dma_start3A_38] : memref<10240x128xf32, #tpu.memory_space<hbm>> -> memref<10240x128xf32, #tpu.memory_space<hbm>>
        tpu.enqueue_indirect_dma source(%dma_start3A_39 : memref<10240x128xf32, #tpu.memory_space<hbm>>) target(%arg11 : memref<80x128xf32, #tpu.memory_space<vmem>>) offsets(%dma_start3A_36 : memref<80xi32, #tpu.memory_space<vmem>>) semaphore(%arg13 : memref<!tpu.dma_semaphore, #tpu.memory_space<semaphore_mem>>)
        %mul3A_40 = arith.constant 8 : i32
        %mul3A_41 = arith.muli %scan3A_15, %mul3A_40 : i32
        %add3A_42 = arith.addi %mul3A_2, %mul3A_41 : i32
        %add3A_43 = arith.addi %add3A_42, %scan3A_34 : i32
        %mul3A_44 = arith.constant 80 : i32
        %mul3A_45 = arith.muli %add3A_43, %mul3A_44 : i32
        "tpu.region"() ({
          %run_scoped3A = tpu.sem_alloc : memref<!tpu.dma_semaphore, #tpu.memory_space<semaphore_mem>>
          %dma_start3A_57 = arith.constant 0 : i32
          %dma_start3A_58 = tpu.memref_slice %arg3[%mul3A_45, %dma_start3A_57] : memref<327680x128xf32, #tpu.memory_space<hbm>> -> memref<80x128xf32, #tpu.memory_space<hbm>>
          %dma_start3A_59 = arith.constant 0 : i32
          %dma_start3A_60 = tpu.memref_slice %arg3[%mul3A_45, %dma_start3A_59] : memref<327680x128xf32, #tpu.memory_space<hbm>> -> memref<80x128xf32, #tpu.memory_space<hbm>>
          tpu.enqueue_dma source(%dma_start3A_60 : memref<80x128xf32, #tpu.memory_space<hbm>>) target(%arg12 : memref<80x128xf32, #tpu.memory_space<vmem>>) target_semaphore(%run_scoped3A : memref<!tpu.dma_semaphore, #tpu.memory_space<semaphore_mem>>)
          %dma_wait3A_61 = arith.constant 0 : i32
          %dma_wait3A_62 = tpu.memref_slice %arg3[%mul3A_45, %dma_wait3A_61] : memref<327680x128xf32, #tpu.memory_space<hbm>> -> memref<80x128xf32, #tpu.memory_space<hbm>>
          %dma_wait3A_63 = arith.constant 0 : i32
          %dma_wait3A_64 = tpu.memref_slice %arg3[%mul3A_45, %dma_wait3A_63] : memref<327680x128xf32, #tpu.memory_space<hbm>> -> memref<80x128xf32, #tpu.memory_space<hbm>>
          tpu.wait_dma2 semaphore(%run_scoped3A : memref<!tpu.dma_semaphore, #tpu.memory_space<semaphore_mem>>) src(%dma_wait3A_64 : memref<80x128xf32, #tpu.memory_space<hbm>>) dst(%arg12 : memref<80x128xf32, #tpu.memory_space<vmem>>)
          tpu.yield
        }) : () -> ()
        %dma_wait3A = arith.constant 0 : i32
        %dma_wait3A_46 = tpu.memref_slice %arg9[%scan3A_34, %dma_wait3A] : memref<8x80xi32, #tpu.memory_space<vmem>> -> memref<1x80xi32, #tpu.memory_space<vmem>>
        %dma_wait3A_47 = tpu.memref_squeeze %dma_wait3A_46 : memref<1x80xi32, #tpu.memory_space<vmem>> -> memref<80xi32, #tpu.memory_space<vmem>>
        %dma_wait3A_48 = arith.constant 0 : i32
        %dma_wait3A_49 = arith.constant 0 : i32
        %dma_wait3A_50 = tpu.memref_slice %arg2[%dma_wait3A_48, %dma_wait3A_49] : memref<10240x128xf32, #tpu.memory_space<hbm>> -> memref<10240x128xf32, #tpu.memory_space<hbm>>
        tpu.wait_indirect_dma semaphore(%arg13 : memref<!tpu.dma_semaphore, #tpu.memory_space<semaphore_mem>>) src(%dma_wait3A_50 : memref<10240x128xf32, #tpu.memory_space<hbm>>) dst(%arg11 : memref<80x128xf32, #tpu.memory_space<vmem>>)
        %scan3A_51 = arith.constant 0 : i32
        %scan3A_52 = arith.constant 0 : i32
        %scan3A_53 = arith.constant 20 : i32
        %scan3A_54 = arith.addi %scan3A_52, %scan3A_53 : i32
        %scan3A_55 = arith.constant 1 : i32
        scf.for %scan3A_57 = %scan3A_52 to %scan3A_54 step %scan3A_55  : i32 {
          %mul3A_58 = arith.constant 4 : i32
          %mul3A_59 = arith.muli %scan3A_57, %mul3A_58 : i32
          %add3A_60 = arith.constant 0 : i32
          %add3A_61 = arith.addi %mul3A_59, %add3A_60 : i32
          %get3A = arith.index_cast %add3A_61 : i32 to index
          %get3A_62 = arith.constant 0 : index
          %get3A_63 = tpu.vector_load %arg11[%get3A, %get3A_62] {strides = array<i32>} : memref<80x128xf32, #tpu.memory_space<vmem>>, vector<1x16xf32>,
          %get3A_64 = vector.shape_cast %get3A_63 : vector<1x16xf32> to vector<16xf32>
          %get3A_65 = arith.index_cast %add3A_61 : i32 to index
          %get3A_66 = arith.constant 0 : index
          %get3A_67 = tpu.vector_load %arg12[%get3A_65, %get3A_66] {strides = array<i32>} : memref<80x128xf32, #tpu.memory_space<vmem>>, vector<1x16xf32>,
          %get3A_68 = vector.shape_cast %get3A_67 : vector<1x16xf32> to vector<16xf32>
          %add3A_69 = arith.addf %get3A_64, %get3A_68 : vector<16xf32>
          %max3A = arith.constant 0.000000e+00 : f32
          %max3A_70 = vector.broadcast %max3A : f32 to vector<16xf32>
          %max3A_71 = arith.maximumf %add3A_69, %max3A_70 : vector<16xf32>
          %swap3A = arith.index_cast %add3A_61 : i32 to index
          %swap3A_72 = arith.constant 0 : index
          %swap3A_73 = tpu.vector_load %arg11[%swap3A, %swap3A_72] {strides = array<i32>} : memref<80x128xf32, #tpu.memory_space<vmem>>, vector<1x16xf32>,
          %swap3A_74 = vector.shape_cast %swap3A_73 : vector<1x16xf32> to vector<16xf32>
          %swap3A_75 = vector.shape_cast %max3A_71 : vector<16xf32> to vector<1x16xf32>
          tpu.vector_store %arg11[%swap3A, %swap3A_72], %swap3A_75 {strides = array<i32>} : memref<80x128xf32, #tpu.memory_space<vmem>>, vector<1x16xf32>,
          %mul3A_76 = arith.constant 4 : i32
          %mul3A_77 = arith.muli %scan3A_57, %mul3A_76 : i32
          %add3A_78 = arith.constant 0 : i32
          %add3A_79 = arith.addi %mul3A_77, %add3A_78 : i32
          %get3A_80 = arith.index_cast %add3A_79 : i32 to index
          %get3A_81 = arith.constant 16 : index
          %get3A_82 = tpu.vector_load %arg11[%get3A_80, %get3A_81] {strides = array<i32>} : memref<80x128xf32, #tpu.memory_space<vmem>>, vector<1x16xf32>,
          %get3A_83 = vector.shape_cast %get3A_82 : vector<1x16xf32> to vector<16xf32>
          %get3A_84 = arith.index_cast %add3A_79 : i32 to index
          %get3A_85 = arith.constant 16 : index
          %get3A_86 = tpu.vector_load %arg12[%get3A_84, %get3A_85] {strides = array<i32>} : memref<80x128xf32, #tpu.memory_space<vmem>>, vector<1x16xf32>,
          %get3A_87 = vector.shape_cast %get3A_86 : vector<1x16xf32> to vector<16xf32>
          %add3A_88 = arith.addf %get3A_83, %get3A_87 : vector<16xf32>
          %max3A_89 = arith.constant 0.000000e+00 : f32
          %max3A_90 = vector.broadcast %max3A_89 : f32 to vector<16xf32>
          %max3A_91 = arith.maximumf %add3A_88, %max3A_90 : vector<16xf32>
          %swap3A_92 = arith.index_cast %add3A_79 : i32 to index
          %swap3A_93 = arith.constant 16 : index
          %swap3A_94 = tpu.vector_load %arg11[%swap3A_92, %swap3A_93] {strides = array<i32>} : memref<80x128xf32, #tpu.memory_space<vmem>>, vector<1x16xf32>,
          %swap3A_95 = vector.shape_cast %swap3A_94 : vector<1x16xf32> to vector<16xf32>
          %swap3A_96 = vector.shape_cast %max3A_91 : vector<16xf32> to vector<1x16xf32>
          tpu.vector_store %arg11[%swap3A_92, %swap3A_93], %swap3A_96 {strides = array<i32>} : memref<80x128xf32, #tpu.memory_space<vmem>>, vector<1x16xf32>,
          %mul3A_97 = arith.constant 4 : i32
          %mul3A_98 = arith.muli %scan3A_57, %mul3A_97 : i32
          %add3A_99 = arith.constant 0 : i32
          %add3A_100 = arith.addi %mul3A_98, %add3A_99 : i32
          %get3A_101 = arith.index_cast %add3A_100 : i32 to index
          %get3A_102 = arith.constant 32 : index
          %get3A_103 = tpu.vector_load %arg11[%get3A_101, %get3A_102] {strides = array<i32>} : memref<80x128xf32, #tpu.memory_space<vmem>>, vector<1x16xf32>,
          %get3A_104 = vector.shape_cast %get3A_103 : vector<1x16xf32> to vector<16xf32>
          %get3A_105 = arith.index_cast %add3A_100 : i32 to index
          %get3A_106 = arith.constant 32 : index
          %get3A_107 = tpu.vector_load %arg12[%get3A_105, %get3A_106] {strides = array<i32>} : memref<80x128xf32, #tpu.memory_space<vmem>>, vector<1x16xf32>,
          %get3A_108 = vector.shape_cast %get3A_107 : vector<1x16xf32> to vector<16xf32>
          %add3A_109 = arith.addf %get3A_104, %get3A_108 : vector<16xf32>
          %max3A_110 = arith.constant 0.000000e+00 : f32
          %max3A_111 = vector.broadcast %max3A_110 : f32 to vector<16xf32>
          %max3A_112 = arith.maximumf %add3A_109, %max3A_111 : vector<16xf32>
          %swap3A_113 = arith.index_cast %add3A_100 : i32 to index
          %swap3A_114 = arith.constant 32 : index
          %swap3A_115 = tpu.vector_load %arg11[%swap3A_113, %swap3A_114] {strides = array<i32>} : memref<80x128xf32, #tpu.memory_space<vmem>>, vector<1x16xf32>,
          %swap3A_116 = vector.shape_cast %swap3A_115 : vector<1x16xf32> to vector<16xf32>
          %swap3A_117 = vector.shape_cast %max3A_112 : vector<16xf32> to vector<1x16xf32>
          tpu.vector_store %arg11[%swap3A_113, %swap3A_114], %swap3A_117 {strides = array<i32>} : memref<80x128xf32, #tpu.memory_space<vmem>>, vector<1x16xf32>,
          %mul3A_118 = arith.constant 4 : i32
          %mul3A_119 = arith.muli %scan3A_57, %mul3A_118 : i32
          %add3A_120 = arith.constant 0 : i32
          %add3A_121 = arith.addi %mul3A_119, %add3A_120 : i32
          %get3A_122 = arith.index_cast %add3A_121 : i32 to index
          %get3A_123 = arith.constant 48 : index
          %get3A_124 = tpu.vector_load %arg11[%get3A_122, %get3A_123] {strides = array<i32>} : memref<80x128xf32, #tpu.memory_space<vmem>>, vector<1x16xf32>,
          %get3A_125 = vector.shape_cast %get3A_124 : vector<1x16xf32> to vector<16xf32>
          %get3A_126 = arith.index_cast %add3A_121 : i32 to index
          %get3A_127 = arith.constant 48 : index
          %get3A_128 = tpu.vector_load %arg12[%get3A_126, %get3A_127] {strides = array<i32>} : memref<80x128xf32, #tpu.memory_space<vmem>>, vector<1x16xf32>,
          %get3A_129 = vector.shape_cast %get3A_128 : vector<1x16xf32> to vector<16xf32>
          %add3A_130 = arith.addf %get3A_125, %get3A_129 : vector<16xf32>
          %max3A_131 = arith.constant 0.000000e+00 : f32
          %max3A_132 = vector.broadcast %max3A_131 : f32 to vector<16xf32>
          %max3A_133 = arith.maximumf %add3A_130, %max3A_132 : vector<16xf32>
          %swap3A_134 = arith.index_cast %add3A_121 : i32 to index
          %swap3A_135 = arith.constant 48 : index
          %swap3A_136 = tpu.vector_load %arg11[%swap3A_134, %swap3A_135] {strides = array<i32>} : memref<80x128xf32, #tpu.memory_space<vmem>>, vector<1x16xf32>,
          %swap3A_137 = vector.shape_cast %swap3A_136 : vector<1x16xf32> to vector<16xf32>
          %swap3A_138 = vector.shape_cast %max3A_133 : vector<16xf32> to vector<1x16xf32>
          tpu.vector_store %arg11[%swap3A_134, %swap3A_135], %swap3A_138 {strides = array<i32>} : memref<80x128xf32, #tpu.memory_space<vmem>>, vector<1x16xf32>,
          %mul3A_139 = arith.constant 4 : i32
          %mul3A_140 = arith.muli %scan3A_57, %mul3A_139 : i32
          %add3A_141 = arith.constant 0 : i32
          %add3A_142 = arith.addi %mul3A_140, %add3A_141 : i32
          %get3A_143 = arith.index_cast %add3A_142 : i32 to index
          %get3A_144 = arith.constant 64 : index
          %get3A_145 = tpu.vector_load %arg11[%get3A_143, %get3A_144] {strides = array<i32>} : memref<80x128xf32, #tpu.memory_space<vmem>>, vector<1x16xf32>,
          %get3A_146 = vector.shape_cast %get3A_145 : vector<1x16xf32> to vector<16xf32>
          %get3A_147 = arith.index_cast %add3A_142 : i32 to index
          %get3A_148 = arith.constant 64 : index
          %get3A_149 = tpu.vector_load %arg12[%get3A_147, %get3A_148] {strides = array<i32>} : memref<80x128xf32, #tpu.memory_space<vmem>>, vector<1x16xf32>,
          %get3A_150 = vector.shape_cast %get3A_149 : vector<1x16xf32> to vector<16xf32>
          %add3A_151 = arith.addf %get3A_146, %get3A_150 : vector<16xf32>
          %max3A_152 = arith.constant 0.000000e+00 : f32
          %max3A_153 = vector.broadcast %max3A_152 : f32 to vector<16xf32>
          %max3A_154 = arith.maximumf %add3A_151, %max3A_153 : vector<16xf32>
          %swap3A_155 = arith.index_cast %add3A_142 : i32 to index
          %swap3A_156 = arith.constant 64 : index
          %swap3A_157 = tpu.vector_load %arg11[%swap3A_155, %swap3A_156] {strides = array<i32>} : memref<80x128xf32, #tpu.memory_space<vmem>>, vector<1x16xf32>,
          %swap3A_158 = vector.shape_cast %swap3A_157 : vector<1x16xf32> to vector<16xf32>
          %swap3A_159 = vector.shape_cast %max3A_154 : vector<16xf32> to vector<1x16xf32>
          tpu.vector_store %arg11[%swap3A_155, %swap3A_156], %swap3A_159 {strides = array<i32>} : memref<80x128xf32, #tpu.memory_space<vmem>>, vector<1x16xf32>,
          %mul3A_160 = arith.constant 4 : i32
          %mul3A_161 = arith.muli %scan3A_57, %mul3A_160 : i32
          %add3A_162 = arith.constant 0 : i32
          %add3A_163 = arith.addi %mul3A_161, %add3A_162 : i32
          %get3A_164 = arith.index_cast %add3A_163 : i32 to index
          %get3A_165 = arith.constant 80 : index
          %get3A_166 = tpu.vector_load %arg11[%get3A_164, %get3A_165] {strides = array<i32>} : memref<80x128xf32, #tpu.memory_space<vmem>>, vector<1x16xf32>,
          %get3A_167 = vector.shape_cast %get3A_166 : vector<1x16xf32> to vector<16xf32>
          %get3A_168 = arith.index_cast %add3A_163 : i32 to index
          %get3A_169 = arith.constant 80 : index
          %get3A_170 = tpu.vector_load %arg12[%get3A_168, %get3A_169] {strides = array<i32>} : memref<80x128xf32, #tpu.memory_space<vmem>>, vector<1x16xf32>,
          %get3A_171 = vector.shape_cast %get3A_170 : vector<1x16xf32> to vector<16xf32>
          %add3A_172 = arith.addf %get3A_167, %get3A_171 : vector<16xf32>
          %max3A_173 = arith.constant 0.000000e+00 : f32
          %max3A_174 = vector.broadcast %max3A_173 : f32 to vector<16xf32>
          %max3A_175 = arith.maximumf %add3A_172, %max3A_174 : vector<16xf32>
          %swap3A_176 = arith.index_cast %add3A_163 : i32 to index
          %swap3A_177 = arith.constant 80 : index
          %swap3A_178 = tpu.vector_load %arg11[%swap3A_176, %swap3A_177] {strides = array<i32>} : memref<80x128xf32, #tpu.memory_space<vmem>>, vector<1x16xf32>,
          %swap3A_179 = vector.shape_cast %swap3A_178 : vector<1x16xf32> to vector<16xf32>
          %swap3A_180 = vector.shape_cast %max3A_175 : vector<16xf32> to vector<1x16xf32>
          tpu.vector_store %arg11[%swap3A_176, %swap3A_177], %swap3A_180 {strides = array<i32>} : memref<80x128xf32, #tpu.memory_space<vmem>>, vector<1x16xf32>,
          %mul3A_181 = arith.constant 4 : i32
          %mul3A_182 = arith.muli %scan3A_57, %mul3A_181 : i32
          %add3A_183 = arith.constant 0 : i32
          %add3A_184 = arith.addi %mul3A_182, %add3A_183 : i32
          %get3A_185 = arith.index_cast %add3A_184 : i32 to index
          %get3A_186 = arith.constant 96 : index
          %get3A_187 = tpu.vector_load %arg11[%get3A_185, %get3A_186] {strides = array<i32>} : memref<80x128xf32, #tpu.memory_space<vmem>>, vector<1x16xf32>,
          %get3A_188 = vector.shape_cast %get3A_187 : vector<1x16xf32> to vector<16xf32>
          %get3A_189 = arith.index_cast %add3A_184 : i32 to index
          %get3A_190 = arith.constant 96 : index
          %get3A_191 = tpu.vector_load %arg12[%get3A_189, %get3A_190] {strides = array<i32>} : memref<80x128xf32, #tpu.memory_space<vmem>>, vector<1x16xf32>,
          %get3A_192 = vector.shape_cast %get3A_191 : vector<1x16xf32> to vector<16xf32>
          %add3A_193 = arith.addf %get3A_188, %get3A_192 : vector<16xf32>
          %max3A_194 = arith.constant 0.000000e+00 : f32
          %max3A_195 = vector.broadcast %max3A_194 : f32 to vector<16xf32>
          %max3A_196 = arith.maximumf %add3A_193, %max3A_195 : vector<16xf32>
          %swap3A_197 = arith.index_cast %add3A_184 : i32 to index
          %swap3A_198 = arith.constant 96 : index
          %swap3A_199 = tpu.vector_load %arg11[%swap3A_197, %swap3A_198] {strides = array<i32>} : memref<80x128xf32, #tpu.memory_space<vmem>>, vector<1x16xf32>,
          %swap3A_200 = vector.shape_cast %swap3A_199 : vector<1x16xf32> to vector<16xf32>
          %swap3A_201 = vector.shape_cast %max3A_196 : vector<16xf32> to vector<1x16xf32>
          tpu.vector_store %arg11[%swap3A_197, %swap3A_198], %swap3A_201 {strides = array<i32>} : memref<80x128xf32, #tpu.memory_space<vmem>>, vector<1x16xf32>,
          %mul3A_202 = arith.constant 4 : i32
          %mul3A_203 = arith.muli %scan3A_57, %mul3A_202 : i32
          %add3A_204 = arith.constant 0 : i32
          %add3A_205 = arith.addi %mul3A_203, %add3A_204 : i32
          %get3A_206 = arith.index_cast %add3A_205 : i32 to index
          %get3A_207 = arith.constant 112 : index
          %get3A_208 = tpu.vector_load %arg11[%get3A_206, %get3A_207] {strides = array<i32>} : memref<80x128xf32, #tpu.memory_space<vmem>>, vector<1x16xf32>,
          %get3A_209 = vector.shape_cast %get3A_208 : vector<1x16xf32> to vector<16xf32>
          %get3A_210 = arith.index_cast %add3A_205 : i32 to index
          %get3A_211 = arith.constant 112 : index
          %get3A_212 = tpu.vector_load %arg12[%get3A_210, %get3A_211] {strides = array<i32>} : memref<80x128xf32, #tpu.memory_space<vmem>>, vector<1x16xf32>,
          %get3A_213 = vector.shape_cast %get3A_212 : vector<1x16xf32> to vector<16xf32>
          %add3A_214 = arith.addf %get3A_209, %get3A_213 : vector<16xf32>
          %max3A_215 = arith.constant 0.000000e+00 : f32
          %max3A_216 = vector.broadcast %max3A_215 : f32 to vector<16xf32>
          %max3A_217 = arith.maximumf %add3A_214, %max3A_216 : vector<16xf32>
          %swap3A_218 = arith.index_cast %add3A_205 : i32 to index
          %swap3A_219 = arith.constant 112 : index
          %swap3A_220 = tpu.vector_load %arg11[%swap3A_218, %swap3A_219] {strides = array<i32>} : memref<80x128xf32, #tpu.memory_space<vmem>>, vector<1x16xf32>,
          %swap3A_221 = vector.shape_cast %swap3A_220 : vector<1x16xf32> to vector<16xf32>
          %swap3A_222 = vector.shape_cast %max3A_217 : vector<16xf32> to vector<1x16xf32>
          tpu.vector_store %arg11[%swap3A_218, %swap3A_219], %swap3A_222 {strides = array<i32>} : memref<80x128xf32, #tpu.memory_space<vmem>>, vector<1x16xf32>,
          %mul3A_223 = arith.constant 4 : i32
          %mul3A_224 = arith.muli %scan3A_57, %mul3A_223 : i32
          %add3A_225 = arith.constant 1 : i32
          %add3A_226 = arith.addi %mul3A_224, %add3A_225 : i32
          %get3A_227 = arith.index_cast %add3A_226 : i32 to index
          %get3A_228 = arith.constant 0 : index
          %get3A_229 = tpu.vector_load %arg11[%get3A_227, %get3A_228] {strides = array<i32>} : memref<80x128xf32, #tpu.memory_space<vmem>>, vector<1x16xf32>,
          %get3A_230 = vector.shape_cast %get3A_229 : vector<1x16xf32> to vector<16xf32>
          %get3A_231 = arith.index_cast %add3A_226 : i32 to index
          %get3A_232 = arith.constant 0 : index
          %get3A_233 = tpu.vector_load %arg12[%get3A_231, %get3A_232] {strides = array<i32>} : memref<80x128xf32, #tpu.memory_space<vmem>>, vector<1x16xf32>,
          %get3A_234 = vector.shape_cast %get3A_233 : vector<1x16xf32> to vector<16xf32>
          %add3A_235 = arith.addf %get3A_230, %get3A_234 : vector<16xf32>
          %max3A_236 = arith.constant 0.000000e+00 : f32
          %max3A_237 = vector.broadcast %max3A_236 : f32 to vector<16xf32>
          %max3A_238 = arith.maximumf %add3A_235, %max3A_237 : vector<16xf32>
          %swap3A_239 = arith.index_cast %add3A_226 : i32 to index
          %swap3A_240 = arith.constant 0 : index
          %swap3A_241 = tpu.vector_load %arg11[%swap3A_239, %swap3A_240] {strides = array<i32>} : memref<80x128xf32, #tpu.memory_space<vmem>>, vector<1x16xf32>,
          %swap3A_242 = vector.shape_cast %swap3A_241 : vector<1x16xf32> to vector<16xf32>
          %swap3A_243 = vector.shape_cast %max3A_238 : vector<16xf32> to vector<1x16xf32>
          tpu.vector_store %arg11[%swap3A_239, %swap3A_240], %swap3A_243 {strides = array<i32>} : memref<80x128xf32, #tpu.memory_space<vmem>>, vector<1x16xf32>,
          %mul3A_244 = arith.constant 4 : i32
          %mul3A_245 = arith.muli %scan3A_57, %mul3A_244 : i32
          %add3A_246 = arith.constant 1 : i32
          %add3A_247 = arith.addi %mul3A_245, %add3A_246 : i32
          %get3A_248 = arith.index_cast %add3A_247 : i32 to index
          %get3A_249 = arith.constant 16 : index
          %get3A_250 = tpu.vector_load %arg11[%get3A_248, %get3A_249] {strides = array<i32>} : memref<80x128xf32, #tpu.memory_space<vmem>>, vector<1x16xf32>,
          %get3A_251 = vector.shape_cast %get3A_250 : vector<1x16xf32> to vector<16xf32>
          %get3A_252 = arith.index_cast %add3A_247 : i32 to index
          %get3A_253 = arith.constant 16 : index
          %get3A_254 = tpu.vector_load %arg12[%get3A_252, %get3A_253] {strides = array<i32>} : memref<80x128xf32, #tpu.memory_space<vmem>>, vector<1x16xf32>,
          %get3A_255 = vector.shape_cast %get3A_254 : vector<1x16xf32> to vector<16xf32>
          %add3A_256 = arith.addf %get3A_251, %get3A_255 : vector<16xf32>
          %max3A_257 = arith.constant 0.000000e+00 : f32
          %max3A_258 = vector.broadcast %max3A_257 : f32 to vector<16xf32>
          %max3A_259 = arith.maximumf %add3A_256, %max3A_258 : vector<16xf32>
          %swap3A_260 = arith.index_cast %add3A_247 : i32 to index
          %swap3A_261 = arith.constant 16 : index
          %swap3A_262 = tpu.vector_load %arg11[%swap3A_260, %swap3A_261] {strides = array<i32>} : memref<80x128xf32, #tpu.memory_space<vmem>>, vector<1x16xf32>,
          %swap3A_263 = vector.shape_cast %swap3A_262 : vector<1x16xf32> to vector<16xf32>
          %swap3A_264 = vector.shape_cast %max3A_259 : vector<16xf32> to vector<1x16xf32>
          tpu.vector_store %arg11[%swap3A_260, %swap3A_261], %swap3A_264 {strides = array<i32>} : memref<80x128xf32, #tpu.memory_space<vmem>>, vector<1x16xf32>,
          %mul3A_265 = arith.constant 4 : i32
          %mul3A_266 = arith.muli %scan3A_57, %mul3A_265 : i32
          %add3A_267 = arith.constant 1 : i32
          %add3A_268 = arith.addi %mul3A_266, %add3A_267 : i32
          %get3A_269 = arith.index_cast %add3A_268 : i32 to index
          %get3A_270 = arith.constant 32 : index
          %get3A_271 = tpu.vector_load %arg11[%get3A_269, %get3A_270] {strides = array<i32>} : memref<80x128xf32, #tpu.memory_space<vmem>>, vector<1x16xf32>,
          %get3A_272 = vector.shape_cast %get3A_271 : vector<1x16xf32> to vector<16xf32>
          %get3A_273 = arith.index_cast %add3A_268 : i32 to index
          %get3A_274 = arith.constant 32 : index
          %get3A_275 = tpu.vector_load %arg12[%get3A_273, %get3A_274] {strides = array<i32>} : memref<80x128xf32, #tpu.memory_space<vmem>>, vector<1x16xf32>,
          %get3A_276 = vector.shape_cast %get3A_275 : vector<1x16xf32> to vector<16xf32>
          %add3A_277 = arith.addf %get3A_272, %get3A_276 : vector<16xf32>
          %max3A_278 = arith.constant 0.000000e+00 : f32
          %max3A_279 = vector.broadcast %max3A_278 : f32 to vector<16xf32>
          %max3A_280 = arith.maximumf %add3A_277, %max3A_279 : vector<16xf32>
          %swap3A_281 = arith.index_cast %add3A_268 : i32 to index
          %swap3A_282 = arith.constant 32 : index
          %swap3A_283 = tpu.vector_load %arg11[%swap3A_281, %swap3A_282] {strides = array<i32>} : memref<80x128xf32, #tpu.memory_space<vmem>>, vector<1x16xf32>,
          %swap3A_284 = vector.shape_cast %swap3A_283 : vector<1x16xf32> to vector<16xf32>
          %swap3A_285 = vector.shape_cast %max3A_280 : vector<16xf32> to vector<1x16xf32>
          tpu.vector_store %arg11[%swap3A_281, %swap3A_282], %swap3A_285 {strides = array<i32>} : memref<80x128xf32, #tpu.memory_space<vmem>>, vector<1x16xf32>,
          %mul3A_286 = arith.constant 4 : i32
          %mul3A_287 = arith.muli %scan3A_57, %mul3A_286 : i32
          %add3A_288 = arith.constant 1 : i32
          %add3A_289 = arith.addi %mul3A_287, %add3A_288 : i32
          %get3A_290 = arith.index_cast %add3A_289 : i32 to index
          %get3A_291 = arith.constant 48 : index
          %get3A_292 = tpu.vector_load %arg11[%get3A_290, %get3A_291] {strides = array<i32>} : memref<80x128xf32, #tpu.memory_space<vmem>>, vector<1x16xf32>,
          %get3A_293 = vector.shape_cast %get3A_292 : vector<1x16xf32> to vector<16xf32>
          %get3A_294 = arith.index_cast %add3A_289 : i32 to index
          %get3A_295 = arith.constant 48 : index
          %get3A_296 = tpu.vector_load %arg12[%get3A_294, %get3A_295] {strides = array<i32>} : memref<80x128xf32, #tpu.memory_space<vmem>>, vector<1x16xf32>,
          %get3A_297 = vector.shape_cast %get3A_296 : vector<1x16xf32> to vector<16xf32>
          %add3A_298 = arith.addf %get3A_293, %get3A_297 : vector<16xf32>
          %max3A_299 = arith.constant 0.000000e+00 : f32
          %max3A_300 = vector.broadcast %max3A_299 : f32 to vector<16xf32>
          %max3A_301 = arith.maximumf %add3A_298, %max3A_300 : vector<16xf32>
          %swap3A_302 = arith.index_cast %add3A_289 : i32 to index
          %swap3A_303 = arith.constant 48 : index
          %swap3A_304 = tpu.vector_load %arg11[%swap3A_302, %swap3A_303] {strides = array<i32>} : memref<80x128xf32, #tpu.memory_space<vmem>>, vector<1x16xf32>,
          %swap3A_305 = vector.shape_cast %swap3A_304 : vector<1x16xf32> to vector<16xf32>
          %swap3A_306 = vector.shape_cast %max3A_301 : vector<16xf32> to vector<1x16xf32>
          tpu.vector_store %arg11[%swap3A_302, %swap3A_303], %swap3A_306 {strides = array<i32>} : memref<80x128xf32, #tpu.memory_space<vmem>>, vector<1x16xf32>,
          %mul3A_307 = arith.constant 4 : i32
          %mul3A_308 = arith.muli %scan3A_57, %mul3A_307 : i32
          %add3A_309 = arith.constant 1 : i32
          %add3A_310 = arith.addi %mul3A_308, %add3A_309 : i32
          %get3A_311 = arith.index_cast %add3A_310 : i32 to index
          %get3A_312 = arith.constant 64 : index
          %get3A_313 = tpu.vector_load %arg11[%get3A_311, %get3A_312] {strides = array<i32>} : memref<80x128xf32, #tpu.memory_space<vmem>>, vector<1x16xf32>,
          %get3A_314 = vector.shape_cast %get3A_313 : vector<1x16xf32> to vector<16xf32>
          %get3A_315 = arith.index_cast %add3A_310 : i32 to index
          %get3A_316 = arith.constant 64 : index
          %get3A_317 = tpu.vector_load %arg12[%get3A_315, %get3A_316] {strides = array<i32>} : memref<80x128xf32, #tpu.memory_space<vmem>>, vector<1x16xf32>,
          %get3A_318 = vector.shape_cast %get3A_317 : vector<1x16xf32> to vector<16xf32>
          %add3A_319 = arith.addf %get3A_314, %get3A_318 : vector<16xf32>
          %max3A_320 = arith.constant 0.000000e+00 : f32
          %max3A_321 = vector.broadcast %max3A_320 : f32 to vector<16xf32>
          %max3A_322 = arith.maximumf %add3A_319, %max3A_321 : vector<16xf32>
          %swap3A_323 = arith.index_cast %add3A_310 : i32 to index
          %swap3A_324 = arith.constant 64 : index
          %swap3A_325 = tpu.vector_load %arg11[%swap3A_323, %swap3A_324] {strides = array<i32>} : memref<80x128xf32, #tpu.memory_space<vmem>>, vector<1x16xf32>,
          %swap3A_326 = vector.shape_cast %swap3A_325 : vector<1x16xf32> to vector<16xf32>
          %swap3A_327 = vector.shape_cast %max3A_322 : vector<16xf32> to vector<1x16xf32>
          tpu.vector_store %arg11[%swap3A_323, %swap3A_324], %swap3A_327 {strides = array<i32>} : memref<80x128xf32, #tpu.memory_space<vmem>>, vector<1x16xf32>,
          %mul3A_328 = arith.constant 4 : i32
          %mul3A_329 = arith.muli %scan3A_57, %mul3A_328 : i32
          %add3A_330 = arith.constant 1 : i32
          %add3A_331 = arith.addi %mul3A_329, %add3A_330 : i32
          %get3A_332 = arith.index_cast %add3A_331 : i32 to index
          %get3A_333 = arith.constant 80 : index
          %get3A_334 = tpu.vector_load %arg11[%get3A_332, %get3A_333] {strides = array<i32>} : memref<80x128xf32, #tpu.memory_space<vmem>>, vector<1x16xf32>,
          %get3A_335 = vector.shape_cast %get3A_334 : vector<1x16xf32> to vector<16xf32>
          %get3A_336 = arith.index_cast %add3A_331 : i32 to index
          %get3A_337 = arith.constant 80 : index
          %get3A_338 = tpu.vector_load %arg12[%get3A_336, %get3A_337] {strides = array<i32>} : memref<80x128xf32, #tpu.memory_space<vmem>>, vector<1x16xf32>,
          %get3A_339 = vector.shape_cast %get3A_338 : vector<1x16xf32> to vector<16xf32>
          %add3A_340 = arith.addf %get3A_335, %get3A_339 : vector<16xf32>
          %max3A_341 = arith.constant 0.000000e+00 : f32
          %max3A_342 = vector.broadcast %max3A_341 : f32 to vector<16xf32>
          %max3A_343 = arith.maximumf %add3A_340, %max3A_342 : vector<16xf32>
          %swap3A_344 = arith.index_cast %add3A_331 : i32 to index
          %swap3A_345 = arith.constant 80 : index
          %swap3A_346 = tpu.vector_load %arg11[%swap3A_344, %swap3A_345] {strides = array<i32>} : memref<80x128xf32, #tpu.memory_space<vmem>>, vector<1x16xf32>,
          %swap3A_347 = vector.shape_cast %swap3A_346 : vector<1x16xf32> to vector<16xf32>
          %swap3A_348 = vector.shape_cast %max3A_343 : vector<16xf32> to vector<1x16xf32>
          tpu.vector_store %arg11[%swap3A_344, %swap3A_345], %swap3A_348 {strides = array<i32>} : memref<80x128xf32, #tpu.memory_space<vmem>>, vector<1x16xf32>,
          %mul3A_349 = arith.constant 4 : i32
          %mul3A_350 = arith.muli %scan3A_57, %mul3A_349 : i32
          %add3A_351 = arith.constant 1 : i32
          %add3A_352 = arith.addi %mul3A_350, %add3A_351 : i32
          %get3A_353 = arith.index_cast %add3A_352 : i32 to index
          %get3A_354 = arith.constant 96 : index
          %get3A_355 = tpu.vector_load %arg11[%get3A_353, %get3A_354] {strides = array<i32>} : memref<80x128xf32, #tpu.memory_space<vmem>>, vector<1x16xf32>,
          %get3A_356 = vector.shape_cast %get3A_355 : vector<1x16xf32> to vector<16xf32>
          %get3A_357 = arith.index_cast %add3A_352 : i32 to index
          %get3A_358 = arith.constant 96 : index
          %get3A_359 = tpu.vector_load %arg12[%get3A_357, %get3A_358] {strides = array<i32>} : memref<80x128xf32, #tpu.memory_space<vmem>>, vector<1x16xf32>,
          %get3A_360 = vector.shape_cast %get3A_359 : vector<1x16xf32> to vector<16xf32>
          %add3A_361 = arith.addf %get3A_356, %get3A_360 : vector<16xf32>
          %max3A_362 = arith.constant 0.000000e+00 : f32
          %max3A_363 = vector.broadcast %max3A_362 : f32 to vector<16xf32>
          %max3A_364 = arith.maximumf %add3A_361, %max3A_363 : vector<16xf32>
          %swap3A_365 = arith.index_cast %add3A_352 : i32 to index
          %swap3A_366 = arith.constant 96 : index
          %swap3A_367 = tpu.vector_load %arg11[%swap3A_365, %swap3A_366] {strides = array<i32>} : memref<80x128xf32, #tpu.memory_space<vmem>>, vector<1x16xf32>,
          %swap3A_368 = vector.shape_cast %swap3A_367 : vector<1x16xf32> to vector<16xf32>
          %swap3A_369 = vector.shape_cast %max3A_364 : vector<16xf32> to vector<1x16xf32>
          tpu.vector_store %arg11[%swap3A_365, %swap3A_366], %swap3A_369 {strides = array<i32>} : memref<80x128xf32, #tpu.memory_space<vmem>>, vector<1x16xf32>,
          %mul3A_370 = arith.constant 4 : i32
          %mul3A_371 = arith.muli %scan3A_57, %mul3A_370 : i32
          %add3A_372 = arith.constant 1 : i32
          %add3A_373 = arith.addi %mul3A_371, %add3A_372 : i32
          %get3A_374 = arith.index_cast %add3A_373 : i32 to index
          %get3A_375 = arith.constant 112 : index
          %get3A_376 = tpu.vector_load %arg11[%get3A_374, %get3A_375] {strides = array<i32>} : memref<80x128xf32, #tpu.memory_space<vmem>>, vector<1x16xf32>,
          %get3A_377 = vector.shape_cast %get3A_376 : vector<1x16xf32> to vector<16xf32>
          %get3A_378 = arith.index_cast %add3A_373 : i32 to index
          %get3A_379 = arith.constant 112 : index
          %get3A_380 = tpu.vector_load %arg12[%get3A_378, %get3A_379] {strides = array<i32>} : memref<80x128xf32, #tpu.memory_space<vmem>>, vector<1x16xf32>,
          %get3A_381 = vector.shape_cast %get3A_380 : vector<1x16xf32> to vector<16xf32>
          %add3A_382 = arith.addf %get3A_377, %get3A_381 : vector<16xf32>
          %max3A_383 = arith.constant 0.000000e+00 : f32
          %max3A_384 = vector.broadcast %max3A_383 : f32 to vector<16xf32>
          %max3A_385 = arith.maximumf %add3A_382, %max3A_384 : vector<16xf32>
          %swap3A_386 = arith.index_cast %add3A_373 : i32 to index
          %swap3A_387 = arith.constant 112 : index
          %swap3A_388 = tpu.vector_load %arg11[%swap3A_386, %swap3A_387] {strides = array<i32>} : memref<80x128xf32, #tpu.memory_space<vmem>>, vector<1x16xf32>,
          %swap3A_389 = vector.shape_cast %swap3A_388 : vector<1x16xf32> to vector<16xf32>
          %swap3A_390 = vector.shape_cast %max3A_385 : vector<16xf32> to vector<1x16xf32>
          tpu.vector_store %arg11[%swap3A_386, %swap3A_387], %swap3A_390 {strides = array<i32>} : memref<80x128xf32, #tpu.memory_space<vmem>>, vector<1x16xf32>,
          %mul3A_391 = arith.constant 4 : i32
          %mul3A_392 = arith.muli %scan3A_57, %mul3A_391 : i32
          %add3A_393 = arith.constant 2 : i32
          %add3A_394 = arith.addi %mul3A_392, %add3A_393 : i32
          %get3A_395 = arith.index_cast %add3A_394 : i32 to index
          %get3A_396 = arith.constant 0 : index
          %get3A_397 = tpu.vector_load %arg11[%get3A_395, %get3A_396] {strides = array<i32>} : memref<80x128xf32, #tpu.memory_space<vmem>>, vector<1x16xf32>,
          %get3A_398 = vector.shape_cast %get3A_397 : vector<1x16xf32> to vector<16xf32>
          %get3A_399 = arith.index_cast %add3A_394 : i32 to index
          %get3A_400 = arith.constant 0 : index
          %get3A_401 = tpu.vector_load %arg12[%get3A_399, %get3A_400] {strides = array<i32>} : memref<80x128xf32, #tpu.memory_space<vmem>>, vector<1x16xf32>,
          %get3A_402 = vector.shape_cast %get3A_401 : vector<1x16xf32> to vector<16xf32>
          %add3A_403 = arith.addf %get3A_398, %get3A_402 : vector<16xf32>
          %max3A_404 = arith.constant 0.000000e+00 : f32
          %max3A_405 = vector.broadcast %max3A_404 : f32 to vector<16xf32>
          %max3A_406 = arith.maximumf %add3A_403, %max3A_405 : vector<16xf32>
          %swap3A_407 = arith.index_cast %add3A_394 : i32 to index
          %swap3A_408 = arith.constant 0 : index
          %swap3A_409 = tpu.vector_load %arg11[%swap3A_407, %swap3A_408] {strides = array<i32>} : memref<80x128xf32, #tpu.memory_space<vmem>>, vector<1x16xf32>,
          %swap3A_410 = vector.shape_cast %swap3A_409 : vector<1x16xf32> to vector<16xf32>
          %swap3A_411 = vector.shape_cast %max3A_406 : vector<16xf32> to vector<1x16xf32>
          tpu.vector_store %arg11[%swap3A_407, %swap3A_408], %swap3A_411 {strides = array<i32>} : memref<80x128xf32, #tpu.memory_space<vmem>>, vector<1x16xf32>,
          %mul3A_412 = arith.constant 4 : i32
          %mul3A_413 = arith.muli %scan3A_57, %mul3A_412 : i32
          %add3A_414 = arith.constant 2 : i32
          %add3A_415 = arith.addi %mul3A_413, %add3A_414 : i32
          %get3A_416 = arith.index_cast %add3A_415 : i32 to index
          %get3A_417 = arith.constant 16 : index
          %get3A_418 = tpu.vector_load %arg11[%get3A_416, %get3A_417] {strides = array<i32>} : memref<80x128xf32, #tpu.memory_space<vmem>>, vector<1x16xf32>,
          %get3A_419 = vector.shape_cast %get3A_418 : vector<1x16xf32> to vector<16xf32>
          %get3A_420 = arith.index_cast %add3A_415 : i32 to index
          %get3A_421 = arith.constant 16 : index
          %get3A_422 = tpu.vector_load %arg12[%get3A_420, %get3A_421] {strides = array<i32>} : memref<80x128xf32, #tpu.memory_space<vmem>>, vector<1x16xf32>,
          %get3A_423 = vector.shape_cast %get3A_422 : vector<1x16xf32> to vector<16xf32>
          %add3A_424 = arith.addf %get3A_419, %get3A_423 : vector<16xf32>
          %max3A_425 = arith.constant 0.000000e+00 : f32
          %max3A_426 = vector.broadcast %max3A_425 : f32 to vector<16xf32>
          %max3A_427 = arith.maximumf %add3A_424, %max3A_426 : vector<16xf32>
          %swap3A_428 = arith.index_cast %add3A_415 : i32 to index
          %swap3A_429 = arith.constant 16 : index
          %swap3A_430 = tpu.vector_load %arg11[%swap3A_428, %swap3A_429] {strides = array<i32>} : memref<80x128xf32, #tpu.memory_space<vmem>>, vector<1x16xf32>,
          %swap3A_431 = vector.shape_cast %swap3A_430 : vector<1x16xf32> to vector<16xf32>
          %swap3A_432 = vector.shape_cast %max3A_427 : vector<16xf32> to vector<1x16xf32>
          tpu.vector_store %arg11[%swap3A_428, %swap3A_429], %swap3A_432 {strides = array<i32>} : memref<80x128xf32, #tpu.memory_space<vmem>>, vector<1x16xf32>,
          %mul3A_433 = arith.constant 4 : i32
          %mul3A_434 = arith.muli %scan3A_57, %mul3A_433 : i32
          %add3A_435 = arith.constant 2 : i32
          %add3A_436 = arith.addi %mul3A_434, %add3A_435 : i32
          %get3A_437 = arith.index_cast %add3A_436 : i32 to index
          %get3A_438 = arith.constant 32 : index
          %get3A_439 = tpu.vector_load %arg11[%get3A_437, %get3A_438] {strides = array<i32>} : memref<80x128xf32, #tpu.memory_space<vmem>>, vector<1x16xf32>,
          %get3A_440 = vector.shape_cast %get3A_439 : vector<1x16xf32> to vector<16xf32>
          %get3A_441 = arith.index_cast %add3A_436 : i32 to index
          %get3A_442 = arith.constant 32 : index
          %get3A_443 = tpu.vector_load %arg12[%get3A_441, %get3A_442] {strides = array<i32>} : memref<80x128xf32, #tpu.memory_space<vmem>>, vector<1x16xf32>,
          %get3A_444 = vector.shape_cast %get3A_443 : vector<1x16xf32> to vector<16xf32>
          %add3A_445 = arith.addf %get3A_440, %get3A_444 : vector<16xf32>
          %max3A_446 = arith.constant 0.000000e+00 : f32
          %max3A_447 = vector.broadcast %max3A_446 : f32 to vector<16xf32>
          %max3A_448 = arith.maximumf %add3A_445, %max3A_447 : vector<16xf32>
          %swap3A_449 = arith.index_cast %add3A_436 : i32 to index
          %swap3A_450 = arith.constant 32 : index
          %swap3A_451 = tpu.vector_load %arg11[%swap3A_449, %swap3A_450] {strides = array<i32>} : memref<80x128xf32, #tpu.memory_space<vmem>>, vector<1x16xf32>,
          %swap3A_452 = vector.shape_cast %swap3A_451 : vector<1x16xf32> to vector<16xf32>
          %swap3A_453 = vector.shape_cast %max3A_448 : vector<16xf32> to vector<1x16xf32>
          tpu.vector_store %arg11[%swap3A_449, %swap3A_450], %swap3A_453 {strides = array<i32>} : memref<80x128xf32, #tpu.memory_space<vmem>>, vector<1x16xf32>,
          %mul3A_454 = arith.constant 4 : i32
          %mul3A_455 = arith.muli %scan3A_57, %mul3A_454 : i32
          %add3A_456 = arith.constant 2 : i32
          %add3A_457 = arith.addi %mul3A_455, %add3A_456 : i32
          %get3A_458 = arith.index_cast %add3A_457 : i32 to index
          %get3A_459 = arith.constant 48 : index
          %get3A_460 = tpu.vector_load %arg11[%get3A_458, %get3A_459] {strides = array<i32>} : memref<80x128xf32, #tpu.memory_space<vmem>>, vector<1x16xf32>,
          %get3A_461 = vector.shape_cast %get3A_460 : vector<1x16xf32> to vector<16xf32>
          %get3A_462 = arith.index_cast %add3A_457 : i32 to index
          %get3A_463 = arith.constant 48 : index
          %get3A_464 = tpu.vector_load %arg12[%get3A_462, %get3A_463] {strides = array<i32>} : memref<80x128xf32, #tpu.memory_space<vmem>>, vector<1x16xf32>,
          %get3A_465 = vector.shape_cast %get3A_464 : vector<1x16xf32> to vector<16xf32>
          %add3A_466 = arith.addf %get3A_461, %get3A_465 : vector<16xf32>
          %max3A_467 = arith.constant 0.000000e+00 : f32
          %max3A_468 = vector.broadcast %max3A_467 : f32 to vector<16xf32>
          %max3A_469 = arith.maximumf %add3A_466, %max3A_468 : vector<16xf32>
          %swap3A_470 = arith.index_cast %add3A_457 : i32 to index
          %swap3A_471 = arith.constant 48 : index
          %swap3A_472 = tpu.vector_load %arg11[%swap3A_470, %swap3A_471] {strides = array<i32>} : memref<80x128xf32, #tpu.memory_space<vmem>>, vector<1x16xf32>,
          %swap3A_473 = vector.shape_cast %swap3A_472 : vector<1x16xf32> to vector<16xf32>
          %swap3A_474 = vector.shape_cast %max3A_469 : vector<16xf32> to vector<1x16xf32>
          tpu.vector_store %arg11[%swap3A_470, %swap3A_471], %swap3A_474 {strides = array<i32>} : memref<80x128xf32, #tpu.memory_space<vmem>>, vector<1x16xf32>,
          %mul3A_475 = arith.constant 4 : i32
          %mul3A_476 = arith.muli %scan3A_57, %mul3A_475 : i32
          %add3A_477 = arith.constant 2 : i32
          %add3A_478 = arith.addi %mul3A_476, %add3A_477 : i32
          %get3A_479 = arith.index_cast %add3A_478 : i32 to index
          %get3A_480 = arith.constant 64 : index
          %get3A_481 = tpu.vector_load %arg11[%get3A_479, %get3A_480] {strides = array<i32>} : memref<80x128xf32, #tpu.memory_space<vmem>>, vector<1x16xf32>,
          %get3A_482 = vector.shape_cast %get3A_481 : vector<1x16xf32> to vector<16xf32>
          %get3A_483 = arith.index_cast %add3A_478 : i32 to index
          %get3A_484 = arith.constant 64 : index
          %get3A_485 = tpu.vector_load %arg12[%get3A_483, %get3A_484] {strides = array<i32>} : memref<80x128xf32, #tpu.memory_space<vmem>>, vector<1x16xf32>,
          %get3A_486 = vector.shape_cast %get3A_485 : vector<1x16xf32> to vector<16xf32>
          %add3A_487 = arith.addf %get3A_482, %get3A_486 : vector<16xf32>
          %max3A_488 = arith.constant 0.000000e+00 : f32
          %max3A_489 = vector.broadcast %max3A_488 : f32 to vector<16xf32>
          %max3A_490 = arith.maximumf %add3A_487, %max3A_489 : vector<16xf32>
          %swap3A_491 = arith.index_cast %add3A_478 : i32 to index
          %swap3A_492 = arith.constant 64 : index
          %swap3A_493 = tpu.vector_load %arg11[%swap3A_491, %swap3A_492] {strides = array<i32>} : memref<80x128xf32, #tpu.memory_space<vmem>>, vector<1x16xf32>,
          %swap3A_494 = vector.shape_cast %swap3A_493 : vector<1x16xf32> to vector<16xf32>
          %swap3A_495 = vector.shape_cast %max3A_490 : vector<16xf32> to vector<1x16xf32>
          tpu.vector_store %arg11[%swap3A_491, %swap3A_492], %swap3A_495 {strides = array<i32>} : memref<80x128xf32, #tpu.memory_space<vmem>>, vector<1x16xf32>,
          %mul3A_496 = arith.constant 4 : i32
          %mul3A_497 = arith.muli %scan3A_57, %mul3A_496 : i32
          %add3A_498 = arith.constant 2 : i32
          %add3A_499 = arith.addi %mul3A_497, %add3A_498 : i32
          %get3A_500 = arith.index_cast %add3A_499 : i32 to index
          %get3A_501 = arith.constant 80 : index
          %get3A_502 = tpu.vector_load %arg11[%get3A_500, %get3A_501] {strides = array<i32>} : memref<80x128xf32, #tpu.memory_space<vmem>>, vector<1x16xf32>,
          %get3A_503 = vector.shape_cast %get3A_502 : vector<1x16xf32> to vector<16xf32>
          %get3A_504 = arith.index_cast %add3A_499 : i32 to index
          %get3A_505 = arith.constant 80 : index
          %get3A_506 = tpu.vector_load %arg12[%get3A_504, %get3A_505] {strides = array<i32>} : memref<80x128xf32, #tpu.memory_space<vmem>>, vector<1x16xf32>,
          %get3A_507 = vector.shape_cast %get3A_506 : vector<1x16xf32> to vector<16xf32>
          %add3A_508 = arith.addf %get3A_503, %get3A_507 : vector<16xf32>
          %max3A_509 = arith.constant 0.000000e+00 : f32
          %max3A_510 = vector.broadcast %max3A_509 : f32 to vector<16xf32>
          %max3A_511 = arith.maximumf %add3A_508, %max3A_510 : vector<16xf32>
          %swap3A_512 = arith.index_cast %add3A_499 : i32 to index
          %swap3A_513 = arith.constant 80 : index
          %swap3A_514 = tpu.vector_load %arg11[%swap3A_512, %swap3A_513] {strides = array<i32>} : memref<80x128xf32, #tpu.memory_space<vmem>>, vector<1x16xf32>,
          %swap3A_515 = vector.shape_cast %swap3A_514 : vector<1x16xf32> to vector<16xf32>
          %swap3A_516 = vector.shape_cast %max3A_511 : vector<16xf32> to vector<1x16xf32>
          tpu.vector_store %arg11[%swap3A_512, %swap3A_513], %swap3A_516 {strides = array<i32>} : memref<80x128xf32, #tpu.memory_space<vmem>>, vector<1x16xf32>,
          %mul3A_517 = arith.constant 4 : i32
          %mul3A_518 = arith.muli %scan3A_57, %mul3A_517 : i32
          %add3A_519 = arith.constant 2 : i32
          %add3A_520 = arith.addi %mul3A_518, %add3A_519 : i32
          %get3A_521 = arith.index_cast %add3A_520 : i32 to index
          %get3A_522 = arith.constant 96 : index
          %get3A_523 = tpu.vector_load %arg11[%get3A_521, %get3A_522] {strides = array<i32>} : memref<80x128xf32, #tpu.memory_space<vmem>>, vector<1x16xf32>,
          %get3A_524 = vector.shape_cast %get3A_523 : vector<1x16xf32> to vector<16xf32>
          %get3A_525 = arith.index_cast %add3A_520 : i32 to index
          %get3A_526 = arith.constant 96 : index
          %get3A_527 = tpu.vector_load %arg12[%get3A_525, %get3A_526] {strides = array<i32>} : memref<80x128xf32, #tpu.memory_space<vmem>>, vector<1x16xf32>,
          %get3A_528 = vector.shape_cast %get3A_527 : vector<1x16xf32> to vector<16xf32>
          %add3A_529 = arith.addf %get3A_524, %get3A_528 : vector<16xf32>
          %max3A_530 = arith.constant 0.000000e+00 : f32
          %max3A_531 = vector.broadcast %max3A_530 : f32 to vector<16xf32>
          %max3A_532 = arith.maximumf %add3A_529, %max3A_531 : vector<16xf32>
          %swap3A_533 = arith.index_cast %add3A_520 : i32 to index
          %swap3A_534 = arith.constant 96 : index
          %swap3A_535 = tpu.vector_load %arg11[%swap3A_533, %swap3A_534] {strides = array<i32>} : memref<80x128xf32, #tpu.memory_space<vmem>>, vector<1x16xf32>,
          %swap3A_536 = vector.shape_cast %swap3A_535 : vector<1x16xf32> to vector<16xf32>
          %swap3A_537 = vector.shape_cast %max3A_532 : vector<16xf32> to vector<1x16xf32>
          tpu.vector_store %arg11[%swap3A_533, %swap3A_534], %swap3A_537 {strides = array<i32>} : memref<80x128xf32, #tpu.memory_space<vmem>>, vector<1x16xf32>,
          %mul3A_538 = arith.constant 4 : i32
          %mul3A_539 = arith.muli %scan3A_57, %mul3A_538 : i32
          %add3A_540 = arith.constant 2 : i32
          %add3A_541 = arith.addi %mul3A_539, %add3A_540 : i32
          %get3A_542 = arith.index_cast %add3A_541 : i32 to index
          %get3A_543 = arith.constant 112 : index
          %get3A_544 = tpu.vector_load %arg11[%get3A_542, %get3A_543] {strides = array<i32>} : memref<80x128xf32, #tpu.memory_space<vmem>>, vector<1x16xf32>,
          %get3A_545 = vector.shape_cast %get3A_544 : vector<1x16xf32> to vector<16xf32>
          %get3A_546 = arith.index_cast %add3A_541 : i32 to index
          %get3A_547 = arith.constant 112 : index
          %get3A_548 = tpu.vector_load %arg12[%get3A_546, %get3A_547] {strides = array<i32>} : memref<80x128xf32, #tpu.memory_space<vmem>>, vector<1x16xf32>,
          %get3A_549 = vector.shape_cast %get3A_548 : vector<1x16xf32> to vector<16xf32>
          %add3A_550 = arith.addf %get3A_545, %get3A_549 : vector<16xf32>
          %max3A_551 = arith.constant 0.000000e+00 : f32
          %max3A_552 = vector.broadcast %max3A_551 : f32 to vector<16xf32>
          %max3A_553 = arith.maximumf %add3A_550, %max3A_552 : vector<16xf32>
          %swap3A_554 = arith.index_cast %add3A_541 : i32 to index
          %swap3A_555 = arith.constant 112 : index
          %swap3A_556 = tpu.vector_load %arg11[%swap3A_554, %swap3A_555] {strides = array<i32>} : memref<80x128xf32, #tpu.memory_space<vmem>>, vector<1x16xf32>,
          %swap3A_557 = vector.shape_cast %swap3A_556 : vector<1x16xf32> to vector<16xf32>
          %swap3A_558 = vector.shape_cast %max3A_553 : vector<16xf32> to vector<1x16xf32>
          tpu.vector_store %arg11[%swap3A_554, %swap3A_555], %swap3A_558 {strides = array<i32>} : memref<80x128xf32, #tpu.memory_space<vmem>>, vector<1x16xf32>,
          %mul3A_559 = arith.constant 4 : i32
          %mul3A_560 = arith.muli %scan3A_57, %mul3A_559 : i32
          %add3A_561 = arith.constant 3 : i32
          %add3A_562 = arith.addi %mul3A_560, %add3A_561 : i32
          %get3A_563 = arith.index_cast %add3A_562 : i32 to index
          %get3A_564 = arith.constant 0 : index
          %get3A_565 = tpu.vector_load %arg11[%get3A_563, %get3A_564] {strides = array<i32>} : memref<80x128xf32, #tpu.memory_space<vmem>>, vector<1x16xf32>,
          %get3A_566 = vector.shape_cast %get3A_565 : vector<1x16xf32> to vector<16xf32>
          %get3A_567 = arith.index_cast %add3A_562 : i32 to index
          %get3A_568 = arith.constant 0 : index
          %get3A_569 = tpu.vector_load %arg12[%get3A_567, %get3A_568] {strides = array<i32>} : memref<80x128xf32, #tpu.memory_space<vmem>>, vector<1x16xf32>,
          %get3A_570 = vector.shape_cast %get3A_569 : vector<1x16xf32> to vector<16xf32>
          %add3A_571 = arith.addf %get3A_566, %get3A_570 : vector<16xf32>
          %max3A_572 = arith.constant 0.000000e+00 : f32
          %max3A_573 = vector.broadcast %max3A_572 : f32 to vector<16xf32>
          %max3A_574 = arith.maximumf %add3A_571, %max3A_573 : vector<16xf32>
          %swap3A_575 = arith.index_cast %add3A_562 : i32 to index
          %swap3A_576 = arith.constant 0 : index
          %swap3A_577 = tpu.vector_load %arg11[%swap3A_575, %swap3A_576] {strides = array<i32>} : memref<80x128xf32, #tpu.memory_space<vmem>>, vector<1x16xf32>,
          %swap3A_578 = vector.shape_cast %swap3A_577 : vector<1x16xf32> to vector<16xf32>
          %swap3A_579 = vector.shape_cast %max3A_574 : vector<16xf32> to vector<1x16xf32>
          tpu.vector_store %arg11[%swap3A_575, %swap3A_576], %swap3A_579 {strides = array<i32>} : memref<80x128xf32, #tpu.memory_space<vmem>>, vector<1x16xf32>,
          %mul3A_580 = arith.constant 4 : i32
          %mul3A_581 = arith.muli %scan3A_57, %mul3A_580 : i32
          %add3A_582 = arith.constant 3 : i32
          %add3A_583 = arith.addi %mul3A_581, %add3A_582 : i32
          %get3A_584 = arith.index_cast %add3A_583 : i32 to index
          %get3A_585 = arith.constant 16 : index
          %get3A_586 = tpu.vector_load %arg11[%get3A_584, %get3A_585] {strides = array<i32>} : memref<80x128xf32, #tpu.memory_space<vmem>>, vector<1x16xf32>,
          %get3A_587 = vector.shape_cast %get3A_586 : vector<1x16xf32> to vector<16xf32>
          %get3A_588 = arith.index_cast %add3A_583 : i32 to index
          %get3A_589 = arith.constant 16 : index
          %get3A_590 = tpu.vector_load %arg12[%get3A_588, %get3A_589] {strides = array<i32>} : memref<80x128xf32, #tpu.memory_space<vmem>>, vector<1x16xf32>,
          %get3A_591 = vector.shape_cast %get3A_590 : vector<1x16xf32> to vector<16xf32>
          %add3A_592 = arith.addf %get3A_587, %get3A_591 : vector<16xf32>
          %max3A_593 = arith.constant 0.000000e+00 : f32
          %max3A_594 = vector.broadcast %max3A_593 : f32 to vector<16xf32>
          %max3A_595 = arith.maximumf %add3A_592, %max3A_594 : vector<16xf32>
          %swap3A_596 = arith.index_cast %add3A_583 : i32 to index
          %swap3A_597 = arith.constant 16 : index
          %swap3A_598 = tpu.vector_load %arg11[%swap3A_596, %swap3A_597] {strides = array<i32>} : memref<80x128xf32, #tpu.memory_space<vmem>>, vector<1x16xf32>,
          %swap3A_599 = vector.shape_cast %swap3A_598 : vector<1x16xf32> to vector<16xf32>
          %swap3A_600 = vector.shape_cast %max3A_595 : vector<16xf32> to vector<1x16xf32>
          tpu.vector_store %arg11[%swap3A_596, %swap3A_597], %swap3A_600 {strides = array<i32>} : memref<80x128xf32, #tpu.memory_space<vmem>>, vector<1x16xf32>,
          %mul3A_601 = arith.constant 4 : i32
          %mul3A_602 = arith.muli %scan3A_57, %mul3A_601 : i32
          %add3A_603 = arith.constant 3 : i32
          %add3A_604 = arith.addi %mul3A_602, %add3A_603 : i32
          %get3A_605 = arith.index_cast %add3A_604 : i32 to index
          %get3A_606 = arith.constant 32 : index
          %get3A_607 = tpu.vector_load %arg11[%get3A_605, %get3A_606] {strides = array<i32>} : memref<80x128xf32, #tpu.memory_space<vmem>>, vector<1x16xf32>,
          %get3A_608 = vector.shape_cast %get3A_607 : vector<1x16xf32> to vector<16xf32>
          %get3A_609 = arith.index_cast %add3A_604 : i32 to index
          %get3A_610 = arith.constant 32 : index
          %get3A_611 = tpu.vector_load %arg12[%get3A_609, %get3A_610] {strides = array<i32>} : memref<80x128xf32, #tpu.memory_space<vmem>>, vector<1x16xf32>,
          %get3A_612 = vector.shape_cast %get3A_611 : vector<1x16xf32> to vector<16xf32>
          %add3A_613 = arith.addf %get3A_608, %get3A_612 : vector<16xf32>
          %max3A_614 = arith.constant 0.000000e+00 : f32
          %max3A_615 = vector.broadcast %max3A_614 : f32 to vector<16xf32>
          %max3A_616 = arith.maximumf %add3A_613, %max3A_615 : vector<16xf32>
          %swap3A_617 = arith.index_cast %add3A_604 : i32 to index
          %swap3A_618 = arith.constant 32 : index
          %swap3A_619 = tpu.vector_load %arg11[%swap3A_617, %swap3A_618] {strides = array<i32>} : memref<80x128xf32, #tpu.memory_space<vmem>>, vector<1x16xf32>,
          %swap3A_620 = vector.shape_cast %swap3A_619 : vector<1x16xf32> to vector<16xf32>
          %swap3A_621 = vector.shape_cast %max3A_616 : vector<16xf32> to vector<1x16xf32>
          tpu.vector_store %arg11[%swap3A_617, %swap3A_618], %swap3A_621 {strides = array<i32>} : memref<80x128xf32, #tpu.memory_space<vmem>>, vector<1x16xf32>,
          %mul3A_622 = arith.constant 4 : i32
          %mul3A_623 = arith.muli %scan3A_57, %mul3A_622 : i32
          %add3A_624 = arith.constant 3 : i32
          %add3A_625 = arith.addi %mul3A_623, %add3A_624 : i32
          %get3A_626 = arith.index_cast %add3A_625 : i32 to index
          %get3A_627 = arith.constant 48 : index
          %get3A_628 = tpu.vector_load %arg11[%get3A_626, %get3A_627] {strides = array<i32>} : memref<80x128xf32, #tpu.memory_space<vmem>>, vector<1x16xf32>,
          %get3A_629 = vector.shape_cast %get3A_628 : vector<1x16xf32> to vector<16xf32>
          %get3A_630 = arith.index_cast %add3A_625 : i32 to index
          %get3A_631 = arith.constant 48 : index
          %get3A_632 = tpu.vector_load %arg12[%get3A_630, %get3A_631] {strides = array<i32>} : memref<80x128xf32, #tpu.memory_space<vmem>>, vector<1x16xf32>,
          %get3A_633 = vector.shape_cast %get3A_632 : vector<1x16xf32> to vector<16xf32>
          %add3A_634 = arith.addf %get3A_629, %get3A_633 : vector<16xf32>
          %max3A_635 = arith.constant 0.000000e+00 : f32
          %max3A_636 = vector.broadcast %max3A_635 : f32 to vector<16xf32>
          %max3A_637 = arith.maximumf %add3A_634, %max3A_636 : vector<16xf32>
          %swap3A_638 = arith.index_cast %add3A_625 : i32 to index
          %swap3A_639 = arith.constant 48 : index
          %swap3A_640 = tpu.vector_load %arg11[%swap3A_638, %swap3A_639] {strides = array<i32>} : memref<80x128xf32, #tpu.memory_space<vmem>>, vector<1x16xf32>,
          %swap3A_641 = vector.shape_cast %swap3A_640 : vector<1x16xf32> to vector<16xf32>
          %swap3A_642 = vector.shape_cast %max3A_637 : vector<16xf32> to vector<1x16xf32>
          tpu.vector_store %arg11[%swap3A_638, %swap3A_639], %swap3A_642 {strides = array<i32>} : memref<80x128xf32, #tpu.memory_space<vmem>>, vector<1x16xf32>,
          %mul3A_643 = arith.constant 4 : i32
          %mul3A_644 = arith.muli %scan3A_57, %mul3A_643 : i32
          %add3A_645 = arith.constant 3 : i32
          %add3A_646 = arith.addi %mul3A_644, %add3A_645 : i32
          %get3A_647 = arith.index_cast %add3A_646 : i32 to index
          %get3A_648 = arith.constant 64 : index
          %get3A_649 = tpu.vector_load %arg11[%get3A_647, %get3A_648] {strides = array<i32>} : memref<80x128xf32, #tpu.memory_space<vmem>>, vector<1x16xf32>,
          %get3A_650 = vector.shape_cast %get3A_649 : vector<1x16xf32> to vector<16xf32>
          %get3A_651 = arith.index_cast %add3A_646 : i32 to index
          %get3A_652 = arith.constant 64 : index
          %get3A_653 = tpu.vector_load %arg12[%get3A_651, %get3A_652] {strides = array<i32>} : memref<80x128xf32, #tpu.memory_space<vmem>>, vector<1x16xf32>,
          %get3A_654 = vector.shape_cast %get3A_653 : vector<1x16xf32> to vector<16xf32>
          %add3A_655 = arith.addf %get3A_650, %get3A_654 : vector<16xf32>
          %max3A_656 = arith.constant 0.000000e+00 : f32
          %max3A_657 = vector.broadcast %max3A_656 : f32 to vector<16xf32>
          %max3A_658 = arith.maximumf %add3A_655, %max3A_657 : vector<16xf32>
          %swap3A_659 = arith.index_cast %add3A_646 : i32 to index
          %swap3A_660 = arith.constant 64 : index
          %swap3A_661 = tpu.vector_load %arg11[%swap3A_659, %swap3A_660] {strides = array<i32>} : memref<80x128xf32, #tpu.memory_space<vmem>>, vector<1x16xf32>,
          %swap3A_662 = vector.shape_cast %swap3A_661 : vector<1x16xf32> to vector<16xf32>
          %swap3A_663 = vector.shape_cast %max3A_658 : vector<16xf32> to vector<1x16xf32>
          tpu.vector_store %arg11[%swap3A_659, %swap3A_660], %swap3A_663 {strides = array<i32>} : memref<80x128xf32, #tpu.memory_space<vmem>>, vector<1x16xf32>,
          %mul3A_664 = arith.constant 4 : i32
          %mul3A_665 = arith.muli %scan3A_57, %mul3A_664 : i32
          %add3A_666 = arith.constant 3 : i32
          %add3A_667 = arith.addi %mul3A_665, %add3A_666 : i32
          %get3A_668 = arith.index_cast %add3A_667 : i32 to index
          %get3A_669 = arith.constant 80 : index
          %get3A_670 = tpu.vector_load %arg11[%get3A_668, %get3A_669] {strides = array<i32>} : memref<80x128xf32, #tpu.memory_space<vmem>>, vector<1x16xf32>,
          %get3A_671 = vector.shape_cast %get3A_670 : vector<1x16xf32> to vector<16xf32>
          %get3A_672 = arith.index_cast %add3A_667 : i32 to index
          %get3A_673 = arith.constant 80 : index
          %get3A_674 = tpu.vector_load %arg12[%get3A_672, %get3A_673] {strides = array<i32>} : memref<80x128xf32, #tpu.memory_space<vmem>>, vector<1x16xf32>,
          %get3A_675 = vector.shape_cast %get3A_674 : vector<1x16xf32> to vector<16xf32>
          %add3A_676 = arith.addf %get3A_671, %get3A_675 : vector<16xf32>
          %max3A_677 = arith.constant 0.000000e+00 : f32
          %max3A_678 = vector.broadcast %max3A_677 : f32 to vector<16xf32>
          %max3A_679 = arith.maximumf %add3A_676, %max3A_678 : vector<16xf32>
          %swap3A_680 = arith.index_cast %add3A_667 : i32 to index
          %swap3A_681 = arith.constant 80 : index
          %swap3A_682 = tpu.vector_load %arg11[%swap3A_680, %swap3A_681] {strides = array<i32>} : memref<80x128xf32, #tpu.memory_space<vmem>>, vector<1x16xf32>,
          %swap3A_683 = vector.shape_cast %swap3A_682 : vector<1x16xf32> to vector<16xf32>
          %swap3A_684 = vector.shape_cast %max3A_679 : vector<16xf32> to vector<1x16xf32>
          tpu.vector_store %arg11[%swap3A_680, %swap3A_681], %swap3A_684 {strides = array<i32>} : memref<80x128xf32, #tpu.memory_space<vmem>>, vector<1x16xf32>,
          %mul3A_685 = arith.constant 4 : i32
          %mul3A_686 = arith.muli %scan3A_57, %mul3A_685 : i32
          %add3A_687 = arith.constant 3 : i32
          %add3A_688 = arith.addi %mul3A_686, %add3A_687 : i32
          %get3A_689 = arith.index_cast %add3A_688 : i32 to index
          %get3A_690 = arith.constant 96 : index
          %get3A_691 = tpu.vector_load %arg11[%get3A_689, %get3A_690] {strides = array<i32>} : memref<80x128xf32, #tpu.memory_space<vmem>>, vector<1x16xf32>,
          %get3A_692 = vector.shape_cast %get3A_691 : vector<1x16xf32> to vector<16xf32>
          %get3A_693 = arith.index_cast %add3A_688 : i32 to index
          %get3A_694 = arith.constant 96 : index
          %get3A_695 = tpu.vector_load %arg12[%get3A_693, %get3A_694] {strides = array<i32>} : memref<80x128xf32, #tpu.memory_space<vmem>>, vector<1x16xf32>,
          %get3A_696 = vector.shape_cast %get3A_695 : vector<1x16xf32> to vector<16xf32>
          %add3A_697 = arith.addf %get3A_692, %get3A_696 : vector<16xf32>
          %max3A_698 = arith.constant 0.000000e+00 : f32
          %max3A_699 = vector.broadcast %max3A_698 : f32 to vector<16xf32>
          %max3A_700 = arith.maximumf %add3A_697, %max3A_699 : vector<16xf32>
          %swap3A_701 = arith.index_cast %add3A_688 : i32 to index
          %swap3A_702 = arith.constant 96 : index
          %swap3A_703 = tpu.vector_load %arg11[%swap3A_701, %swap3A_702] {strides = array<i32>} : memref<80x128xf32, #tpu.memory_space<vmem>>, vector<1x16xf32>,
          %swap3A_704 = vector.shape_cast %swap3A_703 : vector<1x16xf32> to vector<16xf32>
          %swap3A_705 = vector.shape_cast %max3A_700 : vector<16xf32> to vector<1x16xf32>
          tpu.vector_store %arg11[%swap3A_701, %swap3A_702], %swap3A_705 {strides = array<i32>} : memref<80x128xf32, #tpu.memory_space<vmem>>, vector<1x16xf32>,
          %mul3A_706 = arith.constant 4 : i32
          %mul3A_707 = arith.muli %scan3A_57, %mul3A_706 : i32
          %add3A_708 = arith.constant 3 : i32
          %add3A_709 = arith.addi %mul3A_707, %add3A_708 : i32
          %get3A_710 = arith.index_cast %add3A_709 : i32 to index
          %get3A_711 = arith.constant 112 : index
          %get3A_712 = tpu.vector_load %arg11[%get3A_710, %get3A_711] {strides = array<i32>} : memref<80x128xf32, #tpu.memory_space<vmem>>, vector<1x16xf32>,
          %get3A_713 = vector.shape_cast %get3A_712 : vector<1x16xf32> to vector<16xf32>
          %get3A_714 = arith.index_cast %add3A_709 : i32 to index
          %get3A_715 = arith.constant 112 : index
          %get3A_716 = tpu.vector_load %arg12[%get3A_714, %get3A_715] {strides = array<i32>} : memref<80x128xf32, #tpu.memory_space<vmem>>, vector<1x16xf32>,
          %get3A_717 = vector.shape_cast %get3A_716 : vector<1x16xf32> to vector<16xf32>
          %add3A_718 = arith.addf %get3A_713, %get3A_717 : vector<16xf32>
          %max3A_719 = arith.constant 0.000000e+00 : f32
          %max3A_720 = vector.broadcast %max3A_719 : f32 to vector<16xf32>
          %max3A_721 = arith.maximumf %add3A_718, %max3A_720 : vector<16xf32>
          %swap3A_722 = arith.index_cast %add3A_709 : i32 to index
          %swap3A_723 = arith.constant 112 : index
          %swap3A_724 = tpu.vector_load %arg11[%swap3A_722, %swap3A_723] {strides = array<i32>} : memref<80x128xf32, #tpu.memory_space<vmem>>, vector<1x16xf32>,
          %swap3A_725 = vector.shape_cast %swap3A_724 : vector<1x16xf32> to vector<16xf32>
          %swap3A_726 = vector.shape_cast %max3A_721 : vector<16xf32> to vector<1x16xf32>
          tpu.vector_store %arg11[%swap3A_722, %swap3A_723], %swap3A_726 {strides = array<i32>} : memref<80x128xf32, #tpu.memory_space<vmem>>, vector<1x16xf32>,
        }
        %scan3A_56 = arith.constant 20 : i32
        "tpu.region"() ({
          %run_scoped3A = tpu.sem_alloc : memref<!tpu.dma_semaphore, #tpu.memory_space<semaphore_mem>>
          %dma_start3A_57 = arith.constant 0 : i32
          %dma_start3A_58 = tpu.memref_slice %arg10[%scan3A_34, %dma_start3A_57] : memref<8x80xi32, #tpu.memory_space<vmem>> -> memref<1x80xi32, #tpu.memory_space<vmem>>
          %dma_start3A_59 = tpu.memref_squeeze %dma_start3A_58 : memref<1x80xi32, #tpu.memory_space<vmem>> -> memref<80xi32, #tpu.memory_space<vmem>>
          %dma_start3A_60 = arith.constant 0 : i32
          %dma_start3A_61 = arith.constant 0 : i32
          %dma_start3A_62 = tpu.memref_slice %arg8[%dma_start3A_60, %dma_start3A_61] : memref<10240x128xf32, #tpu.memory_space<vmem_shared>> -> memref<10240x128xf32, #tpu.memory_space<vmem_shared>>
          tpu.enqueue_indirect_dma source(%arg11 : memref<80x128xf32, #tpu.memory_space<vmem>>) target(%dma_start3A_62 : memref<10240x128xf32, #tpu.memory_space<vmem_shared>>) offsets(%dma_start3A_59 : memref<80xi32, #tpu.memory_space<vmem>>) semaphore(%run_scoped3A : memref<!tpu.dma_semaphore, #tpu.memory_space<semaphore_mem>>) {add = true}
          %dma_wait3A_63 = arith.constant 0 : i32
          %dma_wait3A_64 = tpu.memref_slice %arg10[%scan3A_34, %dma_wait3A_63] : memref<8x80xi32, #tpu.memory_space<vmem>> -> memref<1x80xi32, #tpu.memory_space<vmem>>
          %dma_wait3A_65 = tpu.memref_squeeze %dma_wait3A_64 : memref<1x80xi32, #tpu.memory_space<vmem>> -> memref<80xi32, #tpu.memory_space<vmem>>
          %dma_wait3A_66 = arith.constant 0 : i32
          %dma_wait3A_67 = arith.constant 0 : i32
          %dma_wait3A_68 = tpu.memref_slice %arg8[%dma_wait3A_66, %dma_wait3A_67] : memref<10240x128xf32, #tpu.memory_space<vmem_shared>> -> memref<10240x128xf32, #tpu.memory_space<vmem_shared>>
          tpu.wait_indirect_dma semaphore(%run_scoped3A : memref<!tpu.dma_semaphore, #tpu.memory_space<semaphore_mem>>) src(%arg11 : memref<80x128xf32, #tpu.memory_space<vmem>>) dst(%dma_wait3A_68 : memref<10240x128xf32, #tpu.memory_space<vmem_shared>>)
          tpu.yield
        }) : () -> ()
      }
      %scan3A_33 = arith.constant 8 : i32
    }
    %scan3A_7 = arith.constant 32 : i32
    %barrier3A_8 = arith.constant 0 : index
    tpu.barrier barrier_id(%barrier3A_8)
    %eq3A = arith.constant 0 : i32
    %eq3A_9 = arith.cmpi eq, %arg0, %eq3A : i32
    %convert_element_type3A = arith.extui %eq3A_9 : i1 to i32
    %cond3A = arith.constant 0 : i32
    %cond3A_10 = arith.cmpi ne, %convert_element_type3A, %cond3A : i32
    scf.if %cond3A_10 {
      "tpu.region"() ({
        %run_scoped3A = tpu.sem_alloc : memref<!tpu.dma_semaphore, #tpu.memory_space<semaphore_mem>>
        %dma_start3A = arith.constant 0 : i32
        %dma_start3A_15 = tpu.memref_slice %arg6[%mul3A_0, %dma_start3A] : memref<10240x128xf32, #tpu.memory_space<hbm>> -> memref<640x128xf32, #tpu.memory_space<hbm>>
        %dma_start3A_16 = arith.constant 0 : i32
        %dma_start3A_17 = tpu.memref_slice %arg8[%mul3A_0, %dma_start3A_16] : memref<10240x128xf32, #tpu.memory_space<vmem_shared>> -> memref<640x128xf32, #tpu.memory_space<vmem_shared>>
        tpu.enqueue_dma source(%dma_start3A_17 : memref<640x128xf32, #tpu.memory_space<vmem_shared>>) target(%dma_start3A_15 : memref<640x128xf32, #tpu.memory_space<hbm>>) target_semaphore(%run_scoped3A : memref<!tpu.dma_semaphore, #tpu.memory_space<semaphore_mem>>)
        %dma_wait3A = arith.constant 0 : i32
        %dma_wait3A_18 = tpu.memref_slice %arg6[%mul3A_0, %dma_wait3A] : memref<10240x128xf32, #tpu.memory_space<hbm>> -> memref<640x128xf32, #tpu.memory_space<hbm>>
        %dma_wait3A_19 = arith.constant 0 : i32
        %dma_wait3A_20 = tpu.memref_slice %arg8[%mul3A_0, %dma_wait3A_19] : memref<10240x128xf32, #tpu.memory_space<vmem_shared>> -> memref<640x128xf32, #tpu.memory_space<vmem_shared>>
        tpu.wait_dma2 semaphore(%run_scoped3A : memref<!tpu.dma_semaphore, #tpu.memory_space<semaphore_mem>>) src(%dma_wait3A_20 : memref<640x128xf32, #tpu.memory_space<vmem_shared>>) dst(%dma_wait3A_18 : memref<640x128xf32, #tpu.memory_space<hbm>>)
        tpu.yield
      }) : () -> ()
    } else {
    }
    %ne3A = arith.constant 0 : i32
    %ne3A_11 = arith.cmpi ne, %arg0, %ne3A : i32
    %convert_element_type3A_12 = arith.extui %ne3A_11 : i1 to i32
    %cond3A_13 = arith.constant 0 : i32
    %cond3A_14 = arith.cmpi ne, %convert_element_type3A_12, %cond3A_13 : i32
    scf.if %cond3A_14 {
      "tpu.region"() ({
        %run_scoped3A = tpu.sem_alloc : memref<!tpu.dma_semaphore, #tpu.memory_space<semaphore_mem>>
        %dma_start3A = arith.constant 0 : i32
        %dma_start3A_15 = tpu.memref_slice %arg7[%mul3A_0, %dma_start3A] : memref<10240x128xf32, #tpu.memory_space<hbm>> -> memref<640x128xf32, #tpu.memory_space<hbm>>
        %dma_start3A_16 = arith.constant 0 : i32
        %dma_start3A_17 = tpu.memref_slice %arg8[%mul3A_0, %dma_start3A_16] : memref<10240x128xf32, #tpu.memory_space<vmem_shared>> -> memref<640x128xf32, #tpu.memory_space<vmem_shared>>
        tpu.enqueue_dma source(%dma_start3A_17 : memref<640x128xf32, #tpu.memory_space<vmem_shared>>) target(%dma_start3A_15 : memref<640x128xf32, #tpu.memory_space<hbm>>) target_semaphore(%run_scoped3A : memref<!tpu.dma_semaphore, #tpu.memory_space<semaphore_mem>>)
        %dma_wait3A = arith.constant 0 : i32
        %dma_wait3A_18 = tpu.memref_slice %arg7[%mul3A_0, %dma_wait3A] : memref<10240x128xf32, #tpu.memory_space<hbm>> -> memref<640x128xf32, #tpu.memory_space<hbm>>
        %dma_wait3A_19 = arith.constant 0 : i32
        %dma_wait3A_20 = tpu.memref_slice %arg8[%mul3A_0, %dma_wait3A_19] : memref<10240x128xf32, #tpu.memory_space<vmem_shared>> -> memref<640x128xf32, #tpu.memory_space<vmem_shared>>
        tpu.wait_dma2 semaphore(%run_scoped3A : memref<!tpu.dma_semaphore, #tpu.memory_space<semaphore_mem>>) src(%dma_wait3A_20 : memref<640x128xf32, #tpu.memory_space<vmem_shared>>) dst(%dma_wait3A_18 : memref<640x128xf32, #tpu.memory_space<hbm>>)
        tpu.yield
      }) : () -> ()
    } else {
    }
    return
  }
}

#map = affine_map<(d0, d1) -> (0, 0)>
module attributes {stable_mosaic.version = 14 : i64} {
  func.func @_sc_conv_body(%arg0: i32, %arg1: i32, %arg2: memref<10240x128xf32, #tpu.memory_space<hbm>>, %arg3: memref<327680x128xf32, #tpu.memory_space<hbm>>, %arg4: memref<4096x80xi32, #tpu.memory_space<hbm>>, %arg5: memref<4096x80xi32, #tpu.memory_space<hbm>>, %arg6: memref<10240x128xf32, #tpu.memory_space<hbm>>, %arg7: memref<10240x128xf32, #tpu.memory_space<hbm>>, %arg8: memref<10240x128xf32, #tpu.memory_space<vmem_shared>>, %arg9: memref<8x80xi32, #tpu.memory_space<vmem>>, %arg10: memref<8x80xi32, #tpu.memory_space<vmem>>, %arg11: memref<80x128xf32, #tpu.memory_space<vmem>>, %arg12: memref<80x128xf32, #tpu.memory_space<vmem>>, %arg13: memref<!tpu.dma_semaphore, #tpu.memory_space<semaphore_mem>>) attributes {dimension_semantics = [#tpu.dimension_semantics<core_parallel>, #tpu.dimension_semantics<subcore_parallel>], iteration_bounds = array<i64: 2, 16>, scalar_prefetch = 0 : i64, scratch_operands = 6 : i64, tpu.core_type = #tpu.core_type<sc_vector_subcore>, window_params = [{transform_indices = #map}, {transform_indices = #map}, {transform_indices = #map}, {transform_indices = #map}, {transform_indices = #map}, {transform_indices = #map}]} {
    %mul3A = arith.constant 640 : i32
    %mul3A_0 = arith.muli %arg1, %mul3A : i32
    "tpu.region"() ({
      %run_scoped3A = tpu.sem_alloc : memref<!tpu.dma_semaphore, #tpu.memory_space<semaphore_mem>>
      %dma_start3A = arith.constant 0 : i32
      %dma_start3A_15 = tpu.memref_slice %arg8[%mul3A_0, %dma_start3A] : memref<10240x128xf32, #tpu.memory_space<vmem_shared>> -> memref<640x128xf32, #tpu.memory_space<vmem_shared>>
      %dma_start3A_16 = arith.constant 0 : i32
      %dma_start3A_17 = tpu.memref_slice %arg2[%mul3A_0, %dma_start3A_16] : memref<10240x128xf32, #tpu.memory_space<hbm>> -> memref<640x128xf32, #tpu.memory_space<hbm>>
      tpu.enqueue_dma source(%dma_start3A_17 : memref<640x128xf32, #tpu.memory_space<hbm>>) target(%dma_start3A_15 : memref<640x128xf32, #tpu.memory_space<vmem_shared>>) target_semaphore(%run_scoped3A : memref<!tpu.dma_semaphore, #tpu.memory_space<semaphore_mem>>)
      %dma_wait3A = arith.constant 0 : i32
      %dma_wait3A_18 = tpu.memref_slice %arg8[%mul3A_0, %dma_wait3A] : memref<10240x128xf32, #tpu.memory_space<vmem_shared>> -> memref<640x128xf32, #tpu.memory_space<vmem_shared>>
      %dma_wait3A_19 = arith.constant 0 : i32
      %dma_wait3A_20 = tpu.memref_slice %arg2[%mul3A_0, %dma_wait3A_19] : memref<10240x128xf32, #tpu.memory_space<hbm>> -> memref<640x128xf32, #tpu.memory_space<hbm>>
      tpu.wait_dma2 semaphore(%run_scoped3A : memref<!tpu.dma_semaphore, #tpu.memory_space<semaphore_mem>>) src(%dma_wait3A_20 : memref<640x128xf32, #tpu.memory_space<hbm>>) dst(%dma_wait3A_18 : memref<640x128xf32, #tpu.memory_space<vmem_shared>>)
      tpu.yield
    }) : () -> ()
    %barrier3A = arith.constant 0 : index
    tpu.barrier barrier_id(%barrier3A)
    %mul3A_1 = arith.constant 256 : i32
    %mul3A_2 = arith.muli %arg1, %mul3A_1 : i32
    %scan3A = arith.constant 0 : i32
    %scan3A_3 = arith.constant 0 : i32
    %scan3A_4 = arith.constant 32 : i32
    %scan3A_5 = arith.addi %scan3A_3, %scan3A_4 : i32
    %scan3A_6 = arith.constant 1 : i32
    scf.for %scan3A_15 = %scan3A_3 to %scan3A_5 step %scan3A_6  : i32 {
      %mul3A_16 = arith.constant 8 : i32
      %mul3A_17 = arith.muli %scan3A_15, %mul3A_16 : i32
      %add3A = arith.addi %mul3A_2, %mul3A_17 : i32
      %eq3A_18 = arith.constant 0 : i32
      %eq3A_19 = arith.cmpi eq, %arg0, %eq3A_18 : i32
      %convert_element_type3A_20 = arith.extui %eq3A_19 : i1 to i32
      %cond3A_21 = arith.constant 0 : i32
      %cond3A_22 = arith.cmpi ne, %convert_element_type3A_20, %cond3A_21 : i32
      scf.if %cond3A_22 {
        "tpu.region"() ({
          %run_scoped3A = tpu.sem_alloc : memref<!tpu.dma_semaphore, #tpu.memory_space<semaphore_mem>>
          %dma_start3A = arith.constant 0 : i32
          %dma_start3A_34 = tpu.memref_slice %arg4[%add3A, %dma_start3A] : memref<4096x80xi32, #tpu.memory_space<hbm>> -> memref<8x80xi32, #tpu.memory_space<hbm>>
          %dma_start3A_35 = arith.constant 0 : i32
          %dma_start3A_36 = tpu.memref_slice %arg4[%add3A, %dma_start3A_35] : memref<4096x80xi32, #tpu.memory_space<hbm>> -> memref<8x80xi32, #tpu.memory_space<hbm>>
          tpu.enqueue_dma source(%dma_start3A_36 : memref<8x80xi32, #tpu.memory_space<hbm>>) target(%arg9 : memref<8x80xi32, #tpu.memory_space<vmem>>) target_semaphore(%run_scoped3A : memref<!tpu.dma_semaphore, #tpu.memory_space<semaphore_mem>>)
          %dma_wait3A = arith.constant 0 : i32
          %dma_wait3A_37 = tpu.memref_slice %arg4[%add3A, %dma_wait3A] : memref<4096x80xi32, #tpu.memory_space<hbm>> -> memref<8x80xi32, #tpu.memory_space<hbm>>
          %dma_wait3A_38 = arith.constant 0 : i32
          %dma_wait3A_39 = tpu.memref_slice %arg4[%add3A, %dma_wait3A_38] : memref<4096x80xi32, #tpu.memory_space<hbm>> -> memref<8x80xi32, #tpu.memory_space<hbm>>
          tpu.wait_dma2 semaphore(%run_scoped3A : memref<!tpu.dma_semaphore, #tpu.memory_space<semaphore_mem>>) src(%dma_wait3A_39 : memref<8x80xi32, #tpu.memory_space<hbm>>) dst(%arg9 : memref<8x80xi32, #tpu.memory_space<vmem>>)
          tpu.yield
        }) : () -> ()
        "tpu.region"() ({
          %run_scoped3A = tpu.sem_alloc : memref<!tpu.dma_semaphore, #tpu.memory_space<semaphore_mem>>
          %dma_start3A = arith.constant 0 : i32
          %dma_start3A_34 = tpu.memref_slice %arg5[%add3A, %dma_start3A] : memref<4096x80xi32, #tpu.memory_space<hbm>> -> memref<8x80xi32, #tpu.memory_space<hbm>>
          %dma_start3A_35 = arith.constant 0 : i32
          %dma_start3A_36 = tpu.memref_slice %arg5[%add3A, %dma_start3A_35] : memref<4096x80xi32, #tpu.memory_space<hbm>> -> memref<8x80xi32, #tpu.memory_space<hbm>>
          tpu.enqueue_dma source(%dma_start3A_36 : memref<8x80xi32, #tpu.memory_space<hbm>>) target(%arg10 : memref<8x80xi32, #tpu.memory_space<vmem>>) target_semaphore(%run_scoped3A : memref<!tpu.dma_semaphore, #tpu.memory_space<semaphore_mem>>)
          %dma_wait3A = arith.constant 0 : i32
          %dma_wait3A_37 = tpu.memref_slice %arg5[%add3A, %dma_wait3A] : memref<4096x80xi32, #tpu.memory_space<hbm>> -> memref<8x80xi32, #tpu.memory_space<hbm>>
          %dma_wait3A_38 = arith.constant 0 : i32
          %dma_wait3A_39 = tpu.memref_slice %arg5[%add3A, %dma_wait3A_38] : memref<4096x80xi32, #tpu.memory_space<hbm>> -> memref<8x80xi32, #tpu.memory_space<hbm>>
          tpu.wait_dma2 semaphore(%run_scoped3A : memref<!tpu.dma_semaphore, #tpu.memory_space<semaphore_mem>>) src(%dma_wait3A_39 : memref<8x80xi32, #tpu.memory_space<hbm>>) dst(%arg10 : memref<8x80xi32, #tpu.memory_space<vmem>>)
          tpu.yield
        }) : () -> ()
      } else {
      }
      %ne3A_23 = arith.constant 0 : i32
      %ne3A_24 = arith.cmpi ne, %arg0, %ne3A_23 : i32
      %convert_element_type3A_25 = arith.extui %ne3A_24 : i1 to i32
      %cond3A_26 = arith.constant 0 : i32
      %cond3A_27 = arith.cmpi ne, %convert_element_type3A_25, %cond3A_26 : i32
      scf.if %cond3A_27 {
        "tpu.region"() ({
          %run_scoped3A = tpu.sem_alloc : memref<!tpu.dma_semaphore, #tpu.memory_space<semaphore_mem>>
          %dma_start3A = arith.constant 0 : i32
          %dma_start3A_34 = tpu.memref_slice %arg5[%add3A, %dma_start3A] : memref<4096x80xi32, #tpu.memory_space<hbm>> -> memref<8x80xi32, #tpu.memory_space<hbm>>
          %dma_start3A_35 = arith.constant 0 : i32
          %dma_start3A_36 = tpu.memref_slice %arg5[%add3A, %dma_start3A_35] : memref<4096x80xi32, #tpu.memory_space<hbm>> -> memref<8x80xi32, #tpu.memory_space<hbm>>
          tpu.enqueue_dma source(%dma_start3A_36 : memref<8x80xi32, #tpu.memory_space<hbm>>) target(%arg9 : memref<8x80xi32, #tpu.memory_space<vmem>>) target_semaphore(%run_scoped3A : memref<!tpu.dma_semaphore, #tpu.memory_space<semaphore_mem>>)
          %dma_wait3A = arith.constant 0 : i32
          %dma_wait3A_37 = tpu.memref_slice %arg5[%add3A, %dma_wait3A] : memref<4096x80xi32, #tpu.memory_space<hbm>> -> memref<8x80xi32, #tpu.memory_space<hbm>>
          %dma_wait3A_38 = arith.constant 0 : i32
          %dma_wait3A_39 = tpu.memref_slice %arg5[%add3A, %dma_wait3A_38] : memref<4096x80xi32, #tpu.memory_space<hbm>> -> memref<8x80xi32, #tpu.memory_space<hbm>>
          tpu.wait_dma2 semaphore(%run_scoped3A : memref<!tpu.dma_semaphore, #tpu.memory_space<semaphore_mem>>) src(%dma_wait3A_39 : memref<8x80xi32, #tpu.memory_space<hbm>>) dst(%arg9 : memref<8x80xi32, #tpu.memory_space<vmem>>)
          tpu.yield
        }) : () -> ()
        "tpu.region"() ({
          %run_scoped3A = tpu.sem_alloc : memref<!tpu.dma_semaphore, #tpu.memory_space<semaphore_mem>>
          %dma_start3A = arith.constant 0 : i32
          %dma_start3A_34 = tpu.memref_slice %arg4[%add3A, %dma_start3A] : memref<4096x80xi32, #tpu.memory_space<hbm>> -> memref<8x80xi32, #tpu.memory_space<hbm>>
          %dma_start3A_35 = arith.constant 0 : i32
          %dma_start3A_36 = tpu.memref_slice %arg4[%add3A, %dma_start3A_35] : memref<4096x80xi32, #tpu.memory_space<hbm>> -> memref<8x80xi32, #tpu.memory_space<hbm>>
          tpu.enqueue_dma source(%dma_start3A_36 : memref<8x80xi32, #tpu.memory_space<hbm>>) target(%arg10 : memref<8x80xi32, #tpu.memory_space<vmem>>) target_semaphore(%run_scoped3A : memref<!tpu.dma_semaphore, #tpu.memory_space<semaphore_mem>>)
          %dma_wait3A = arith.constant 0 : i32
          %dma_wait3A_37 = tpu.memref_slice %arg4[%add3A, %dma_wait3A] : memref<4096x80xi32, #tpu.memory_space<hbm>> -> memref<8x80xi32, #tpu.memory_space<hbm>>
          %dma_wait3A_38 = arith.constant 0 : i32
          %dma_wait3A_39 = tpu.memref_slice %arg4[%add3A, %dma_wait3A_38] : memref<4096x80xi32, #tpu.memory_space<hbm>> -> memref<8x80xi32, #tpu.memory_space<hbm>>
          tpu.wait_dma2 semaphore(%run_scoped3A : memref<!tpu.dma_semaphore, #tpu.memory_space<semaphore_mem>>) src(%dma_wait3A_39 : memref<8x80xi32, #tpu.memory_space<hbm>>) dst(%arg10 : memref<8x80xi32, #tpu.memory_space<vmem>>)
          tpu.yield
        }) : () -> ()
      } else {
      }
      %scan3A_28 = arith.constant 0 : i32
      %scan3A_29 = arith.constant 0 : i32
      %scan3A_30 = arith.constant 8 : i32
      %scan3A_31 = arith.addi %scan3A_29, %scan3A_30 : i32
      %scan3A_32 = arith.constant 1 : i32
      scf.for %scan3A_34 = %scan3A_29 to %scan3A_31 step %scan3A_32  : i32 {
        %dma_start3A = arith.constant 0 : i32
        %dma_start3A_35 = tpu.memref_slice %arg9[%scan3A_34, %dma_start3A] : memref<8x80xi32, #tpu.memory_space<vmem>> -> memref<1x80xi32, #tpu.memory_space<vmem>>
        %dma_start3A_36 = tpu.memref_squeeze %dma_start3A_35 : memref<1x80xi32, #tpu.memory_space<vmem>> -> memref<80xi32, #tpu.memory_space<vmem>>
        %dma_start3A_37 = arith.constant 0 : i32
        %dma_start3A_38 = arith.constant 0 : i32
        %dma_start3A_39 = tpu.memref_slice %arg2[%dma_start3A_37, %dma_start3A_38] : memref<10240x128xf32, #tpu.memory_space<hbm>> -> memref<10240x128xf32, #tpu.memory_space<hbm>>
        tpu.enqueue_indirect_dma source(%dma_start3A_39 : memref<10240x128xf32, #tpu.memory_space<hbm>>) target(%arg11 : memref<80x128xf32, #tpu.memory_space<vmem>>) offsets(%dma_start3A_36 : memref<80xi32, #tpu.memory_space<vmem>>) semaphore(%arg13 : memref<!tpu.dma_semaphore, #tpu.memory_space<semaphore_mem>>)
        %mul3A_40 = arith.constant 8 : i32
        %mul3A_41 = arith.muli %scan3A_15, %mul3A_40 : i32
        %add3A_42 = arith.addi %mul3A_2, %mul3A_41 : i32
        %add3A_43 = arith.addi %add3A_42, %scan3A_34 : i32
        %mul3A_44 = arith.constant 80 : i32
        %mul3A_45 = arith.muli %add3A_43, %mul3A_44 : i32
        "tpu.region"() ({
          %run_scoped3A = tpu.sem_alloc : memref<!tpu.dma_semaphore, #tpu.memory_space<semaphore_mem>>
          %dma_start3A_57 = arith.constant 0 : i32
          %dma_start3A_58 = tpu.memref_slice %arg3[%mul3A_45, %dma_start3A_57] : memref<327680x128xf32, #tpu.memory_space<hbm>> -> memref<80x128xf32, #tpu.memory_space<hbm>>
          %dma_start3A_59 = arith.constant 0 : i32
          %dma_start3A_60 = tpu.memref_slice %arg3[%mul3A_45, %dma_start3A_59] : memref<327680x128xf32, #tpu.memory_space<hbm>> -> memref<80x128xf32, #tpu.memory_space<hbm>>
          tpu.enqueue_dma source(%dma_start3A_60 : memref<80x128xf32, #tpu.memory_space<hbm>>) target(%arg12 : memref<80x128xf32, #tpu.memory_space<vmem>>) target_semaphore(%run_scoped3A : memref<!tpu.dma_semaphore, #tpu.memory_space<semaphore_mem>>)
          %dma_wait3A_61 = arith.constant 0 : i32
          %dma_wait3A_62 = tpu.memref_slice %arg3[%mul3A_45, %dma_wait3A_61] : memref<327680x128xf32, #tpu.memory_space<hbm>> -> memref<80x128xf32, #tpu.memory_space<hbm>>
          %dma_wait3A_63 = arith.constant 0 : i32
          %dma_wait3A_64 = tpu.memref_slice %arg3[%mul3A_45, %dma_wait3A_63] : memref<327680x128xf32, #tpu.memory_space<hbm>> -> memref<80x128xf32, #tpu.memory_space<hbm>>
          tpu.wait_dma2 semaphore(%run_scoped3A : memref<!tpu.dma_semaphore, #tpu.memory_space<semaphore_mem>>) src(%dma_wait3A_64 : memref<80x128xf32, #tpu.memory_space<hbm>>) dst(%arg12 : memref<80x128xf32, #tpu.memory_space<vmem>>)
          tpu.yield
        }) : () -> ()
        %dma_wait3A = arith.constant 0 : i32
        %dma_wait3A_46 = tpu.memref_slice %arg9[%scan3A_34, %dma_wait3A] : memref<8x80xi32, #tpu.memory_space<vmem>> -> memref<1x80xi32, #tpu.memory_space<vmem>>
        %dma_wait3A_47 = tpu.memref_squeeze %dma_wait3A_46 : memref<1x80xi32, #tpu.memory_space<vmem>> -> memref<80xi32, #tpu.memory_space<vmem>>
        %dma_wait3A_48 = arith.constant 0 : i32
        %dma_wait3A_49 = arith.constant 0 : i32
        %dma_wait3A_50 = tpu.memref_slice %arg2[%dma_wait3A_48, %dma_wait3A_49] : memref<10240x128xf32, #tpu.memory_space<hbm>> -> memref<10240x128xf32, #tpu.memory_space<hbm>>
        tpu.wait_indirect_dma semaphore(%arg13 : memref<!tpu.dma_semaphore, #tpu.memory_space<semaphore_mem>>) src(%dma_wait3A_50 : memref<10240x128xf32, #tpu.memory_space<hbm>>) dst(%arg11 : memref<80x128xf32, #tpu.memory_space<vmem>>)
        %scan3A_51 = arith.constant 0 : i32
        %scan3A_52 = arith.constant 0 : i32
        %scan3A_53 = arith.constant 20 : i32
        %scan3A_54 = arith.addi %scan3A_52, %scan3A_53 : i32
        %scan3A_55 = arith.constant 1 : i32
        scf.for %scan3A_57 = %scan3A_52 to %scan3A_54 step %scan3A_55  : i32 {
          %mul3A_58 = arith.constant 4 : i32
          %mul3A_59 = arith.muli %scan3A_57, %mul3A_58 : i32
          %add3A_60 = arith.constant 0 : i32
          %add3A_61 = arith.addi %mul3A_59, %add3A_60 : i32
          %get3A = arith.index_cast %add3A_61 : i32 to index
          %get3A_62 = arith.constant 0 : index
          %get3A_63 = tpu.vector_load %arg11[%get3A, %get3A_62] {strides = array<i32>} : memref<80x128xf32, #tpu.memory_space<vmem>>, vector<1x16xf32>,
          %get3A_64 = vector.shape_cast %get3A_63 : vector<1x16xf32> to vector<16xf32>
          %get3A_65 = arith.index_cast %add3A_61 : i32 to index
          %get3A_66 = arith.constant 0 : index
          %get3A_67 = tpu.vector_load %arg12[%get3A_65, %get3A_66] {strides = array<i32>} : memref<80x128xf32, #tpu.memory_space<vmem>>, vector<1x16xf32>,
          %get3A_68 = vector.shape_cast %get3A_67 : vector<1x16xf32> to vector<16xf32>
          %add3A_69 = arith.addf %get3A_64, %get3A_68 : vector<16xf32>
          %max3A = arith.constant 0.000000e+00 : f32
          %max3A_70 = vector.broadcast %max3A : f32 to vector<16xf32>
          %max3A_71 = arith.maximumf %add3A_69, %max3A_70 : vector<16xf32>
          %swap3A = arith.index_cast %add3A_61 : i32 to index
          %swap3A_72 = arith.constant 0 : index
          %swap3A_73 = tpu.vector_load %arg11[%swap3A, %swap3A_72] {strides = array<i32>} : memref<80x128xf32, #tpu.memory_space<vmem>>, vector<1x16xf32>,
          %swap3A_74 = vector.shape_cast %swap3A_73 : vector<1x16xf32> to vector<16xf32>
          %swap3A_75 = vector.shape_cast %max3A_71 : vector<16xf32> to vector<1x16xf32>
          tpu.vector_store %arg11[%swap3A, %swap3A_72], %swap3A_75 {strides = array<i32>} : memref<80x128xf32, #tpu.memory_space<vmem>>, vector<1x16xf32>,
          %mul3A_76 = arith.constant 4 : i32
          %mul3A_77 = arith.muli %scan3A_57, %mul3A_76 : i32
          %add3A_78 = arith.constant 0 : i32
          %add3A_79 = arith.addi %mul3A_77, %add3A_78 : i32
          %get3A_80 = arith.index_cast %add3A_79 : i32 to index
          %get3A_81 = arith.constant 16 : index
          %get3A_82 = tpu.vector_load %arg11[%get3A_80, %get3A_81] {strides = array<i32>} : memref<80x128xf32, #tpu.memory_space<vmem>>, vector<1x16xf32>,
          %get3A_83 = vector.shape_cast %get3A_82 : vector<1x16xf32> to vector<16xf32>
          %get3A_84 = arith.index_cast %add3A_79 : i32 to index
          %get3A_85 = arith.constant 16 : index
          %get3A_86 = tpu.vector_load %arg12[%get3A_84, %get3A_85] {strides = array<i32>} : memref<80x128xf32, #tpu.memory_space<vmem>>, vector<1x16xf32>,
          %get3A_87 = vector.shape_cast %get3A_86 : vector<1x16xf32> to vector<16xf32>
          %add3A_88 = arith.addf %get3A_83, %get3A_87 : vector<16xf32>
          %max3A_89 = arith.constant 0.000000e+00 : f32
          %max3A_90 = vector.broadcast %max3A_89 : f32 to vector<16xf32>
          %max3A_91 = arith.maximumf %add3A_88, %max3A_90 : vector<16xf32>
          %swap3A_92 = arith.index_cast %add3A_79 : i32 to index
          %swap3A_93 = arith.constant 16 : index
          %swap3A_94 = tpu.vector_load %arg11[%swap3A_92, %swap3A_93] {strides = array<i32>} : memref<80x128xf32, #tpu.memory_space<vmem>>, vector<1x16xf32>,
          %swap3A_95 = vector.shape_cast %swap3A_94 : vector<1x16xf32> to vector<16xf32>
          %swap3A_96 = vector.shape_cast %max3A_91 : vector<16xf32> to vector<1x16xf32>
          tpu.vector_store %arg11[%swap3A_92, %swap3A_93], %swap3A_96 {strides = array<i32>} : memref<80x128xf32, #tpu.memory_space<vmem>>, vector<1x16xf32>,
          %mul3A_97 = arith.constant 4 : i32
          %mul3A_98 = arith.muli %scan3A_57, %mul3A_97 : i32
          %add3A_99 = arith.constant 0 : i32
          %add3A_100 = arith.addi %mul3A_98, %add3A_99 : i32
          %get3A_101 = arith.index_cast %add3A_100 : i32 to index
          %get3A_102 = arith.constant 32 : index
          %get3A_103 = tpu.vector_load %arg11[%get3A_101, %get3A_102] {strides = array<i32>} : memref<80x128xf32, #tpu.memory_space<vmem>>, vector<1x16xf32>,
          %get3A_104 = vector.shape_cast %get3A_103 : vector<1x16xf32> to vector<16xf32>
          %get3A_105 = arith.index_cast %add3A_100 : i32 to index
          %get3A_106 = arith.constant 32 : index
          %get3A_107 = tpu.vector_load %arg12[%get3A_105, %get3A_106] {strides = array<i32>} : memref<80x128xf32, #tpu.memory_space<vmem>>, vector<1x16xf32>,
          %get3A_108 = vector.shape_cast %get3A_107 : vector<1x16xf32> to vector<16xf32>
          %add3A_109 = arith.addf %get3A_104, %get3A_108 : vector<16xf32>
          %max3A_110 = arith.constant 0.000000e+00 : f32
          %max3A_111 = vector.broadcast %max3A_110 : f32 to vector<16xf32>
          %max3A_112 = arith.maximumf %add3A_109, %max3A_111 : vector<16xf32>
          %swap3A_113 = arith.index_cast %add3A_100 : i32 to index
          %swap3A_114 = arith.constant 32 : index
          %swap3A_115 = tpu.vector_load %arg11[%swap3A_113, %swap3A_114] {strides = array<i32>} : memref<80x128xf32, #tpu.memory_space<vmem>>, vector<1x16xf32>,
          %swap3A_116 = vector.shape_cast %swap3A_115 : vector<1x16xf32> to vector<16xf32>
          %swap3A_117 = vector.shape_cast %max3A_112 : vector<16xf32> to vector<1x16xf32>
          tpu.vector_store %arg11[%swap3A_113, %swap3A_114], %swap3A_117 {strides = array<i32>} : memref<80x128xf32, #tpu.memory_space<vmem>>, vector<1x16xf32>,
          %mul3A_118 = arith.constant 4 : i32
          %mul3A_119 = arith.muli %scan3A_57, %mul3A_118 : i32
          %add3A_120 = arith.constant 0 : i32
          %add3A_121 = arith.addi %mul3A_119, %add3A_120 : i32
          %get3A_122 = arith.index_cast %add3A_121 : i32 to index
          %get3A_123 = arith.constant 48 : index
          %get3A_124 = tpu.vector_load %arg11[%get3A_122, %get3A_123] {strides = array<i32>} : memref<80x128xf32, #tpu.memory_space<vmem>>, vector<1x16xf32>,
          %get3A_125 = vector.shape_cast %get3A_124 : vector<1x16xf32> to vector<16xf32>
          %get3A_126 = arith.index_cast %add3A_121 : i32 to index
          %get3A_127 = arith.constant 48 : index
          %get3A_128 = tpu.vector_load %arg12[%get3A_126, %get3A_127] {strides = array<i32>} : memref<80x128xf32, #tpu.memory_space<vmem>>, vector<1x16xf32>,
          %get3A_129 = vector.shape_cast %get3A_128 : vector<1x16xf32> to vector<16xf32>
          %add3A_130 = arith.addf %get3A_125, %get3A_129 : vector<16xf32>
          %max3A_131 = arith.constant 0.000000e+00 : f32
          %max3A_132 = vector.broadcast %max3A_131 : f32 to vector<16xf32>
          %max3A_133 = arith.maximumf %add3A_130, %max3A_132 : vector<16xf32>
          %swap3A_134 = arith.index_cast %add3A_121 : i32 to index
          %swap3A_135 = arith.constant 48 : index
          %swap3A_136 = tpu.vector_load %arg11[%swap3A_134, %swap3A_135] {strides = array<i32>} : memref<80x128xf32, #tpu.memory_space<vmem>>, vector<1x16xf32>,
          %swap3A_137 = vector.shape_cast %swap3A_136 : vector<1x16xf32> to vector<16xf32>
          %swap3A_138 = vector.shape_cast %max3A_133 : vector<16xf32> to vector<1x16xf32>
          tpu.vector_store %arg11[%swap3A_134, %swap3A_135], %swap3A_138 {strides = array<i32>} : memref<80x128xf32, #tpu.memory_space<vmem>>, vector<1x16xf32>,
          %mul3A_139 = arith.constant 4 : i32
          %mul3A_140 = arith.muli %scan3A_57, %mul3A_139 : i32
          %add3A_141 = arith.constant 0 : i32
          %add3A_142 = arith.addi %mul3A_140, %add3A_141 : i32
          %get3A_143 = arith.index_cast %add3A_142 : i32 to index
          %get3A_144 = arith.constant 64 : index
          %get3A_145 = tpu.vector_load %arg11[%get3A_143, %get3A_144] {strides = array<i32>} : memref<80x128xf32, #tpu.memory_space<vmem>>, vector<1x16xf32>,
          %get3A_146 = vector.shape_cast %get3A_145 : vector<1x16xf32> to vector<16xf32>
          %get3A_147 = arith.index_cast %add3A_142 : i32 to index
          %get3A_148 = arith.constant 64 : index
          %get3A_149 = tpu.vector_load %arg12[%get3A_147, %get3A_148] {strides = array<i32>} : memref<80x128xf32, #tpu.memory_space<vmem>>, vector<1x16xf32>,
          %get3A_150 = vector.shape_cast %get3A_149 : vector<1x16xf32> to vector<16xf32>
          %add3A_151 = arith.addf %get3A_146, %get3A_150 : vector<16xf32>
          %max3A_152 = arith.constant 0.000000e+00 : f32
          %max3A_153 = vector.broadcast %max3A_152 : f32 to vector<16xf32>
          %max3A_154 = arith.maximumf %add3A_151, %max3A_153 : vector<16xf32>
          %swap3A_155 = arith.index_cast %add3A_142 : i32 to index
          %swap3A_156 = arith.constant 64 : index
          %swap3A_157 = tpu.vector_load %arg11[%swap3A_155, %swap3A_156] {strides = array<i32>} : memref<80x128xf32, #tpu.memory_space<vmem>>, vector<1x16xf32>,
          %swap3A_158 = vector.shape_cast %swap3A_157 : vector<1x16xf32> to vector<16xf32>
          %swap3A_159 = vector.shape_cast %max3A_154 : vector<16xf32> to vector<1x16xf32>
          tpu.vector_store %arg11[%swap3A_155, %swap3A_156], %swap3A_159 {strides = array<i32>} : memref<80x128xf32, #tpu.memory_space<vmem>>, vector<1x16xf32>,
          %mul3A_160 = arith.constant 4 : i32
          %mul3A_161 = arith.muli %scan3A_57, %mul3A_160 : i32
          %add3A_162 = arith.constant 0 : i32
          %add3A_163 = arith.addi %mul3A_161, %add3A_162 : i32
          %get3A_164 = arith.index_cast %add3A_163 : i32 to index
          %get3A_165 = arith.constant 80 : index
          %get3A_166 = tpu.vector_load %arg11[%get3A_164, %get3A_165] {strides = array<i32>} : memref<80x128xf32, #tpu.memory_space<vmem>>, vector<1x16xf32>,
          %get3A_167 = vector.shape_cast %get3A_166 : vector<1x16xf32> to vector<16xf32>
          %get3A_168 = arith.index_cast %add3A_163 : i32 to index
          %get3A_169 = arith.constant 80 : index
          %get3A_170 = tpu.vector_load %arg12[%get3A_168, %get3A_169] {strides = array<i32>} : memref<80x128xf32, #tpu.memory_space<vmem>>, vector<1x16xf32>,
          %get3A_171 = vector.shape_cast %get3A_170 : vector<1x16xf32> to vector<16xf32>
          %add3A_172 = arith.addf %get3A_167, %get3A_171 : vector<16xf32>
          %max3A_173 = arith.constant 0.000000e+00 : f32
          %max3A_174 = vector.broadcast %max3A_173 : f32 to vector<16xf32>
          %max3A_175 = arith.maximumf %add3A_172, %max3A_174 : vector<16xf32>
          %swap3A_176 = arith.index_cast %add3A_163 : i32 to index
          %swap3A_177 = arith.constant 80 : index
          %swap3A_178 = tpu.vector_load %arg11[%swap3A_176, %swap3A_177] {strides = array<i32>} : memref<80x128xf32, #tpu.memory_space<vmem>>, vector<1x16xf32>,
          %swap3A_179 = vector.shape_cast %swap3A_178 : vector<1x16xf32> to vector<16xf32>
          %swap3A_180 = vector.shape_cast %max3A_175 : vector<16xf32> to vector<1x16xf32>
          tpu.vector_store %arg11[%swap3A_176, %swap3A_177], %swap3A_180 {strides = array<i32>} : memref<80x128xf32, #tpu.memory_space<vmem>>, vector<1x16xf32>,
          %mul3A_181 = arith.constant 4 : i32
          %mul3A_182 = arith.muli %scan3A_57, %mul3A_181 : i32
          %add3A_183 = arith.constant 0 : i32
          %add3A_184 = arith.addi %mul3A_182, %add3A_183 : i32
          %get3A_185 = arith.index_cast %add3A_184 : i32 to index
          %get3A_186 = arith.constant 96 : index
          %get3A_187 = tpu.vector_load %arg11[%get3A_185, %get3A_186] {strides = array<i32>} : memref<80x128xf32, #tpu.memory_space<vmem>>, vector<1x16xf32>,
          %get3A_188 = vector.shape_cast %get3A_187 : vector<1x16xf32> to vector<16xf32>
          %get3A_189 = arith.index_cast %add3A_184 : i32 to index
          %get3A_190 = arith.constant 96 : index
          %get3A_191 = tpu.vector_load %arg12[%get3A_189, %get3A_190] {strides = array<i32>} : memref<80x128xf32, #tpu.memory_space<vmem>>, vector<1x16xf32>,
          %get3A_192 = vector.shape_cast %get3A_191 : vector<1x16xf32> to vector<16xf32>
          %add3A_193 = arith.addf %get3A_188, %get3A_192 : vector<16xf32>
          %max3A_194 = arith.constant 0.000000e+00 : f32
          %max3A_195 = vector.broadcast %max3A_194 : f32 to vector<16xf32>
          %max3A_196 = arith.maximumf %add3A_193, %max3A_195 : vector<16xf32>
          %swap3A_197 = arith.index_cast %add3A_184 : i32 to index
          %swap3A_198 = arith.constant 96 : index
          %swap3A_199 = tpu.vector_load %arg11[%swap3A_197, %swap3A_198] {strides = array<i32>} : memref<80x128xf32, #tpu.memory_space<vmem>>, vector<1x16xf32>,
          %swap3A_200 = vector.shape_cast %swap3A_199 : vector<1x16xf32> to vector<16xf32>
          %swap3A_201 = vector.shape_cast %max3A_196 : vector<16xf32> to vector<1x16xf32>
          tpu.vector_store %arg11[%swap3A_197, %swap3A_198], %swap3A_201 {strides = array<i32>} : memref<80x128xf32, #tpu.memory_space<vmem>>, vector<1x16xf32>,
          %mul3A_202 = arith.constant 4 : i32
          %mul3A_203 = arith.muli %scan3A_57, %mul3A_202 : i32
          %add3A_204 = arith.constant 0 : i32
          %add3A_205 = arith.addi %mul3A_203, %add3A_204 : i32
          %get3A_206 = arith.index_cast %add3A_205 : i32 to index
          %get3A_207 = arith.constant 112 : index
          %get3A_208 = tpu.vector_load %arg11[%get3A_206, %get3A_207] {strides = array<i32>} : memref<80x128xf32, #tpu.memory_space<vmem>>, vector<1x16xf32>,
          %get3A_209 = vector.shape_cast %get3A_208 : vector<1x16xf32> to vector<16xf32>
          %get3A_210 = arith.index_cast %add3A_205 : i32 to index
          %get3A_211 = arith.constant 112 : index
          %get3A_212 = tpu.vector_load %arg12[%get3A_210, %get3A_211] {strides = array<i32>} : memref<80x128xf32, #tpu.memory_space<vmem>>, vector<1x16xf32>,
          %get3A_213 = vector.shape_cast %get3A_212 : vector<1x16xf32> to vector<16xf32>
          %add3A_214 = arith.addf %get3A_209, %get3A_213 : vector<16xf32>
          %max3A_215 = arith.constant 0.000000e+00 : f32
          %max3A_216 = vector.broadcast %max3A_215 : f32 to vector<16xf32>
          %max3A_217 = arith.maximumf %add3A_214, %max3A_216 : vector<16xf32>
          %swap3A_218 = arith.index_cast %add3A_205 : i32 to index
          %swap3A_219 = arith.constant 112 : index
          %swap3A_220 = tpu.vector_load %arg11[%swap3A_218, %swap3A_219] {strides = array<i32>} : memref<80x128xf32, #tpu.memory_space<vmem>>, vector<1x16xf32>,
          %swap3A_221 = vector.shape_cast %swap3A_220 : vector<1x16xf32> to vector<16xf32>
          %swap3A_222 = vector.shape_cast %max3A_217 : vector<16xf32> to vector<1x16xf32>
          tpu.vector_store %arg11[%swap3A_218, %swap3A_219], %swap3A_222 {strides = array<i32>} : memref<80x128xf32, #tpu.memory_space<vmem>>, vector<1x16xf32>,
          %mul3A_223 = arith.constant 4 : i32
          %mul3A_224 = arith.muli %scan3A_57, %mul3A_223 : i32
          %add3A_225 = arith.constant 1 : i32
          %add3A_226 = arith.addi %mul3A_224, %add3A_225 : i32
          %get3A_227 = arith.index_cast %add3A_226 : i32 to index
          %get3A_228 = arith.constant 0 : index
          %get3A_229 = tpu.vector_load %arg11[%get3A_227, %get3A_228] {strides = array<i32>} : memref<80x128xf32, #tpu.memory_space<vmem>>, vector<1x16xf32>,
          %get3A_230 = vector.shape_cast %get3A_229 : vector<1x16xf32> to vector<16xf32>
          %get3A_231 = arith.index_cast %add3A_226 : i32 to index
          %get3A_232 = arith.constant 0 : index
          %get3A_233 = tpu.vector_load %arg12[%get3A_231, %get3A_232] {strides = array<i32>} : memref<80x128xf32, #tpu.memory_space<vmem>>, vector<1x16xf32>,
          %get3A_234 = vector.shape_cast %get3A_233 : vector<1x16xf32> to vector<16xf32>
          %add3A_235 = arith.addf %get3A_230, %get3A_234 : vector<16xf32>
          %max3A_236 = arith.constant 0.000000e+00 : f32
          %max3A_237 = vector.broadcast %max3A_236 : f32 to vector<16xf32>
          %max3A_238 = arith.maximumf %add3A_235, %max3A_237 : vector<16xf32>
          %swap3A_239 = arith.index_cast %add3A_226 : i32 to index
          %swap3A_240 = arith.constant 0 : index
          %swap3A_241 = tpu.vector_load %arg11[%swap3A_239, %swap3A_240] {strides = array<i32>} : memref<80x128xf32, #tpu.memory_space<vmem>>, vector<1x16xf32>,
          %swap3A_242 = vector.shape_cast %swap3A_241 : vector<1x16xf32> to vector<16xf32>
          %swap3A_243 = vector.shape_cast %max3A_238 : vector<16xf32> to vector<1x16xf32>
          tpu.vector_store %arg11[%swap3A_239, %swap3A_240], %swap3A_243 {strides = array<i32>} : memref<80x128xf32, #tpu.memory_space<vmem>>, vector<1x16xf32>,
          %mul3A_244 = arith.constant 4 : i32
          %mul3A_245 = arith.muli %scan3A_57, %mul3A_244 : i32
          %add3A_246 = arith.constant 1 : i32
          %add3A_247 = arith.addi %mul3A_245, %add3A_246 : i32
          %get3A_248 = arith.index_cast %add3A_247 : i32 to index
          %get3A_249 = arith.constant 16 : index
          %get3A_250 = tpu.vector_load %arg11[%get3A_248, %get3A_249] {strides = array<i32>} : memref<80x128xf32, #tpu.memory_space<vmem>>, vector<1x16xf32>,
          %get3A_251 = vector.shape_cast %get3A_250 : vector<1x16xf32> to vector<16xf32>
          %get3A_252 = arith.index_cast %add3A_247 : i32 to index
          %get3A_253 = arith.constant 16 : index
          %get3A_254 = tpu.vector_load %arg12[%get3A_252, %get3A_253] {strides = array<i32>} : memref<80x128xf32, #tpu.memory_space<vmem>>, vector<1x16xf32>,
          %get3A_255 = vector.shape_cast %get3A_254 : vector<1x16xf32> to vector<16xf32>
          %add3A_256 = arith.addf %get3A_251, %get3A_255 : vector<16xf32>
          %max3A_257 = arith.constant 0.000000e+00 : f32
          %max3A_258 = vector.broadcast %max3A_257 : f32 to vector<16xf32>
          %max3A_259 = arith.maximumf %add3A_256, %max3A_258 : vector<16xf32>
          %swap3A_260 = arith.index_cast %add3A_247 : i32 to index
          %swap3A_261 = arith.constant 16 : index
          %swap3A_262 = tpu.vector_load %arg11[%swap3A_260, %swap3A_261] {strides = array<i32>} : memref<80x128xf32, #tpu.memory_space<vmem>>, vector<1x16xf32>,
          %swap3A_263 = vector.shape_cast %swap3A_262 : vector<1x16xf32> to vector<16xf32>
          %swap3A_264 = vector.shape_cast %max3A_259 : vector<16xf32> to vector<1x16xf32>
          tpu.vector_store %arg11[%swap3A_260, %swap3A_261], %swap3A_264 {strides = array<i32>} : memref<80x128xf32, #tpu.memory_space<vmem>>, vector<1x16xf32>,
          %mul3A_265 = arith.constant 4 : i32
          %mul3A_266 = arith.muli %scan3A_57, %mul3A_265 : i32
          %add3A_267 = arith.constant 1 : i32
          %add3A_268 = arith.addi %mul3A_266, %add3A_267 : i32
          %get3A_269 = arith.index_cast %add3A_268 : i32 to index
          %get3A_270 = arith.constant 32 : index
          %get3A_271 = tpu.vector_load %arg11[%get3A_269, %get3A_270] {strides = array<i32>} : memref<80x128xf32, #tpu.memory_space<vmem>>, vector<1x16xf32>,
          %get3A_272 = vector.shape_cast %get3A_271 : vector<1x16xf32> to vector<16xf32>
          %get3A_273 = arith.index_cast %add3A_268 : i32 to index
          %get3A_274 = arith.constant 32 : index
          %get3A_275 = tpu.vector_load %arg12[%get3A_273, %get3A_274] {strides = array<i32>} : memref<80x128xf32, #tpu.memory_space<vmem>>, vector<1x16xf32>,
          %get3A_276 = vector.shape_cast %get3A_275 : vector<1x16xf32> to vector<16xf32>
          %add3A_277 = arith.addf %get3A_272, %get3A_276 : vector<16xf32>
          %max3A_278 = arith.constant 0.000000e+00 : f32
          %max3A_279 = vector.broadcast %max3A_278 : f32 to vector<16xf32>
          %max3A_280 = arith.maximumf %add3A_277, %max3A_279 : vector<16xf32>
          %swap3A_281 = arith.index_cast %add3A_268 : i32 to index
          %swap3A_282 = arith.constant 32 : index
          %swap3A_283 = tpu.vector_load %arg11[%swap3A_281, %swap3A_282] {strides = array<i32>} : memref<80x128xf32, #tpu.memory_space<vmem>>, vector<1x16xf32>,
          %swap3A_284 = vector.shape_cast %swap3A_283 : vector<1x16xf32> to vector<16xf32>
          %swap3A_285 = vector.shape_cast %max3A_280 : vector<16xf32> to vector<1x16xf32>
          tpu.vector_store %arg11[%swap3A_281, %swap3A_282], %swap3A_285 {strides = array<i32>} : memref<80x128xf32, #tpu.memory_space<vmem>>, vector<1x16xf32>,
          %mul3A_286 = arith.constant 4 : i32
          %mul3A_287 = arith.muli %scan3A_57, %mul3A_286 : i32
          %add3A_288 = arith.constant 1 : i32
          %add3A_289 = arith.addi %mul3A_287, %add3A_288 : i32
          %get3A_290 = arith.index_cast %add3A_289 : i32 to index
          %get3A_291 = arith.constant 48 : index
          %get3A_292 = tpu.vector_load %arg11[%get3A_290, %get3A_291] {strides = array<i32>} : memref<80x128xf32, #tpu.memory_space<vmem>>, vector<1x16xf32>,
          %get3A_293 = vector.shape_cast %get3A_292 : vector<1x16xf32> to vector<16xf32>
          %get3A_294 = arith.index_cast %add3A_289 : i32 to index
          %get3A_295 = arith.constant 48 : index
          %get3A_296 = tpu.vector_load %arg12[%get3A_294, %get3A_295] {strides = array<i32>} : memref<80x128xf32, #tpu.memory_space<vmem>>, vector<1x16xf32>,
          %get3A_297 = vector.shape_cast %get3A_296 : vector<1x16xf32> to vector<16xf32>
          %add3A_298 = arith.addf %get3A_293, %get3A_297 : vector<16xf32>
          %max3A_299 = arith.constant 0.000000e+00 : f32
          %max3A_300 = vector.broadcast %max3A_299 : f32 to vector<16xf32>
          %max3A_301 = arith.maximumf %add3A_298, %max3A_300 : vector<16xf32>
          %swap3A_302 = arith.index_cast %add3A_289 : i32 to index
          %swap3A_303 = arith.constant 48 : index
          %swap3A_304 = tpu.vector_load %arg11[%swap3A_302, %swap3A_303] {strides = array<i32>} : memref<80x128xf32, #tpu.memory_space<vmem>>, vector<1x16xf32>,
          %swap3A_305 = vector.shape_cast %swap3A_304 : vector<1x16xf32> to vector<16xf32>
          %swap3A_306 = vector.shape_cast %max3A_301 : vector<16xf32> to vector<1x16xf32>
          tpu.vector_store %arg11[%swap3A_302, %swap3A_303], %swap3A_306 {strides = array<i32>} : memref<80x128xf32, #tpu.memory_space<vmem>>, vector<1x16xf32>,
          %mul3A_307 = arith.constant 4 : i32
          %mul3A_308 = arith.muli %scan3A_57, %mul3A_307 : i32
          %add3A_309 = arith.constant 1 : i32
          %add3A_310 = arith.addi %mul3A_308, %add3A_309 : i32
          %get3A_311 = arith.index_cast %add3A_310 : i32 to index
          %get3A_312 = arith.constant 64 : index
          %get3A_313 = tpu.vector_load %arg11[%get3A_311, %get3A_312] {strides = array<i32>} : memref<80x128xf32, #tpu.memory_space<vmem>>, vector<1x16xf32>,
          %get3A_314 = vector.shape_cast %get3A_313 : vector<1x16xf32> to vector<16xf32>
          %get3A_315 = arith.index_cast %add3A_310 : i32 to index
          %get3A_316 = arith.constant 64 : index
          %get3A_317 = tpu.vector_load %arg12[%get3A_315, %get3A_316] {strides = array<i32>} : memref<80x128xf32, #tpu.memory_space<vmem>>, vector<1x16xf32>,
          %get3A_318 = vector.shape_cast %get3A_317 : vector<1x16xf32> to vector<16xf32>
          %add3A_319 = arith.addf %get3A_314, %get3A_318 : vector<16xf32>
          %max3A_320 = arith.constant 0.000000e+00 : f32
          %max3A_321 = vector.broadcast %max3A_320 : f32 to vector<16xf32>
          %max3A_322 = arith.maximumf %add3A_319, %max3A_321 : vector<16xf32>
          %swap3A_323 = arith.index_cast %add3A_310 : i32 to index
          %swap3A_324 = arith.constant 64 : index
          %swap3A_325 = tpu.vector_load %arg11[%swap3A_323, %swap3A_324] {strides = array<i32>} : memref<80x128xf32, #tpu.memory_space<vmem>>, vector<1x16xf32>,
          %swap3A_326 = vector.shape_cast %swap3A_325 : vector<1x16xf32> to vector<16xf32>
          %swap3A_327 = vector.shape_cast %max3A_322 : vector<16xf32> to vector<1x16xf32>
          tpu.vector_store %arg11[%swap3A_323, %swap3A_324], %swap3A_327 {strides = array<i32>} : memref<80x128xf32, #tpu.memory_space<vmem>>, vector<1x16xf32>,
          %mul3A_328 = arith.constant 4 : i32
          %mul3A_329 = arith.muli %scan3A_57, %mul3A_328 : i32
          %add3A_330 = arith.constant 1 : i32
          %add3A_331 = arith.addi %mul3A_329, %add3A_330 : i32
          %get3A_332 = arith.index_cast %add3A_331 : i32 to index
          %get3A_333 = arith.constant 80 : index
          %get3A_334 = tpu.vector_load %arg11[%get3A_332, %get3A_333] {strides = array<i32>} : memref<80x128xf32, #tpu.memory_space<vmem>>, vector<1x16xf32>,
          %get3A_335 = vector.shape_cast %get3A_334 : vector<1x16xf32> to vector<16xf32>
          %get3A_336 = arith.index_cast %add3A_331 : i32 to index
          %get3A_337 = arith.constant 80 : index
          %get3A_338 = tpu.vector_load %arg12[%get3A_336, %get3A_337] {strides = array<i32>} : memref<80x128xf32, #tpu.memory_space<vmem>>, vector<1x16xf32>,
          %get3A_339 = vector.shape_cast %get3A_338 : vector<1x16xf32> to vector<16xf32>
          %add3A_340 = arith.addf %get3A_335, %get3A_339 : vector<16xf32>
          %max3A_341 = arith.constant 0.000000e+00 : f32
          %max3A_342 = vector.broadcast %max3A_341 : f32 to vector<16xf32>
          %max3A_343 = arith.maximumf %add3A_340, %max3A_342 : vector<16xf32>
          %swap3A_344 = arith.index_cast %add3A_331 : i32 to index
          %swap3A_345 = arith.constant 80 : index
          %swap3A_346 = tpu.vector_load %arg11[%swap3A_344, %swap3A_345] {strides = array<i32>} : memref<80x128xf32, #tpu.memory_space<vmem>>, vector<1x16xf32>,
          %swap3A_347 = vector.shape_cast %swap3A_346 : vector<1x16xf32> to vector<16xf32>
          %swap3A_348 = vector.shape_cast %max3A_343 : vector<16xf32> to vector<1x16xf32>
          tpu.vector_store %arg11[%swap3A_344, %swap3A_345], %swap3A_348 {strides = array<i32>} : memref<80x128xf32, #tpu.memory_space<vmem>>, vector<1x16xf32>,
          %mul3A_349 = arith.constant 4 : i32
          %mul3A_350 = arith.muli %scan3A_57, %mul3A_349 : i32
          %add3A_351 = arith.constant 1 : i32
          %add3A_352 = arith.addi %mul3A_350, %add3A_351 : i32
          %get3A_353 = arith.index_cast %add3A_352 : i32 to index
          %get3A_354 = arith.constant 96 : index
          %get3A_355 = tpu.vector_load %arg11[%get3A_353, %get3A_354] {strides = array<i32>} : memref<80x128xf32, #tpu.memory_space<vmem>>, vector<1x16xf32>,
          %get3A_356 = vector.shape_cast %get3A_355 : vector<1x16xf32> to vector<16xf32>
          %get3A_357 = arith.index_cast %add3A_352 : i32 to index
          %get3A_358 = arith.constant 96 : index
          %get3A_359 = tpu.vector_load %arg12[%get3A_357, %get3A_358] {strides = array<i32>} : memref<80x128xf32, #tpu.memory_space<vmem>>, vector<1x16xf32>,
          %get3A_360 = vector.shape_cast %get3A_359 : vector<1x16xf32> to vector<16xf32>
          %add3A_361 = arith.addf %get3A_356, %get3A_360 : vector<16xf32>
          %max3A_362 = arith.constant 0.000000e+00 : f32
          %max3A_363 = vector.broadcast %max3A_362 : f32 to vector<16xf32>
          %max3A_364 = arith.maximumf %add3A_361, %max3A_363 : vector<16xf32>
          %swap3A_365 = arith.index_cast %add3A_352 : i32 to index
          %swap3A_366 = arith.constant 96 : index
          %swap3A_367 = tpu.vector_load %arg11[%swap3A_365, %swap3A_366] {strides = array<i32>} : memref<80x128xf32, #tpu.memory_space<vmem>>, vector<1x16xf32>,
          %swap3A_368 = vector.shape_cast %swap3A_367 : vector<1x16xf32> to vector<16xf32>
          %swap3A_369 = vector.shape_cast %max3A_364 : vector<16xf32> to vector<1x16xf32>
          tpu.vector_store %arg11[%swap3A_365, %swap3A_366], %swap3A_369 {strides = array<i32>} : memref<80x128xf32, #tpu.memory_space<vmem>>, vector<1x16xf32>,
          %mul3A_370 = arith.constant 4 : i32
          %mul3A_371 = arith.muli %scan3A_57, %mul3A_370 : i32
          %add3A_372 = arith.constant 1 : i32
          %add3A_373 = arith.addi %mul3A_371, %add3A_372 : i32
          %get3A_374 = arith.index_cast %add3A_373 : i32 to index
          %get3A_375 = arith.constant 112 : index
          %get3A_376 = tpu.vector_load %arg11[%get3A_374, %get3A_375] {strides = array<i32>} : memref<80x128xf32, #tpu.memory_space<vmem>>, vector<1x16xf32>,
          %get3A_377 = vector.shape_cast %get3A_376 : vector<1x16xf32> to vector<16xf32>
          %get3A_378 = arith.index_cast %add3A_373 : i32 to index
          %get3A_379 = arith.constant 112 : index
          %get3A_380 = tpu.vector_load %arg12[%get3A_378, %get3A_379] {strides = array<i32>} : memref<80x128xf32, #tpu.memory_space<vmem>>, vector<1x16xf32>,
          %get3A_381 = vector.shape_cast %get3A_380 : vector<1x16xf32> to vector<16xf32>
          %add3A_382 = arith.addf %get3A_377, %get3A_381 : vector<16xf32>
          %max3A_383 = arith.constant 0.000000e+00 : f32
          %max3A_384 = vector.broadcast %max3A_383 : f32 to vector<16xf32>
          %max3A_385 = arith.maximumf %add3A_382, %max3A_384 : vector<16xf32>
          %swap3A_386 = arith.index_cast %add3A_373 : i32 to index
          %swap3A_387 = arith.constant 112 : index
          %swap3A_388 = tpu.vector_load %arg11[%swap3A_386, %swap3A_387] {strides = array<i32>} : memref<80x128xf32, #tpu.memory_space<vmem>>, vector<1x16xf32>,
          %swap3A_389 = vector.shape_cast %swap3A_388 : vector<1x16xf32> to vector<16xf32>
          %swap3A_390 = vector.shape_cast %max3A_385 : vector<16xf32> to vector<1x16xf32>
          tpu.vector_store %arg11[%swap3A_386, %swap3A_387], %swap3A_390 {strides = array<i32>} : memref<80x128xf32, #tpu.memory_space<vmem>>, vector<1x16xf32>,
          %mul3A_391 = arith.constant 4 : i32
          %mul3A_392 = arith.muli %scan3A_57, %mul3A_391 : i32
          %add3A_393 = arith.constant 2 : i32
          %add3A_394 = arith.addi %mul3A_392, %add3A_393 : i32
          %get3A_395 = arith.index_cast %add3A_394 : i32 to index
          %get3A_396 = arith.constant 0 : index
          %get3A_397 = tpu.vector_load %arg11[%get3A_395, %get3A_396] {strides = array<i32>} : memref<80x128xf32, #tpu.memory_space<vmem>>, vector<1x16xf32>,
          %get3A_398 = vector.shape_cast %get3A_397 : vector<1x16xf32> to vector<16xf32>
          %get3A_399 = arith.index_cast %add3A_394 : i32 to index
          %get3A_400 = arith.constant 0 : index
          %get3A_401 = tpu.vector_load %arg12[%get3A_399, %get3A_400] {strides = array<i32>} : memref<80x128xf32, #tpu.memory_space<vmem>>, vector<1x16xf32>,
          %get3A_402 = vector.shape_cast %get3A_401 : vector<1x16xf32> to vector<16xf32>
          %add3A_403 = arith.addf %get3A_398, %get3A_402 : vector<16xf32>
          %max3A_404 = arith.constant 0.000000e+00 : f32
          %max3A_405 = vector.broadcast %max3A_404 : f32 to vector<16xf32>
          %max3A_406 = arith.maximumf %add3A_403, %max3A_405 : vector<16xf32>
          %swap3A_407 = arith.index_cast %add3A_394 : i32 to index
          %swap3A_408 = arith.constant 0 : index
          %swap3A_409 = tpu.vector_load %arg11[%swap3A_407, %swap3A_408] {strides = array<i32>} : memref<80x128xf32, #tpu.memory_space<vmem>>, vector<1x16xf32>,
          %swap3A_410 = vector.shape_cast %swap3A_409 : vector<1x16xf32> to vector<16xf32>
          %swap3A_411 = vector.shape_cast %max3A_406 : vector<16xf32> to vector<1x16xf32>
          tpu.vector_store %arg11[%swap3A_407, %swap3A_408], %swap3A_411 {strides = array<i32>} : memref<80x128xf32, #tpu.memory_space<vmem>>, vector<1x16xf32>,
          %mul3A_412 = arith.constant 4 : i32
          %mul3A_413 = arith.muli %scan3A_57, %mul3A_412 : i32
          %add3A_414 = arith.constant 2 : i32
          %add3A_415 = arith.addi %mul3A_413, %add3A_414 : i32
          %get3A_416 = arith.index_cast %add3A_415 : i32 to index
          %get3A_417 = arith.constant 16 : index
          %get3A_418 = tpu.vector_load %arg11[%get3A_416, %get3A_417] {strides = array<i32>} : memref<80x128xf32, #tpu.memory_space<vmem>>, vector<1x16xf32>,
          %get3A_419 = vector.shape_cast %get3A_418 : vector<1x16xf32> to vector<16xf32>
          %get3A_420 = arith.index_cast %add3A_415 : i32 to index
          %get3A_421 = arith.constant 16 : index
          %get3A_422 = tpu.vector_load %arg12[%get3A_420, %get3A_421] {strides = array<i32>} : memref<80x128xf32, #tpu.memory_space<vmem>>, vector<1x16xf32>,
          %get3A_423 = vector.shape_cast %get3A_422 : vector<1x16xf32> to vector<16xf32>
          %add3A_424 = arith.addf %get3A_419, %get3A_423 : vector<16xf32>
          %max3A_425 = arith.constant 0.000000e+00 : f32
          %max3A_426 = vector.broadcast %max3A_425 : f32 to vector<16xf32>
          %max3A_427 = arith.maximumf %add3A_424, %max3A_426 : vector<16xf32>
          %swap3A_428 = arith.index_cast %add3A_415 : i32 to index
          %swap3A_429 = arith.constant 16 : index
          %swap3A_430 = tpu.vector_load %arg11[%swap3A_428, %swap3A_429] {strides = array<i32>} : memref<80x128xf32, #tpu.memory_space<vmem>>, vector<1x16xf32>,
          %swap3A_431 = vector.shape_cast %swap3A_430 : vector<1x16xf32> to vector<16xf32>
          %swap3A_432 = vector.shape_cast %max3A_427 : vector<16xf32> to vector<1x16xf32>
          tpu.vector_store %arg11[%swap3A_428, %swap3A_429], %swap3A_432 {strides = array<i32>} : memref<80x128xf32, #tpu.memory_space<vmem>>, vector<1x16xf32>,
          %mul3A_433 = arith.constant 4 : i32
          %mul3A_434 = arith.muli %scan3A_57, %mul3A_433 : i32
          %add3A_435 = arith.constant 2 : i32
          %add3A_436 = arith.addi %mul3A_434, %add3A_435 : i32
          %get3A_437 = arith.index_cast %add3A_436 : i32 to index
          %get3A_438 = arith.constant 32 : index
          %get3A_439 = tpu.vector_load %arg11[%get3A_437, %get3A_438] {strides = array<i32>} : memref<80x128xf32, #tpu.memory_space<vmem>>, vector<1x16xf32>,
          %get3A_440 = vector.shape_cast %get3A_439 : vector<1x16xf32> to vector<16xf32>
          %get3A_441 = arith.index_cast %add3A_436 : i32 to index
          %get3A_442 = arith.constant 32 : index
          %get3A_443 = tpu.vector_load %arg12[%get3A_441, %get3A_442] {strides = array<i32>} : memref<80x128xf32, #tpu.memory_space<vmem>>, vector<1x16xf32>,
          %get3A_444 = vector.shape_cast %get3A_443 : vector<1x16xf32> to vector<16xf32>
          %add3A_445 = arith.addf %get3A_440, %get3A_444 : vector<16xf32>
          %max3A_446 = arith.constant 0.000000e+00 : f32
          %max3A_447 = vector.broadcast %max3A_446 : f32 to vector<16xf32>
          %max3A_448 = arith.maximumf %add3A_445, %max3A_447 : vector<16xf32>
          %swap3A_449 = arith.index_cast %add3A_436 : i32 to index
          %swap3A_450 = arith.constant 32 : index
          %swap3A_451 = tpu.vector_load %arg11[%swap3A_449, %swap3A_450] {strides = array<i32>} : memref<80x128xf32, #tpu.memory_space<vmem>>, vector<1x16xf32>,
          %swap3A_452 = vector.shape_cast %swap3A_451 : vector<1x16xf32> to vector<16xf32>
          %swap3A_453 = vector.shape_cast %max3A_448 : vector<16xf32> to vector<1x16xf32>
          tpu.vector_store %arg11[%swap3A_449, %swap3A_450], %swap3A_453 {strides = array<i32>} : memref<80x128xf32, #tpu.memory_space<vmem>>, vector<1x16xf32>,
          %mul3A_454 = arith.constant 4 : i32
          %mul3A_455 = arith.muli %scan3A_57, %mul3A_454 : i32
          %add3A_456 = arith.constant 2 : i32
          %add3A_457 = arith.addi %mul3A_455, %add3A_456 : i32
          %get3A_458 = arith.index_cast %add3A_457 : i32 to index
          %get3A_459 = arith.constant 48 : index
          %get3A_460 = tpu.vector_load %arg11[%get3A_458, %get3A_459] {strides = array<i32>} : memref<80x128xf32, #tpu.memory_space<vmem>>, vector<1x16xf32>,
          %get3A_461 = vector.shape_cast %get3A_460 : vector<1x16xf32> to vector<16xf32>
          %get3A_462 = arith.index_cast %add3A_457 : i32 to index
          %get3A_463 = arith.constant 48 : index
          %get3A_464 = tpu.vector_load %arg12[%get3A_462, %get3A_463] {strides = array<i32>} : memref<80x128xf32, #tpu.memory_space<vmem>>, vector<1x16xf32>,
          %get3A_465 = vector.shape_cast %get3A_464 : vector<1x16xf32> to vector<16xf32>
          %add3A_466 = arith.addf %get3A_461, %get3A_465 : vector<16xf32>
          %max3A_467 = arith.constant 0.000000e+00 : f32
          %max3A_468 = vector.broadcast %max3A_467 : f32 to vector<16xf32>
          %max3A_469 = arith.maximumf %add3A_466, %max3A_468 : vector<16xf32>
          %swap3A_470 = arith.index_cast %add3A_457 : i32 to index
          %swap3A_471 = arith.constant 48 : index
          %swap3A_472 = tpu.vector_load %arg11[%swap3A_470, %swap3A_471] {strides = array<i32>} : memref<80x128xf32, #tpu.memory_space<vmem>>, vector<1x16xf32>,
          %swap3A_473 = vector.shape_cast %swap3A_472 : vector<1x16xf32> to vector<16xf32>
          %swap3A_474 = vector.shape_cast %max3A_469 : vector<16xf32> to vector<1x16xf32>
          tpu.vector_store %arg11[%swap3A_470, %swap3A_471], %swap3A_474 {strides = array<i32>} : memref<80x128xf32, #tpu.memory_space<vmem>>, vector<1x16xf32>,
          %mul3A_475 = arith.constant 4 : i32
          %mul3A_476 = arith.muli %scan3A_57, %mul3A_475 : i32
          %add3A_477 = arith.constant 2 : i32
          %add3A_478 = arith.addi %mul3A_476, %add3A_477 : i32
          %get3A_479 = arith.index_cast %add3A_478 : i32 to index
          %get3A_480 = arith.constant 64 : index
          %get3A_481 = tpu.vector_load %arg11[%get3A_479, %get3A_480] {strides = array<i32>} : memref<80x128xf32, #tpu.memory_space<vmem>>, vector<1x16xf32>,
          %get3A_482 = vector.shape_cast %get3A_481 : vector<1x16xf32> to vector<16xf32>
          %get3A_483 = arith.index_cast %add3A_478 : i32 to index
          %get3A_484 = arith.constant 64 : index
          %get3A_485 = tpu.vector_load %arg12[%get3A_483, %get3A_484] {strides = array<i32>} : memref<80x128xf32, #tpu.memory_space<vmem>>, vector<1x16xf32>,
          %get3A_486 = vector.shape_cast %get3A_485 : vector<1x16xf32> to vector<16xf32>
          %add3A_487 = arith.addf %get3A_482, %get3A_486 : vector<16xf32>
          %max3A_488 = arith.constant 0.000000e+00 : f32
          %max3A_489 = vector.broadcast %max3A_488 : f32 to vector<16xf32>
          %max3A_490 = arith.maximumf %add3A_487, %max3A_489 : vector<16xf32>
          %swap3A_491 = arith.index_cast %add3A_478 : i32 to index
          %swap3A_492 = arith.constant 64 : index
          %swap3A_493 = tpu.vector_load %arg11[%swap3A_491, %swap3A_492] {strides = array<i32>} : memref<80x128xf32, #tpu.memory_space<vmem>>, vector<1x16xf32>,
          %swap3A_494 = vector.shape_cast %swap3A_493 : vector<1x16xf32> to vector<16xf32>
          %swap3A_495 = vector.shape_cast %max3A_490 : vector<16xf32> to vector<1x16xf32>
          tpu.vector_store %arg11[%swap3A_491, %swap3A_492], %swap3A_495 {strides = array<i32>} : memref<80x128xf32, #tpu.memory_space<vmem>>, vector<1x16xf32>,
          %mul3A_496 = arith.constant 4 : i32
          %mul3A_497 = arith.muli %scan3A_57, %mul3A_496 : i32
          %add3A_498 = arith.constant 2 : i32
          %add3A_499 = arith.addi %mul3A_497, %add3A_498 : i32
          %get3A_500 = arith.index_cast %add3A_499 : i32 to index
          %get3A_501 = arith.constant 80 : index
          %get3A_502 = tpu.vector_load %arg11[%get3A_500, %get3A_501] {strides = array<i32>} : memref<80x128xf32, #tpu.memory_space<vmem>>, vector<1x16xf32>,
          %get3A_503 = vector.shape_cast %get3A_502 : vector<1x16xf32> to vector<16xf32>
          %get3A_504 = arith.index_cast %add3A_499 : i32 to index
          %get3A_505 = arith.constant 80 : index
          %get3A_506 = tpu.vector_load %arg12[%get3A_504, %get3A_505] {strides = array<i32>} : memref<80x128xf32, #tpu.memory_space<vmem>>, vector<1x16xf32>,
          %get3A_507 = vector.shape_cast %get3A_506 : vector<1x16xf32> to vector<16xf32>
          %add3A_508 = arith.addf %get3A_503, %get3A_507 : vector<16xf32>
          %max3A_509 = arith.constant 0.000000e+00 : f32
          %max3A_510 = vector.broadcast %max3A_509 : f32 to vector<16xf32>
          %max3A_511 = arith.maximumf %add3A_508, %max3A_510 : vector<16xf32>
          %swap3A_512 = arith.index_cast %add3A_499 : i32 to index
          %swap3A_513 = arith.constant 80 : index
          %swap3A_514 = tpu.vector_load %arg11[%swap3A_512, %swap3A_513] {strides = array<i32>} : memref<80x128xf32, #tpu.memory_space<vmem>>, vector<1x16xf32>,
          %swap3A_515 = vector.shape_cast %swap3A_514 : vector<1x16xf32> to vector<16xf32>
          %swap3A_516 = vector.shape_cast %max3A_511 : vector<16xf32> to vector<1x16xf32>
          tpu.vector_store %arg11[%swap3A_512, %swap3A_513], %swap3A_516 {strides = array<i32>} : memref<80x128xf32, #tpu.memory_space<vmem>>, vector<1x16xf32>,
          %mul3A_517 = arith.constant 4 : i32
          %mul3A_518 = arith.muli %scan3A_57, %mul3A_517 : i32
          %add3A_519 = arith.constant 2 : i32
          %add3A_520 = arith.addi %mul3A_518, %add3A_519 : i32
          %get3A_521 = arith.index_cast %add3A_520 : i32 to index
          %get3A_522 = arith.constant 96 : index
          %get3A_523 = tpu.vector_load %arg11[%get3A_521, %get3A_522] {strides = array<i32>} : memref<80x128xf32, #tpu.memory_space<vmem>>, vector<1x16xf32>,
          %get3A_524 = vector.shape_cast %get3A_523 : vector<1x16xf32> to vector<16xf32>
          %get3A_525 = arith.index_cast %add3A_520 : i32 to index
          %get3A_526 = arith.constant 96 : index
          %get3A_527 = tpu.vector_load %arg12[%get3A_525, %get3A_526] {strides = array<i32>} : memref<80x128xf32, #tpu.memory_space<vmem>>, vector<1x16xf32>,
          %get3A_528 = vector.shape_cast %get3A_527 : vector<1x16xf32> to vector<16xf32>
          %add3A_529 = arith.addf %get3A_524, %get3A_528 : vector<16xf32>
          %max3A_530 = arith.constant 0.000000e+00 : f32
          %max3A_531 = vector.broadcast %max3A_530 : f32 to vector<16xf32>
          %max3A_532 = arith.maximumf %add3A_529, %max3A_531 : vector<16xf32>
          %swap3A_533 = arith.index_cast %add3A_520 : i32 to index
          %swap3A_534 = arith.constant 96 : index
          %swap3A_535 = tpu.vector_load %arg11[%swap3A_533, %swap3A_534] {strides = array<i32>} : memref<80x128xf32, #tpu.memory_space<vmem>>, vector<1x16xf32>,
          %swap3A_536 = vector.shape_cast %swap3A_535 : vector<1x16xf32> to vector<16xf32>
          %swap3A_537 = vector.shape_cast %max3A_532 : vector<16xf32> to vector<1x16xf32>
          tpu.vector_store %arg11[%swap3A_533, %swap3A_534], %swap3A_537 {strides = array<i32>} : memref<80x128xf32, #tpu.memory_space<vmem>>, vector<1x16xf32>,
          %mul3A_538 = arith.constant 4 : i32
          %mul3A_539 = arith.muli %scan3A_57, %mul3A_538 : i32
          %add3A_540 = arith.constant 2 : i32
          %add3A_541 = arith.addi %mul3A_539, %add3A_540 : i32
          %get3A_542 = arith.index_cast %add3A_541 : i32 to index
          %get3A_543 = arith.constant 112 : index
          %get3A_544 = tpu.vector_load %arg11[%get3A_542, %get3A_543] {strides = array<i32>} : memref<80x128xf32, #tpu.memory_space<vmem>>, vector<1x16xf32>,
          %get3A_545 = vector.shape_cast %get3A_544 : vector<1x16xf32> to vector<16xf32>
          %get3A_546 = arith.index_cast %add3A_541 : i32 to index
          %get3A_547 = arith.constant 112 : index
          %get3A_548 = tpu.vector_load %arg12[%get3A_546, %get3A_547] {strides = array<i32>} : memref<80x128xf32, #tpu.memory_space<vmem>>, vector<1x16xf32>,
          %get3A_549 = vector.shape_cast %get3A_548 : vector<1x16xf32> to vector<16xf32>
          %add3A_550 = arith.addf %get3A_545, %get3A_549 : vector<16xf32>
          %max3A_551 = arith.constant 0.000000e+00 : f32
          %max3A_552 = vector.broadcast %max3A_551 : f32 to vector<16xf32>
          %max3A_553 = arith.maximumf %add3A_550, %max3A_552 : vector<16xf32>
          %swap3A_554 = arith.index_cast %add3A_541 : i32 to index
          %swap3A_555 = arith.constant 112 : index
          %swap3A_556 = tpu.vector_load %arg11[%swap3A_554, %swap3A_555] {strides = array<i32>} : memref<80x128xf32, #tpu.memory_space<vmem>>, vector<1x16xf32>,
          %swap3A_557 = vector.shape_cast %swap3A_556 : vector<1x16xf32> to vector<16xf32>
          %swap3A_558 = vector.shape_cast %max3A_553 : vector<16xf32> to vector<1x16xf32>
          tpu.vector_store %arg11[%swap3A_554, %swap3A_555], %swap3A_558 {strides = array<i32>} : memref<80x128xf32, #tpu.memory_space<vmem>>, vector<1x16xf32>,
          %mul3A_559 = arith.constant 4 : i32
          %mul3A_560 = arith.muli %scan3A_57, %mul3A_559 : i32
          %add3A_561 = arith.constant 3 : i32
          %add3A_562 = arith.addi %mul3A_560, %add3A_561 : i32
          %get3A_563 = arith.index_cast %add3A_562 : i32 to index
          %get3A_564 = arith.constant 0 : index
          %get3A_565 = tpu.vector_load %arg11[%get3A_563, %get3A_564] {strides = array<i32>} : memref<80x128xf32, #tpu.memory_space<vmem>>, vector<1x16xf32>,
          %get3A_566 = vector.shape_cast %get3A_565 : vector<1x16xf32> to vector<16xf32>
          %get3A_567 = arith.index_cast %add3A_562 : i32 to index
          %get3A_568 = arith.constant 0 : index
          %get3A_569 = tpu.vector_load %arg12[%get3A_567, %get3A_568] {strides = array<i32>} : memref<80x128xf32, #tpu.memory_space<vmem>>, vector<1x16xf32>,
          %get3A_570 = vector.shape_cast %get3A_569 : vector<1x16xf32> to vector<16xf32>
          %add3A_571 = arith.addf %get3A_566, %get3A_570 : vector<16xf32>
          %max3A_572 = arith.constant 0.000000e+00 : f32
          %max3A_573 = vector.broadcast %max3A_572 : f32 to vector<16xf32>
          %max3A_574 = arith.maximumf %add3A_571, %max3A_573 : vector<16xf32>
          %swap3A_575 = arith.index_cast %add3A_562 : i32 to index
          %swap3A_576 = arith.constant 0 : index
          %swap3A_577 = tpu.vector_load %arg11[%swap3A_575, %swap3A_576] {strides = array<i32>} : memref<80x128xf32, #tpu.memory_space<vmem>>, vector<1x16xf32>,
          %swap3A_578 = vector.shape_cast %swap3A_577 : vector<1x16xf32> to vector<16xf32>
          %swap3A_579 = vector.shape_cast %max3A_574 : vector<16xf32> to vector<1x16xf32>
          tpu.vector_store %arg11[%swap3A_575, %swap3A_576], %swap3A_579 {strides = array<i32>} : memref<80x128xf32, #tpu.memory_space<vmem>>, vector<1x16xf32>,
          %mul3A_580 = arith.constant 4 : i32
          %mul3A_581 = arith.muli %scan3A_57, %mul3A_580 : i32
          %add3A_582 = arith.constant 3 : i32
          %add3A_583 = arith.addi %mul3A_581, %add3A_582 : i32
          %get3A_584 = arith.index_cast %add3A_583 : i32 to index
          %get3A_585 = arith.constant 16 : index
          %get3A_586 = tpu.vector_load %arg11[%get3A_584, %get3A_585] {strides = array<i32>} : memref<80x128xf32, #tpu.memory_space<vmem>>, vector<1x16xf32>,
          %get3A_587 = vector.shape_cast %get3A_586 : vector<1x16xf32> to vector<16xf32>
          %get3A_588 = arith.index_cast %add3A_583 : i32 to index
          %get3A_589 = arith.constant 16 : index
          %get3A_590 = tpu.vector_load %arg12[%get3A_588, %get3A_589] {strides = array<i32>} : memref<80x128xf32, #tpu.memory_space<vmem>>, vector<1x16xf32>,
          %get3A_591 = vector.shape_cast %get3A_590 : vector<1x16xf32> to vector<16xf32>
          %add3A_592 = arith.addf %get3A_587, %get3A_591 : vector<16xf32>
          %max3A_593 = arith.constant 0.000000e+00 : f32
          %max3A_594 = vector.broadcast %max3A_593 : f32 to vector<16xf32>
          %max3A_595 = arith.maximumf %add3A_592, %max3A_594 : vector<16xf32>
          %swap3A_596 = arith.index_cast %add3A_583 : i32 to index
          %swap3A_597 = arith.constant 16 : index
          %swap3A_598 = tpu.vector_load %arg11[%swap3A_596, %swap3A_597] {strides = array<i32>} : memref<80x128xf32, #tpu.memory_space<vmem>>, vector<1x16xf32>,
          %swap3A_599 = vector.shape_cast %swap3A_598 : vector<1x16xf32> to vector<16xf32>
          %swap3A_600 = vector.shape_cast %max3A_595 : vector<16xf32> to vector<1x16xf32>
          tpu.vector_store %arg11[%swap3A_596, %swap3A_597], %swap3A_600 {strides = array<i32>} : memref<80x128xf32, #tpu.memory_space<vmem>>, vector<1x16xf32>,
          %mul3A_601 = arith.constant 4 : i32
          %mul3A_602 = arith.muli %scan3A_57, %mul3A_601 : i32
          %add3A_603 = arith.constant 3 : i32
          %add3A_604 = arith.addi %mul3A_602, %add3A_603 : i32
          %get3A_605 = arith.index_cast %add3A_604 : i32 to index
          %get3A_606 = arith.constant 32 : index
          %get3A_607 = tpu.vector_load %arg11[%get3A_605, %get3A_606] {strides = array<i32>} : memref<80x128xf32, #tpu.memory_space<vmem>>, vector<1x16xf32>,
          %get3A_608 = vector.shape_cast %get3A_607 : vector<1x16xf32> to vector<16xf32>
          %get3A_609 = arith.index_cast %add3A_604 : i32 to index
          %get3A_610 = arith.constant 32 : index
          %get3A_611 = tpu.vector_load %arg12[%get3A_609, %get3A_610] {strides = array<i32>} : memref<80x128xf32, #tpu.memory_space<vmem>>, vector<1x16xf32>,
          %get3A_612 = vector.shape_cast %get3A_611 : vector<1x16xf32> to vector<16xf32>
          %add3A_613 = arith.addf %get3A_608, %get3A_612 : vector<16xf32>
          %max3A_614 = arith.constant 0.000000e+00 : f32
          %max3A_615 = vector.broadcast %max3A_614 : f32 to vector<16xf32>
          %max3A_616 = arith.maximumf %add3A_613, %max3A_615 : vector<16xf32>
          %swap3A_617 = arith.index_cast %add3A_604 : i32 to index
          %swap3A_618 = arith.constant 32 : index
          %swap3A_619 = tpu.vector_load %arg11[%swap3A_617, %swap3A_618] {strides = array<i32>} : memref<80x128xf32, #tpu.memory_space<vmem>>, vector<1x16xf32>,
          %swap3A_620 = vector.shape_cast %swap3A_619 : vector<1x16xf32> to vector<16xf32>
          %swap3A_621 = vector.shape_cast %max3A_616 : vector<16xf32> to vector<1x16xf32>
          tpu.vector_store %arg11[%swap3A_617, %swap3A_618], %swap3A_621 {strides = array<i32>} : memref<80x128xf32, #tpu.memory_space<vmem>>, vector<1x16xf32>,
          %mul3A_622 = arith.constant 4 : i32
          %mul3A_623 = arith.muli %scan3A_57, %mul3A_622 : i32
          %add3A_624 = arith.constant 3 : i32
          %add3A_625 = arith.addi %mul3A_623, %add3A_624 : i32
          %get3A_626 = arith.index_cast %add3A_625 : i32 to index
          %get3A_627 = arith.constant 48 : index
          %get3A_628 = tpu.vector_load %arg11[%get3A_626, %get3A_627] {strides = array<i32>} : memref<80x128xf32, #tpu.memory_space<vmem>>, vector<1x16xf32>,
          %get3A_629 = vector.shape_cast %get3A_628 : vector<1x16xf32> to vector<16xf32>
          %get3A_630 = arith.index_cast %add3A_625 : i32 to index
          %get3A_631 = arith.constant 48 : index
          %get3A_632 = tpu.vector_load %arg12[%get3A_630, %get3A_631] {strides = array<i32>} : memref<80x128xf32, #tpu.memory_space<vmem>>, vector<1x16xf32>,
          %get3A_633 = vector.shape_cast %get3A_632 : vector<1x16xf32> to vector<16xf32>
          %add3A_634 = arith.addf %get3A_629, %get3A_633 : vector<16xf32>
          %max3A_635 = arith.constant 0.000000e+00 : f32
          %max3A_636 = vector.broadcast %max3A_635 : f32 to vector<16xf32>
          %max3A_637 = arith.maximumf %add3A_634, %max3A_636 : vector<16xf32>
          %swap3A_638 = arith.index_cast %add3A_625 : i32 to index
          %swap3A_639 = arith.constant 48 : index
          %swap3A_640 = tpu.vector_load %arg11[%swap3A_638, %swap3A_639] {strides = array<i32>} : memref<80x128xf32, #tpu.memory_space<vmem>>, vector<1x16xf32>,
          %swap3A_641 = vector.shape_cast %swap3A_640 : vector<1x16xf32> to vector<16xf32>
          %swap3A_642 = vector.shape_cast %max3A_637 : vector<16xf32> to vector<1x16xf32>
          tpu.vector_store %arg11[%swap3A_638, %swap3A_639], %swap3A_642 {strides = array<i32>} : memref<80x128xf32, #tpu.memory_space<vmem>>, vector<1x16xf32>,
          %mul3A_643 = arith.constant 4 : i32
          %mul3A_644 = arith.muli %scan3A_57, %mul3A_643 : i32
          %add3A_645 = arith.constant 3 : i32
          %add3A_646 = arith.addi %mul3A_644, %add3A_645 : i32
          %get3A_647 = arith.index_cast %add3A_646 : i32 to index
          %get3A_648 = arith.constant 64 : index
          %get3A_649 = tpu.vector_load %arg11[%get3A_647, %get3A_648] {strides = array<i32>} : memref<80x128xf32, #tpu.memory_space<vmem>>, vector<1x16xf32>,
          %get3A_650 = vector.shape_cast %get3A_649 : vector<1x16xf32> to vector<16xf32>
          %get3A_651 = arith.index_cast %add3A_646 : i32 to index
          %get3A_652 = arith.constant 64 : index
          %get3A_653 = tpu.vector_load %arg12[%get3A_651, %get3A_652] {strides = array<i32>} : memref<80x128xf32, #tpu.memory_space<vmem>>, vector<1x16xf32>,
          %get3A_654 = vector.shape_cast %get3A_653 : vector<1x16xf32> to vector<16xf32>
          %add3A_655 = arith.addf %get3A_650, %get3A_654 : vector<16xf32>
          %max3A_656 = arith.constant 0.000000e+00 : f32
          %max3A_657 = vector.broadcast %max3A_656 : f32 to vector<16xf32>
          %max3A_658 = arith.maximumf %add3A_655, %max3A_657 : vector<16xf32>
          %swap3A_659 = arith.index_cast %add3A_646 : i32 to index
          %swap3A_660 = arith.constant 64 : index
          %swap3A_661 = tpu.vector_load %arg11[%swap3A_659, %swap3A_660] {strides = array<i32>} : memref<80x128xf32, #tpu.memory_space<vmem>>, vector<1x16xf32>,
          %swap3A_662 = vector.shape_cast %swap3A_661 : vector<1x16xf32> to vector<16xf32>
          %swap3A_663 = vector.shape_cast %max3A_658 : vector<16xf32> to vector<1x16xf32>
          tpu.vector_store %arg11[%swap3A_659, %swap3A_660], %swap3A_663 {strides = array<i32>} : memref<80x128xf32, #tpu.memory_space<vmem>>, vector<1x16xf32>,
          %mul3A_664 = arith.constant 4 : i32
          %mul3A_665 = arith.muli %scan3A_57, %mul3A_664 : i32
          %add3A_666 = arith.constant 3 : i32
          %add3A_667 = arith.addi %mul3A_665, %add3A_666 : i32
          %get3A_668 = arith.index_cast %add3A_667 : i32 to index
          %get3A_669 = arith.constant 80 : index
          %get3A_670 = tpu.vector_load %arg11[%get3A_668, %get3A_669] {strides = array<i32>} : memref<80x128xf32, #tpu.memory_space<vmem>>, vector<1x16xf32>,
          %get3A_671 = vector.shape_cast %get3A_670 : vector<1x16xf32> to vector<16xf32>
          %get3A_672 = arith.index_cast %add3A_667 : i32 to index
          %get3A_673 = arith.constant 80 : index
          %get3A_674 = tpu.vector_load %arg12[%get3A_672, %get3A_673] {strides = array<i32>} : memref<80x128xf32, #tpu.memory_space<vmem>>, vector<1x16xf32>,
          %get3A_675 = vector.shape_cast %get3A_674 : vector<1x16xf32> to vector<16xf32>
          %add3A_676 = arith.addf %get3A_671, %get3A_675 : vector<16xf32>
          %max3A_677 = arith.constant 0.000000e+00 : f32
          %max3A_678 = vector.broadcast %max3A_677 : f32 to vector<16xf32>
          %max3A_679 = arith.maximumf %add3A_676, %max3A_678 : vector<16xf32>
          %swap3A_680 = arith.index_cast %add3A_667 : i32 to index
          %swap3A_681 = arith.constant 80 : index
          %swap3A_682 = tpu.vector_load %arg11[%swap3A_680, %swap3A_681] {strides = array<i32>} : memref<80x128xf32, #tpu.memory_space<vmem>>, vector<1x16xf32>,
          %swap3A_683 = vector.shape_cast %swap3A_682 : vector<1x16xf32> to vector<16xf32>
          %swap3A_684 = vector.shape_cast %max3A_679 : vector<16xf32> to vector<1x16xf32>
          tpu.vector_store %arg11[%swap3A_680, %swap3A_681], %swap3A_684 {strides = array<i32>} : memref<80x128xf32, #tpu.memory_space<vmem>>, vector<1x16xf32>,
          %mul3A_685 = arith.constant 4 : i32
          %mul3A_686 = arith.muli %scan3A_57, %mul3A_685 : i32
          %add3A_687 = arith.constant 3 : i32
          %add3A_688 = arith.addi %mul3A_686, %add3A_687 : i32
          %get3A_689 = arith.index_cast %add3A_688 : i32 to index
          %get3A_690 = arith.constant 96 : index
          %get3A_691 = tpu.vector_load %arg11[%get3A_689, %get3A_690] {strides = array<i32>} : memref<80x128xf32, #tpu.memory_space<vmem>>, vector<1x16xf32>,
          %get3A_692 = vector.shape_cast %get3A_691 : vector<1x16xf32> to vector<16xf32>
          %get3A_693 = arith.index_cast %add3A_688 : i32 to index
          %get3A_694 = arith.constant 96 : index
          %get3A_695 = tpu.vector_load %arg12[%get3A_693, %get3A_694] {strides = array<i32>} : memref<80x128xf32, #tpu.memory_space<vmem>>, vector<1x16xf32>,
          %get3A_696 = vector.shape_cast %get3A_695 : vector<1x16xf32> to vector<16xf32>
          %add3A_697 = arith.addf %get3A_692, %get3A_696 : vector<16xf32>
          %max3A_698 = arith.constant 0.000000e+00 : f32
          %max3A_699 = vector.broadcast %max3A_698 : f32 to vector<16xf32>
          %max3A_700 = arith.maximumf %add3A_697, %max3A_699 : vector<16xf32>
          %swap3A_701 = arith.index_cast %add3A_688 : i32 to index
          %swap3A_702 = arith.constant 96 : index
          %swap3A_703 = tpu.vector_load %arg11[%swap3A_701, %swap3A_702] {strides = array<i32>} : memref<80x128xf32, #tpu.memory_space<vmem>>, vector<1x16xf32>,
          %swap3A_704 = vector.shape_cast %swap3A_703 : vector<1x16xf32> to vector<16xf32>
          %swap3A_705 = vector.shape_cast %max3A_700 : vector<16xf32> to vector<1x16xf32>
          tpu.vector_store %arg11[%swap3A_701, %swap3A_702], %swap3A_705 {strides = array<i32>} : memref<80x128xf32, #tpu.memory_space<vmem>>, vector<1x16xf32>,
          %mul3A_706 = arith.constant 4 : i32
          %mul3A_707 = arith.muli %scan3A_57, %mul3A_706 : i32
          %add3A_708 = arith.constant 3 : i32
          %add3A_709 = arith.addi %mul3A_707, %add3A_708 : i32
          %get3A_710 = arith.index_cast %add3A_709 : i32 to index
          %get3A_711 = arith.constant 112 : index
          %get3A_712 = tpu.vector_load %arg11[%get3A_710, %get3A_711] {strides = array<i32>} : memref<80x128xf32, #tpu.memory_space<vmem>>, vector<1x16xf32>,
          %get3A_713 = vector.shape_cast %get3A_712 : vector<1x16xf32> to vector<16xf32>
          %get3A_714 = arith.index_cast %add3A_709 : i32 to index
          %get3A_715 = arith.constant 112 : index
          %get3A_716 = tpu.vector_load %arg12[%get3A_714, %get3A_715] {strides = array<i32>} : memref<80x128xf32, #tpu.memory_space<vmem>>, vector<1x16xf32>,
          %get3A_717 = vector.shape_cast %get3A_716 : vector<1x16xf32> to vector<16xf32>
          %add3A_718 = arith.addf %get3A_713, %get3A_717 : vector<16xf32>
          %max3A_719 = arith.constant 0.000000e+00 : f32
          %max3A_720 = vector.broadcast %max3A_719 : f32 to vector<16xf32>
          %max3A_721 = arith.maximumf %add3A_718, %max3A_720 : vector<16xf32>
          %swap3A_722 = arith.index_cast %add3A_709 : i32 to index
          %swap3A_723 = arith.constant 112 : index
          %swap3A_724 = tpu.vector_load %arg11[%swap3A_722, %swap3A_723] {strides = array<i32>} : memref<80x128xf32, #tpu.memory_space<vmem>>, vector<1x16xf32>,
          %swap3A_725 = vector.shape_cast %swap3A_724 : vector<1x16xf32> to vector<16xf32>
          %swap3A_726 = vector.shape_cast %max3A_721 : vector<16xf32> to vector<1x16xf32>
          tpu.vector_store %arg11[%swap3A_722, %swap3A_723], %swap3A_726 {strides = array<i32>} : memref<80x128xf32, #tpu.memory_space<vmem>>, vector<1x16xf32>,
        }
        %scan3A_56 = arith.constant 20 : i32
        "tpu.region"() ({
          %run_scoped3A = tpu.sem_alloc : memref<!tpu.dma_semaphore, #tpu.memory_space<semaphore_mem>>
          %dma_start3A_57 = arith.constant 0 : i32
          %dma_start3A_58 = tpu.memref_slice %arg10[%scan3A_34, %dma_start3A_57] : memref<8x80xi32, #tpu.memory_space<vmem>> -> memref<1x80xi32, #tpu.memory_space<vmem>>
          %dma_start3A_59 = tpu.memref_squeeze %dma_start3A_58 : memref<1x80xi32, #tpu.memory_space<vmem>> -> memref<80xi32, #tpu.memory_space<vmem>>
          %dma_start3A_60 = arith.constant 0 : i32
          %dma_start3A_61 = arith.constant 0 : i32
          %dma_start3A_62 = tpu.memref_slice %arg8[%dma_start3A_60, %dma_start3A_61] : memref<10240x128xf32, #tpu.memory_space<vmem_shared>> -> memref<10240x128xf32, #tpu.memory_space<vmem_shared>>
          tpu.enqueue_indirect_dma source(%arg11 : memref<80x128xf32, #tpu.memory_space<vmem>>) target(%dma_start3A_62 : memref<10240x128xf32, #tpu.memory_space<vmem_shared>>) offsets(%dma_start3A_59 : memref<80xi32, #tpu.memory_space<vmem>>) semaphore(%run_scoped3A : memref<!tpu.dma_semaphore, #tpu.memory_space<semaphore_mem>>) {add = true}
          %dma_wait3A_63 = arith.constant 0 : i32
          %dma_wait3A_64 = tpu.memref_slice %arg10[%scan3A_34, %dma_wait3A_63] : memref<8x80xi32, #tpu.memory_space<vmem>> -> memref<1x80xi32, #tpu.memory_space<vmem>>
          %dma_wait3A_65 = tpu.memref_squeeze %dma_wait3A_64 : memref<1x80xi32, #tpu.memory_space<vmem>> -> memref<80xi32, #tpu.memory_space<vmem>>
          %dma_wait3A_66 = arith.constant 0 : i32
          %dma_wait3A_67 = arith.constant 0 : i32
          %dma_wait3A_68 = tpu.memref_slice %arg8[%dma_wait3A_66, %dma_wait3A_67] : memref<10240x128xf32, #tpu.memory_space<vmem_shared>> -> memref<10240x128xf32, #tpu.memory_space<vmem_shared>>
          tpu.wait_indirect_dma semaphore(%run_scoped3A : memref<!tpu.dma_semaphore, #tpu.memory_space<semaphore_mem>>) src(%arg11 : memref<80x128xf32, #tpu.memory_space<vmem>>) dst(%dma_wait3A_68 : memref<10240x128xf32, #tpu.memory_space<vmem_shared>>)
          tpu.yield
        }) : () -> ()
      }
      %scan3A_33 = arith.constant 8 : i32
    }
    %scan3A_7 = arith.constant 32 : i32
    %barrier3A_8 = arith.constant 0 : index
    tpu.barrier barrier_id(%barrier3A_8)
    %eq3A = arith.constant 0 : i32
    %eq3A_9 = arith.cmpi eq, %arg0, %eq3A : i32
    %convert_element_type3A = arith.extui %eq3A_9 : i1 to i32
    %cond3A = arith.constant 0 : i32
    %cond3A_10 = arith.cmpi ne, %convert_element_type3A, %cond3A : i32
    scf.if %cond3A_10 {
      "tpu.region"() ({
        %run_scoped3A = tpu.sem_alloc : memref<!tpu.dma_semaphore, #tpu.memory_space<semaphore_mem>>
        %dma_start3A = arith.constant 0 : i32
        %dma_start3A_15 = tpu.memref_slice %arg6[%mul3A_0, %dma_start3A] : memref<10240x128xf32, #tpu.memory_space<hbm>> -> memref<640x128xf32, #tpu.memory_space<hbm>>
        %dma_start3A_16 = arith.constant 0 : i32
        %dma_start3A_17 = tpu.memref_slice %arg8[%mul3A_0, %dma_start3A_16] : memref<10240x128xf32, #tpu.memory_space<vmem_shared>> -> memref<640x128xf32, #tpu.memory_space<vmem_shared>>
        tpu.enqueue_dma source(%dma_start3A_17 : memref<640x128xf32, #tpu.memory_space<vmem_shared>>) target(%dma_start3A_15 : memref<640x128xf32, #tpu.memory_space<hbm>>) target_semaphore(%run_scoped3A : memref<!tpu.dma_semaphore, #tpu.memory_space<semaphore_mem>>)
        %dma_wait3A = arith.constant 0 : i32
        %dma_wait3A_18 = tpu.memref_slice %arg6[%mul3A_0, %dma_wait3A] : memref<10240x128xf32, #tpu.memory_space<hbm>> -> memref<640x128xf32, #tpu.memory_space<hbm>>
        %dma_wait3A_19 = arith.constant 0 : i32
        %dma_wait3A_20 = tpu.memref_slice %arg8[%mul3A_0, %dma_wait3A_19] : memref<10240x128xf32, #tpu.memory_space<vmem_shared>> -> memref<640x128xf32, #tpu.memory_space<vmem_shared>>
        tpu.wait_dma2 semaphore(%run_scoped3A : memref<!tpu.dma_semaphore, #tpu.memory_space<semaphore_mem>>) src(%dma_wait3A_20 : memref<640x128xf32, #tpu.memory_space<vmem_shared>>) dst(%dma_wait3A_18 : memref<640x128xf32, #tpu.memory_space<hbm>>)
        tpu.yield
      }) : () -> ()
    } else {
    }
    %ne3A = arith.constant 0 : i32
    %ne3A_11 = arith.cmpi ne, %arg0, %ne3A : i32
    %convert_element_type3A_12 = arith.extui %ne3A_11 : i1 to i32
    %cond3A_13 = arith.constant 0 : i32
    %cond3A_14 = arith.cmpi ne, %convert_element_type3A_12, %cond3A_13 : i32
    scf.if %cond3A_14 {
      "tpu.region"() ({
        %run_scoped3A = tpu.sem_alloc : memref<!tpu.dma_semaphore, #tpu.memory_space<semaphore_mem>>
        %dma_start3A = arith.constant 0 : i32
        %dma_start3A_15 = tpu.memref_slice %arg7[%mul3A_0, %dma_start3A] : memref<10240x128xf32, #tpu.memory_space<hbm>> -> memref<640x128xf32, #tpu.memory_space<hbm>>
        %dma_start3A_16 = arith.constant 0 : i32
        %dma_start3A_17 = tpu.memref_slice %arg8[%mul3A_0, %dma_start3A_16] : memref<10240x128xf32, #tpu.memory_space<vmem_shared>> -> memref<640x128xf32, #tpu.memory_space<vmem_shared>>
        tpu.enqueue_dma source(%dma_start3A_17 : memref<640x128xf32, #tpu.memory_space<vmem_shared>>) target(%dma_start3A_15 : memref<640x128xf32, #tpu.memory_space<hbm>>) target_semaphore(%run_scoped3A : memref<!tpu.dma_semaphore, #tpu.memory_space<semaphore_mem>>)
        %dma_wait3A = arith.constant 0 : i32
        %dma_wait3A_18 = tpu.memref_slice %arg7[%mul3A_0, %dma_wait3A] : memref<10240x128xf32, #tpu.memory_space<hbm>> -> memref<640x128xf32, #tpu.memory_space<hbm>>
        %dma_wait3A_19 = arith.constant 0 : i32
        %dma_wait3A_20 = tpu.memref_slice %arg8[%mul3A_0, %dma_wait3A_19] : memref<10240x128xf32, #tpu.memory_space<vmem_shared>> -> memref<640x128xf32, #tpu.memory_space<vmem_shared>>
        tpu.wait_dma2 semaphore(%run_scoped3A : memref<!tpu.dma_semaphore, #tpu.memory_space<semaphore_mem>>) src(%dma_wait3A_20 : memref<640x128xf32, #tpu.memory_space<vmem_shared>>) dst(%dma_wait3A_18 : memref<640x128xf32, #tpu.memory_space<hbm>>)
        tpu.yield
      }) : () -> ()
    } else {
    }
    return
  }
}

module attributes {stable_mosaic.version = 14 : i64} {
  func.func @_embed_edges_body(%arg0: i32, %arg1: memref<8192x16xf32, #tpu.memory_space<vmem>>, %arg2: memref<16x128xf32, #tpu.memory_space<vmem>>, %arg3: memref<1x128xf32, #tpu.memory_space<vmem>>, %arg4: memref<8192x128xf32, #tpu.memory_space<vmem>>) attributes {dimension_semantics = [#tpu.dimension_semantics<arbitrary>], iteration_bounds = array<i64: 40>, scalar_prefetch = 0 : i64, scratch_operands = 0 : i64, tpu.core_type = #tpu.core_type<tc>, window_params = [{transform_indices = @transform_0, window_bounds = array<i64: 8192, 16>}, {pipeline_mode = #tpu.pipeline_mode<synchronous>, transform_indices = @transform_1, window_bounds = array<i64: 16, 128>}, {pipeline_mode = #tpu.pipeline_mode<synchronous>, transform_indices = @transform_2, window_bounds = array<i64: 1, 128>}, {transform_indices = @transform_3, window_bounds = array<i64: 8192, 128>}]} {
    %get3A = arith.constant 0 : index
    %get3A_0 = arith.constant 0 : index
    %get3A_1 = vector.load %arg1[%get3A, %get3A_0] : memref<8192x16xf32, #tpu.memory_space<vmem>>, vector<8192x16xf32>
    %get3A_2 = arith.constant 0 : index
    %get3A_3 = arith.constant 0 : index
    %get3A_4 = vector.load %arg2[%get3A_2, %get3A_3] : memref<16x128xf32, #tpu.memory_space<vmem>>, vector<16x128xf32>
    %dot_general3A = arith.constant dense<0.000000e+00> : vector<8192x128xf32>
    %dot_general3A_5 = tpu.matmul %get3A_1, %get3A_4, %dot_general3A {dimension_numbers = #tpu.dot_dimension_numbers<[1], [0], [0], [1], [0, 0, 1, 1], [], []>, transpose_lhs_hint = false} : vector<8192x16xf32>, vector<16x128xf32>, vector<8192x128xf32> -> vector<8192x128xf32>
    %get3A_6 = arith.constant 0 : index
    %get3A_7 = arith.constant 0 : index
    %get3A_8 = vector.load %arg3[%get3A_6, %get3A_7] : memref<1x128xf32, #tpu.memory_space<vmem>>, vector<1x128xf32>
    %add3A = vector.broadcast %get3A_8 : vector<1x128xf32> to vector<8192x128xf32>
    %add3A_9 = arith.addf %dot_general3A_5, %add3A : vector<8192x128xf32>
    %swap3A = arith.constant 0 : index
    %swap3A_10 = arith.constant 0 : index
    %swap3A_11 = vector.load %arg4[%swap3A, %swap3A_10] : memref<8192x128xf32, #tpu.memory_space<vmem>>, vector<8192x128xf32>
    tpu.vector_store %arg4[%swap3A, %swap3A_10], %add3A_9 {strides = array<i32>} : memref<8192x128xf32, #tpu.memory_space<vmem>>, vector<8192x128xf32>,
    return
  }
  func.func @transform_0(%arg0: i32) -> (i32, i32) {
    %c0_i32 = arith.constant 0 : i32
    %c0_i32_0 = arith.constant 0 : i32
    return %arg0, %c0_i32 : i32, i32
  }
  func.func @transform_1(%arg0: i32) -> (i32, i32) {
    %c0_i32 = arith.constant 0 : i32
    %c0_i32_0 = arith.constant 0 : i32
    %c0_i32_1 = arith.constant 0 : i32
    return %c0_i32, %c0_i32_0 : i32, i32
  }
  func.func @transform_2(%arg0: i32) -> (i32, i32) {
    %c0_i32 = arith.constant 0 : i32
    %c0_i32_0 = arith.constant 0 : i32
    %c0_i32_1 = arith.constant 0 : i32
    return %c0_i32, %c0_i32_0 : i32, i32
  }
  func.func @transform_3(%arg0: i32) -> (i32, i32) {
    %c0_i32 = arith.constant 0 : i32
    %c0_i32_0 = arith.constant 0 : i32
    return %arg0, %c0_i32 : i32, i32
  }
}

module attributes {stable_mosaic.version = 14 : i64} {
  func.func @_embed_nodes_body(%arg0: memref<10240x128xf32, #tpu.memory_space<vmem>>, %arg1: memref<128x128xf32, #tpu.memory_space<vmem>>, %arg2: memref<1x128xf32, #tpu.memory_space<vmem>>, %arg3: memref<10240x128xf32, #tpu.memory_space<vmem>>) attributes {dimension_semantics = [], scalar_prefetch = 0 : i64, scratch_operands = 0 : i64, tpu.core_type = #tpu.core_type<tc>} {
    %get3A = arith.constant 0 : index
    %get3A_0 = arith.constant 0 : index
    %get3A_1 = vector.load %arg0[%get3A, %get3A_0] : memref<10240x128xf32, #tpu.memory_space<vmem>>, vector<10240x128xf32>
    %get3A_2 = arith.constant 0 : index
    %get3A_3 = arith.constant 0 : index
    %get3A_4 = vector.load %arg1[%get3A_2, %get3A_3] : memref<128x128xf32, #tpu.memory_space<vmem>>, vector<128x128xf32>
    %dot_general3A = arith.constant dense<0.000000e+00> : vector<10240x128xf32>
    %dot_general3A_5 = tpu.matmul %get3A_1, %get3A_4, %dot_general3A {dimension_numbers = #tpu.dot_dimension_numbers<[1], [0], [0], [1], [0, 0, 1, 1], [], []>, transpose_lhs_hint = false} : vector<10240x128xf32>, vector<128x128xf32>, vector<10240x128xf32> -> vector<10240x128xf32>
    %get3A_6 = arith.constant 0 : index
    %get3A_7 = arith.constant 0 : index
    %get3A_8 = vector.load %arg2[%get3A_6, %get3A_7] : memref<1x128xf32, #tpu.memory_space<vmem>>, vector<1x128xf32>
    %add3A = vector.broadcast %get3A_8 : vector<1x128xf32> to vector<10240x128xf32>
    %add3A_9 = arith.addf %dot_general3A_5, %add3A : vector<10240x128xf32>
    %swap3A = arith.constant 0 : index
    %swap3A_10 = arith.constant 0 : index
    %swap3A_11 = vector.load %arg3[%swap3A, %swap3A_10] : memref<10240x128xf32, #tpu.memory_space<vmem>>, vector<10240x128xf32>
    tpu.vector_store %arg3[%swap3A, %swap3A_10], %add3A_9 {strides = array<i32>} : memref<10240x128xf32, #tpu.memory_space<vmem>>, vector<10240x128xf32>,
    return
  }
}

module attributes {stable_mosaic.version = 14 : i64} {
  func.func @_layer_body(%arg0: memref<10240x128xf32, #tpu.memory_space<vmem>>, %arg1: memref<10240x128xf32, #tpu.memory_space<vmem>>, %arg2: memref<10240x128xf32, #tpu.memory_space<vmem>>, %arg3: memref<128x128xf32, #tpu.memory_space<vmem>>, %arg4: memref<1x128xf32, #tpu.memory_space<vmem>>, %arg5: memref<128x128xf32, #tpu.memory_space<vmem>>, %arg6: memref<1x128xf32, #tpu.memory_space<vmem>>, %arg7: memref<1x128xf32, #tpu.memory_space<vmem>>, %arg8: memref<1x128xf32, #tpu.memory_space<vmem>>, %arg9: memref<128x128xf32, #tpu.memory_space<vmem>>, %arg10: memref<1x128xf32, #tpu.memory_space<vmem>>, %arg11: memref<128x128xf32, #tpu.memory_space<vmem>>, %arg12: memref<1x128xf32, #tpu.memory_space<vmem>>, %arg13: memref<1x128xf32, #tpu.memory_space<vmem>>, %arg14: memref<1x128xf32, #tpu.memory_space<vmem>>, %arg15: memref<10240x128xf32, #tpu.memory_space<vmem>>) attributes {dimension_semantics = [], scalar_prefetch = 0 : i64, scratch_operands = 0 : i64, tpu.core_type = #tpu.core_type<tc>} {
    %get3A = arith.constant 0 : index
    %get3A_0 = arith.constant 0 : index
    %get3A_1 = vector.load %arg0[%get3A, %get3A_0] : memref<10240x128xf32, #tpu.memory_space<vmem>>, vector<10240x128xf32>
    %get3A_2 = arith.constant 0 : index
    %get3A_3 = arith.constant 0 : index
    %get3A_4 = vector.load %arg1[%get3A_2, %get3A_3] : memref<10240x128xf32, #tpu.memory_space<vmem>>, vector<10240x128xf32>
    %get3A_5 = arith.constant 0 : index
    %get3A_6 = arith.constant 0 : index
    %get3A_7 = vector.load %arg3[%get3A_5, %get3A_6] : memref<128x128xf32, #tpu.memory_space<vmem>>, vector<128x128xf32>
    %dot_general3A = arith.constant dense<0.000000e+00> : vector<10240x128xf32>
    %dot_general3A_8 = tpu.matmul %get3A_4, %get3A_7, %dot_general3A {dimension_numbers = #tpu.dot_dimension_numbers<[1], [0], [0], [1], [0, 0, 1, 1], [], []>, transpose_lhs_hint = false} : vector<10240x128xf32>, vector<128x128xf32>, vector<10240x128xf32> -> vector<10240x128xf32>
    %get3A_9 = arith.constant 0 : index
    %get3A_10 = arith.constant 0 : index
    %get3A_11 = vector.load %arg4[%get3A_9, %get3A_10] : memref<1x128xf32, #tpu.memory_space<vmem>>, vector<1x128xf32>
    %add3A = vector.broadcast %get3A_11 : vector<1x128xf32> to vector<10240x128xf32>
    %add3A_12 = arith.addf %dot_general3A_8, %add3A : vector<10240x128xf32>
    %max3A = arith.constant 0.000000e+00 : f32
    %max3A_13 = vector.broadcast %max3A : f32 to vector<10240x128xf32>
    %max3A_14 = arith.maximumf %add3A_12, %max3A_13 : vector<10240x128xf32>
    %get3A_15 = arith.constant 0 : index
    %get3A_16 = arith.constant 0 : index
    %get3A_17 = vector.load %arg5[%get3A_15, %get3A_16] : memref<128x128xf32, #tpu.memory_space<vmem>>, vector<128x128xf32>
    %dot_general3A_18 = arith.constant dense<0.000000e+00> : vector<10240x128xf32>
    %dot_general3A_19 = tpu.matmul %max3A_14, %get3A_17, %dot_general3A_18 {dimension_numbers = #tpu.dot_dimension_numbers<[1], [0], [0], [1], [0, 0, 1, 1], [], []>, transpose_lhs_hint = false} : vector<10240x128xf32>, vector<128x128xf32>, vector<10240x128xf32> -> vector<10240x128xf32>
    %get3A_20 = arith.constant 0 : index
    %get3A_21 = arith.constant 0 : index
    %get3A_22 = vector.load %arg6[%get3A_20, %get3A_21] : memref<1x128xf32, #tpu.memory_space<vmem>>, vector<1x128xf32>
    %add3A_23 = vector.broadcast %get3A_22 : vector<1x128xf32> to vector<10240x128xf32>
    %add3A_24 = arith.addf %dot_general3A_19, %add3A_23 : vector<10240x128xf32>
    %slice3A = vector.extract_strided_slice %add3A_24 {offsets = [0, 0], sizes = [10000, 128], strides = [1, 1]} : vector<10240x128xf32> to vector<10000x128xf32>
    %reduce_sum3A = arith.constant dense<0.000000e+00> : vector<128xf32>
    %reduce_sum3A_25 = vector.multi_reduction <add>, %slice3A, %reduce_sum3A [0] : vector<10000x128xf32> to vector<128xf32>
    %broadcast_in_dim3A = vector.shape_cast %reduce_sum3A_25 : vector<128xf32> to vector<1x128xf32>
    %div3A = arith.constant 1.000000e+04 : f32
    %div3A_26 = vector.broadcast %div3A : f32 to vector<1x128xf32>
    %div3A_27 = arith.divf %broadcast_in_dim3A, %div3A_26 : vector<1x128xf32>
    %sub3A = vector.broadcast %div3A_27 : vector<1x128xf32> to vector<10000x128xf32>
    %sub3A_28 = arith.subf %slice3A, %sub3A : vector<10000x128xf32>
    %sub3A_29 = vector.broadcast %div3A_27 : vector<1x128xf32> to vector<10000x128xf32>
    %sub3A_30 = arith.subf %slice3A, %sub3A_29 : vector<10000x128xf32>
    %mul3A = arith.mulf %sub3A_28, %sub3A_30 : vector<10000x128xf32>
    %reduce_sum3A_31 = arith.constant dense<0.000000e+00> : vector<128xf32>
    %reduce_sum3A_32 = vector.multi_reduction <add>, %mul3A, %reduce_sum3A_31 [0] : vector<10000x128xf32> to vector<128xf32>
    %broadcast_in_dim3A_33 = vector.shape_cast %reduce_sum3A_32 : vector<128xf32> to vector<1x128xf32>
    %div3A_34 = arith.constant 1.000000e+04 : f32
    %div3A_35 = vector.broadcast %div3A_34 : f32 to vector<1x128xf32>
    %div3A_36 = arith.divf %broadcast_in_dim3A_33, %div3A_35 : vector<1x128xf32>
    %sub3A_37 = vector.broadcast %div3A_27 : vector<1x128xf32> to vector<10240x128xf32>
    %sub3A_38 = arith.subf %add3A_24, %sub3A_37 : vector<10240x128xf32>
    %add3A_39 = arith.constant 9.99999974E-6 : f32
    %add3A_40 = vector.broadcast %add3A_39 : f32 to vector<1x128xf32>
    %add3A_41 = arith.addf %div3A_36, %add3A_40 : vector<1x128xf32>
    %rsqrt3A = math.rsqrt %add3A_41 : vector<1x128xf32>
    %mul3A_42 = vector.broadcast %rsqrt3A : vector<1x128xf32> to vector<10240x128xf32>
    %mul3A_43 = arith.mulf %sub3A_38, %mul3A_42 : vector<10240x128xf32>
    %get3A_44 = arith.constant 0 : index
    %get3A_45 = arith.constant 0 : index
    %get3A_46 = vector.load %arg7[%get3A_44, %get3A_45] : memref<1x128xf32, #tpu.memory_space<vmem>>, vector<1x128xf32>
    %mul3A_47 = vector.broadcast %get3A_46 : vector<1x128xf32> to vector<10240x128xf32>
    %mul3A_48 = arith.mulf %mul3A_43, %mul3A_47 : vector<10240x128xf32>
    %get3A_49 = arith.constant 0 : index
    %get3A_50 = arith.constant 0 : index
    %get3A_51 = vector.load %arg8[%get3A_49, %get3A_50] : memref<1x128xf32, #tpu.memory_space<vmem>>, vector<1x128xf32>
    %add3A_52 = vector.broadcast %get3A_51 : vector<1x128xf32> to vector<10240x128xf32>
    %add3A_53 = arith.addf %mul3A_48, %add3A_52 : vector<10240x128xf32>
    %max3A_54 = arith.constant 0.000000e+00 : f32
    %max3A_55 = vector.broadcast %max3A_54 : f32 to vector<10240x128xf32>
    %max3A_56 = arith.maximumf %add3A_53, %max3A_55 : vector<10240x128xf32>
    %get3A_57 = arith.constant 0 : index
    %get3A_58 = arith.constant 0 : index
    %get3A_59 = vector.load %arg2[%get3A_57, %get3A_58] : memref<10240x128xf32, #tpu.memory_space<vmem>>, vector<10240x128xf32>
    %get3A_60 = arith.constant 0 : index
    %get3A_61 = arith.constant 0 : index
    %get3A_62 = vector.load %arg9[%get3A_60, %get3A_61] : memref<128x128xf32, #tpu.memory_space<vmem>>, vector<128x128xf32>
    %dot_general3A_63 = arith.constant dense<0.000000e+00> : vector<10240x128xf32>
    %dot_general3A_64 = tpu.matmul %get3A_59, %get3A_62, %dot_general3A_63 {dimension_numbers = #tpu.dot_dimension_numbers<[1], [0], [0], [1], [0, 0, 1, 1], [], []>, transpose_lhs_hint = false} : vector<10240x128xf32>, vector<128x128xf32>, vector<10240x128xf32> -> vector<10240x128xf32>
    %get3A_65 = arith.constant 0 : index
    %get3A_66 = arith.constant 0 : index
    %get3A_67 = vector.load %arg10[%get3A_65, %get3A_66] : memref<1x128xf32, #tpu.memory_space<vmem>>, vector<1x128xf32>
    %add3A_68 = vector.broadcast %get3A_67 : vector<1x128xf32> to vector<10240x128xf32>
    %add3A_69 = arith.addf %dot_general3A_64, %add3A_68 : vector<10240x128xf32>
    %max3A_70 = arith.constant 0.000000e+00 : f32
    %max3A_71 = vector.broadcast %max3A_70 : f32 to vector<10240x128xf32>
    %max3A_72 = arith.maximumf %add3A_69, %max3A_71 : vector<10240x128xf32>
    %get3A_73 = arith.constant 0 : index
    %get3A_74 = arith.constant 0 : index
    %get3A_75 = vector.load %arg11[%get3A_73, %get3A_74] : memref<128x128xf32, #tpu.memory_space<vmem>>, vector<128x128xf32>
    %dot_general3A_76 = arith.constant dense<0.000000e+00> : vector<10240x128xf32>
    %dot_general3A_77 = tpu.matmul %max3A_72, %get3A_75, %dot_general3A_76 {dimension_numbers = #tpu.dot_dimension_numbers<[1], [0], [0], [1], [0, 0, 1, 1], [], []>, transpose_lhs_hint = false} : vector<10240x128xf32>, vector<128x128xf32>, vector<10240x128xf32> -> vector<10240x128xf32>
    %get3A_78 = arith.constant 0 : index
    %get3A_79 = arith.constant 0 : index
    %get3A_80 = vector.load %arg12[%get3A_78, %get3A_79] : memref<1x128xf32, #tpu.memory_space<vmem>>, vector<1x128xf32>
    %add3A_81 = vector.broadcast %get3A_80 : vector<1x128xf32> to vector<10240x128xf32>
    %add3A_82 = arith.addf %dot_general3A_77, %add3A_81 : vector<10240x128xf32>
    %slice3A_83 = vector.extract_strided_slice %add3A_82 {offsets = [0, 0], sizes = [10000, 128], strides = [1, 1]} : vector<10240x128xf32> to vector<10000x128xf32>
    %reduce_sum3A_84 = arith.constant dense<0.000000e+00> : vector<128xf32>
    %reduce_sum3A_85 = vector.multi_reduction <add>, %slice3A_83, %reduce_sum3A_84 [0] : vector<10000x128xf32> to vector<128xf32>
    %broadcast_in_dim3A_86 = vector.shape_cast %reduce_sum3A_85 : vector<128xf32> to vector<1x128xf32>
    %div3A_87 = arith.constant 1.000000e+04 : f32
    %div3A_88 = vector.broadcast %div3A_87 : f32 to vector<1x128xf32>
    %div3A_89 = arith.divf %broadcast_in_dim3A_86, %div3A_88 : vector<1x128xf32>
    %sub3A_90 = vector.broadcast %div3A_89 : vector<1x128xf32> to vector<10000x128xf32>
    %sub3A_91 = arith.subf %slice3A_83, %sub3A_90 : vector<10000x128xf32>
    %sub3A_92 = vector.broadcast %div3A_89 : vector<1x128xf32> to vector<10000x128xf32>
    %sub3A_93 = arith.subf %slice3A_83, %sub3A_92 : vector<10000x128xf32>
    %mul3A_94 = arith.mulf %sub3A_91, %sub3A_93 : vector<10000x128xf32>
    %reduce_sum3A_95 = arith.constant dense<0.000000e+00> : vector<128xf32>
    %reduce_sum3A_96 = vector.multi_reduction <add>, %mul3A_94, %reduce_sum3A_95 [0] : vector<10000x128xf32> to vector<128xf32>
    %broadcast_in_dim3A_97 = vector.shape_cast %reduce_sum3A_96 : vector<128xf32> to vector<1x128xf32>
    %div3A_98 = arith.constant 1.000000e+04 : f32
    %div3A_99 = vector.broadcast %div3A_98 : f32 to vector<1x128xf32>
    %div3A_100 = arith.divf %broadcast_in_dim3A_97, %div3A_99 : vector<1x128xf32>
    %sub3A_101 = vector.broadcast %div3A_89 : vector<1x128xf32> to vector<10240x128xf32>
    %sub3A_102 = arith.subf %add3A_82, %sub3A_101 : vector<10240x128xf32>
    %add3A_103 = arith.constant 9.99999974E-6 : f32
    %add3A_104 = vector.broadcast %add3A_103 : f32 to vector<1x128xf32>
    %add3A_105 = arith.addf %div3A_100, %add3A_104 : vector<1x128xf32>
    %rsqrt3A_106 = math.rsqrt %add3A_105 : vector<1x128xf32>
    %mul3A_107 = vector.broadcast %rsqrt3A_106 : vector<1x128xf32> to vector<10240x128xf32>
    %mul3A_108 = arith.mulf %sub3A_102, %mul3A_107 : vector<10240x128xf32>
    %get3A_109 = arith.constant 0 : index
    %get3A_110 = arith.constant 0 : index
    %get3A_111 = vector.load %arg13[%get3A_109, %get3A_110] : memref<1x128xf32, #tpu.memory_space<vmem>>, vector<1x128xf32>
    %mul3A_112 = vector.broadcast %get3A_111 : vector<1x128xf32> to vector<10240x128xf32>
    %mul3A_113 = arith.mulf %mul3A_108, %mul3A_112 : vector<10240x128xf32>
    %get3A_114 = arith.constant 0 : index
    %get3A_115 = arith.constant 0 : index
    %get3A_116 = vector.load %arg14[%get3A_114, %get3A_115] : memref<1x128xf32, #tpu.memory_space<vmem>>, vector<1x128xf32>
    %add3A_117 = vector.broadcast %get3A_116 : vector<1x128xf32> to vector<10240x128xf32>
    %add3A_118 = arith.addf %mul3A_113, %add3A_117 : vector<10240x128xf32>
    %max3A_119 = arith.constant 0.000000e+00 : f32
    %max3A_120 = vector.broadcast %max3A_119 : f32 to vector<10240x128xf32>
    %max3A_121 = arith.maximumf %add3A_118, %max3A_120 : vector<10240x128xf32>
    %add3A_122 = arith.addf %get3A_1, %max3A_56 : vector<10240x128xf32>
    %add3A_123 = arith.addf %add3A_122, %max3A_121 : vector<10240x128xf32>
    %mul3A_124 = arith.constant 0.333333343 : f32
    %mul3A_125 = vector.broadcast %mul3A_124 : f32 to vector<10240x128xf32>
    %mul3A_126 = arith.mulf %add3A_123, %mul3A_125 : vector<10240x128xf32>
    %swap3A = arith.constant 0 : index
    %swap3A_127 = arith.constant 0 : index
    %swap3A_128 = vector.load %arg15[%swap3A, %swap3A_127] : memref<10240x128xf32, #tpu.memory_space<vmem>>, vector<10240x128xf32>
    tpu.vector_store %arg15[%swap3A, %swap3A_127], %mul3A_126 {strides = array<i32>} : memref<10240x128xf32, #tpu.memory_space<vmem>>, vector<10240x128xf32>,
    return
  }
}

module attributes {stable_mosaic.version = 14 : i64} {
  func.func @_head_body(%arg0: memref<10240x128xf32, #tpu.memory_space<vmem>>, %arg1: memref<128x50xf32, #tpu.memory_space<vmem>>, %arg2: memref<1x50xf32, #tpu.memory_space<vmem>>, %arg3: memref<50x25xf32, #tpu.memory_space<vmem>>, %arg4: memref<1x25xf32, #tpu.memory_space<vmem>>, %arg5: memref<25x2xf32, #tpu.memory_space<vmem>>, %arg6: memref<1x2xf32, #tpu.memory_space<vmem>>, %arg7: memref<10000x2xf32, #tpu.memory_space<vmem>>) attributes {dimension_semantics = [], scalar_prefetch = 0 : i64, scratch_operands = 0 : i64, tpu.core_type = #tpu.core_type<tc>} {
    %get3A = arith.constant 0 : index
    %get3A_0 = arith.constant 0 : index
    %get3A_1 = vector.load %arg0[%get3A, %get3A_0] : memref<10240x128xf32, #tpu.memory_space<vmem>>, vector<10240x128xf32>
    %slice3A = vector.extract_strided_slice %get3A_1 {offsets = [0, 0], sizes = [10000, 128], strides = [1, 1]} : vector<10240x128xf32> to vector<10000x128xf32>
    %get3A_2 = arith.constant 0 : index
    %get3A_3 = arith.constant 0 : index
    %get3A_4 = vector.load %arg1[%get3A_2, %get3A_3] : memref<128x50xf32, #tpu.memory_space<vmem>>, vector<128x50xf32>
    %dot_general3A = arith.constant dense<0.000000e+00> : vector<10000x50xf32>
    %dot_general3A_5 = tpu.matmul %slice3A, %get3A_4, %dot_general3A {dimension_numbers = #tpu.dot_dimension_numbers<[1], [0], [0], [1], [0, 0, 1, 1], [], []>, transpose_lhs_hint = false} : vector<10000x128xf32>, vector<128x50xf32>, vector<10000x50xf32> -> vector<10000x50xf32>
    %get3A_6 = arith.constant 0 : index
    %get3A_7 = arith.constant 0 : index
    %get3A_8 = vector.load %arg2[%get3A_6, %get3A_7] : memref<1x50xf32, #tpu.memory_space<vmem>>, vector<1x50xf32>
    %add3A = vector.broadcast %get3A_8 : vector<1x50xf32> to vector<10000x50xf32>
    %add3A_9 = arith.addf %dot_general3A_5, %add3A : vector<10000x50xf32>
    %max3A = arith.constant 0.000000e+00 : f32
    %max3A_10 = vector.broadcast %max3A : f32 to vector<10000x50xf32>
    %max3A_11 = arith.maximumf %add3A_9, %max3A_10 : vector<10000x50xf32>
    %get3A_12 = arith.constant 0 : index
    %get3A_13 = arith.constant 0 : index
    %get3A_14 = vector.load %arg3[%get3A_12, %get3A_13] : memref<50x25xf32, #tpu.memory_space<vmem>>, vector<50x25xf32>
    %dot_general3A_15 = arith.constant dense<0.000000e+00> : vector<10000x25xf32>
    %dot_general3A_16 = tpu.matmul %max3A_11, %get3A_14, %dot_general3A_15 {dimension_numbers = #tpu.dot_dimension_numbers<[1], [0], [0], [1], [0, 0, 1, 1], [], []>, transpose_lhs_hint = false} : vector<10000x50xf32>, vector<50x25xf32>, vector<10000x25xf32> -> vector<10000x25xf32>
    %get3A_17 = arith.constant 0 : index
    %get3A_18 = arith.constant 0 : index
    %get3A_19 = vector.load %arg4[%get3A_17, %get3A_18] : memref<1x25xf32, #tpu.memory_space<vmem>>, vector<1x25xf32>
    %add3A_20 = vector.broadcast %get3A_19 : vector<1x25xf32> to vector<10000x25xf32>
    %add3A_21 = arith.addf %dot_general3A_16, %add3A_20 : vector<10000x25xf32>
    %max3A_22 = arith.constant 0.000000e+00 : f32
    %max3A_23 = vector.broadcast %max3A_22 : f32 to vector<10000x25xf32>
    %max3A_24 = arith.maximumf %add3A_21, %max3A_23 : vector<10000x25xf32>
    %get3A_25 = arith.constant 0 : index
    %get3A_26 = arith.constant 0 : index
    %get3A_27 = vector.load %arg5[%get3A_25, %get3A_26] : memref<25x2xf32, #tpu.memory_space<vmem>>, vector<25x2xf32>
    %dot_general3A_28 = arith.constant dense<0.000000e+00> : vector<10000x2xf32>
    %dot_general3A_29 = tpu.matmul %max3A_24, %get3A_27, %dot_general3A_28 {dimension_numbers = #tpu.dot_dimension_numbers<[1], [0], [0], [1], [0, 0, 1, 1], [], []>, transpose_lhs_hint = false} : vector<10000x25xf32>, vector<25x2xf32>, vector<10000x2xf32> -> vector<10000x2xf32>
    %get3A_30 = arith.constant 0 : index
    %get3A_31 = arith.constant 0 : index
    %get3A_32 = vector.load %arg6[%get3A_30, %get3A_31] : memref<1x2xf32, #tpu.memory_space<vmem>>, vector<1x2xf32>
    %add3A_33 = vector.broadcast %get3A_32 : vector<1x2xf32> to vector<10000x2xf32>
    %add3A_34 = arith.addf %dot_general3A_29, %add3A_33 : vector<10000x2xf32>
    %swap3A = arith.constant 0 : index
    %swap3A_35 = arith.constant 0 : index
    %swap3A_36 = vector.load %arg7[%swap3A, %swap3A_35] : memref<10000x2xf32, #tpu.memory_space<vmem>>, vector<10000x2xf32>
    tpu.vector_store %arg7[%swap3A, %swap3A_35], %add3A_34 {strides = array<i32>} : memref<10000x2xf32, #tpu.memory_space<vmem>>, vector<10000x2xf32>,
    return
  }
}

</mosaic_0001>

<sc_bundles>
// kernel: kernel.12.cloned.1.call-start
scs
__scs_entry_jumppad:
0x0: {  	(pc) =	sbr.rel $0x88, $3  }
0x1: {  	(tag) =	ssettag $0x0;
	lr =	simm.s32 $0x1  }
0x2: {  	[smem:$0x3F7C] =	sst lr;
	_ =	strace $0xD0000000  }
0x3: {  	_ = 	snop  }
0x4: {  	_ = 	snop  }
0x5: {  	_ = 	snop  }
0x6: {  	_ = 	snop  }
0x7: {  	_ = 	snop  }
__scs_overlays_trampoline_lowered:
0x8: {  	[smem:$0x3F8B] =	sst s0  }
0x9: {  	[smem:$0x3F8C] =	sst s1  }
0xa: {  	[smem:$0x3F8D] =	sst s2  }
0xb: {  	[smem:$0x3F8E] =	sst s3  }
0xc: {  	[smem:$0x3F8F] =	sst s4  }
0xd: {  	[smem:$0x3F90] =	sst s5  }
0xe: {  	[smem:$0x3F91] =	sst s6  }
0xf: {  	[smem:$0x3F92] =	sst s7  }
0x10: {  	[smem:$0x3F93] =	sst s8  }
0x11: {  	[smem:$0x3F94] =	sst s9;
	s0 =	simm.s32 @!p0 $0x0  }
0x12: {  	s1 =	sld [smem:$0x3F7A];
	s0 =	simm.s32 @p0 $0x1  }
0x13: {  	[smem:$0x3F95] =	sst s0;
	s0 =	simm.s32 @!p1 $0x0  }
0x14: {  	s2 =	sld [smem:$0x3F79];
	s0 =	simm.s32 @p1 $0x1  }
0x15: {  	[smem:$0x3F96] =	sst s0;
	s0 =	simm.s32 @!p2 $0x0  }
0x16: {  	s3 =	sld [smem:$0x3FDB];
	s0 =	simm.s32 @p2 $0x1  }
0x17: {  	s4 =	simm.s32 $0x1BF5;
	[smem:$0x3F98] =	sst s0  }
0x18: {  	s0 =	sld [smem:$0x3F7B];
	_ =	swait.ge [sflag:s4], $0x0  }
0x19: {  	s7 =	sld [smem:$0x3F7C]  }
0x1a: {  	s8 =	sadd.s32 $0xFFFFE003, lr  }
0x1b: {  	s9 =	sadd.s32 $0xFFFFFEF7, lr;
	s5 =	simm.s32 $0xFFFFFFFF;
	p2 =	slt.u32 s8, $0xFFFFF086  }
0x1c: {  	p1 =	slt.u32 s9, $0xF7A;
	s5 =	simm.s32 @!p2 $0x0  }
0x1d: {  	s5 =	simm.s32 @p1 $0x1;
	p0 =	seq.s32 s7, s2  }
0x1e: {  	s7 =	smul.u32 @!p0 $0xF7A, s2;
	p2 =	seq.s32 @!p0 s5, $0x0  }
0x1f: {  	s9 =	smul.u32 $0xF7A, s1;
	s8 =	simm.s32 @!p0 $0x1BF5;
	p2 =	por !p2, p0  }
0x20: {  	[sflag:s8] =	ssyncset.s32 @!p0 $0xFFFFF086;
	s6 =	sadd.s32 @!p0 s3, s7;
	s7 =	simm.s32 @!p0 $0x108  }
0x21: {  	s3 =	sadd.s32 s3, s9;
	s6 =	sadd.s32 @!p0 $0x88, s6;
	s7 =	simm.s32 @p2 $0x1082  }
0x22: {  	[simem:s7], [sflag:s8] =	dma.local @!p0 [hbm:s6], $0xF7A  }
0x23: {  	s9 =	sor.u32 $0xD0000000, s2;
	s6 =	simm.s32 $0x108;
	_ =	swait.ge @!p0 [sflag:s8], $0x0  }
0x24: {  	s3 =	sadd.s32 $0x88, s3;
	s6 =	simm.s32 @!p1 $0x1082;
	[sflag:s4] =	ssyncset.s32 $0xFFFFF086  }
0x25: {  	[simem:s6], [sflag:s4] =	dma.local [hbm:s3], $0xF7A  }
0x26: {  	[smem:$0x3F7C] =	sst s1;
	(tag) =	ssettag s2;
	_ =	strace s9  }
0x27: {  	s1 =	sld [smem:$0x3F8C]  }
0x28: {  	s2 =	sld [smem:$0x3F8D]  }
0x29: {  	s4 =	sld [smem:$0x3F8F]  }
0x2a: {  	p0 =	seq.s32 s5, $0x0;
	s5 =	sld [smem:$0x3F90]  }
0x2b: {  	s6 =	sld [smem:$0x3F91]  }
0x2c: {  	s7 =	sld [smem:$0x3F92]  }
0x2d: {  	s3 =	simm.s32 $0x108;
	s8 =	sld [smem:$0x3F93]  }
0x2e: {  	s3 =	simm.s32 @!p0 $0x1082;
	s9 =	sld [smem:$0x3F94]  }
0x2f: {  	lr =	sadd.s32 s0, s3;
	s0 =	sld [smem:$0x3F8B]  }
0x30: {  	s3 =	sld [smem:$0x3F8E]  }
0x31: {  	[smem:$0x3F97] =	sst s10  }
0x32: {  	s10 =	sld [smem:$0x3F95];
	_ =	sdelay $0x3  }
0x33: {  	p0 =	seq.s32 s10, $0x1;
	s10 =	sld [smem:$0x3F97];
	_ =	sdelay $0x3  }
0x34: {  	[smem:$0x3F97] =	sst s10  }
0x35: {  	s10 =	sld [smem:$0x3F96];
	_ =	sdelay $0x3  }
0x36: {  	p1 =	seq.s32 s10, $0x1;
	s10 =	sld [smem:$0x3F97];
	_ =	sdelay $0x3  }
0x37: {  	[smem:$0x3F97] =	sst s10  }
0x38: {  	s10 =	sld [smem:$0x3F98]  }
0x39: {  	_ = 	snop;
	(pc) =	sbr.ind lr, $3  }
0x3a: {  	_ = 	snop  }
0x3b: {  	_ = 	snop  }
0x3c: {  	p2 =	seq.s32 s10, $0x1;
	s10 =	sld [smem:$0x3F97]  }
0x3d: {  	_ =	shalt  }
0x3e: {  	_ =	shalt  }
0x3f: {  	_ =	shalt  }
0x40: {  	_ =	shalt  }
0x41: {  	_ =	shalt  }
0x42: {  	_ =	shalt  }
0x43: {  	_ =	shalt  }
0x44: {  	_ =	shalt  }
0x45: {  	_ =	shalt  }
0x46: {  	_ =	shalt  }
0x47: {  	_ =	shalt  }
0x48: {  	_ =	shalt  }
0x49: {  	_ =	shalt  }
0x4a: {  	_ =	shalt  }
0x4b: {  	_ =	shalt  }
0x4c: {  	_ =	shalt  }
0x4d: {  	_ =	shalt  }
0x4e: {  	_ =	shalt  }
0x4f: {  	_ =	shalt  }
0x50: {  	_ =	shalt  }
0x51: {  	_ =	shalt  }
0x52: {  	_ =	shalt  }
0x53: {  	_ =	shalt  }
0x54: {  	_ =	shalt  }
0x55: {  	_ =	shalt  }
0x56: {  	_ =	shalt  }
0x57: {  	_ =	shalt  }
0x58: {  	_ =	shalt  }
0x59: {  	_ =	shalt  }
0x5a: {  	_ =	shalt  }
0x5b: {  	_ =	shalt  }
0x5c: {  	_ =	shalt  }
0x5d: {  	_ =	shalt  }
0x5e: {  	_ =	shalt  }
0x5f: {  	_ =	shalt  }
0x60: {  	_ =	shalt  }
0x61: {  	_ =	shalt  }
0x62: {  	_ =	shalt  }
0x63: {  	_ =	shalt  }
0x64: {  	_ =	shalt  }
0x65: {  	_ =	shalt  }
0x66: {  	_ =	shalt  }
0x67: {  	_ =	shalt  }
0x68: {  	_ =	shalt  }
0x69: {  	_ =	shalt  }
0x6a: {  	_ =	shalt  }
0x6b: {  	_ =	shalt  }
0x6c: {  	_ =	shalt  }
0x6d: {  	_ =	shalt  }
0x6e: {  	_ =	shalt  }
0x6f: {  	_ =	shalt  }
0x70: {  	_ =	shalt  }
0x71: {  	_ =	shalt  }
0x72: {  	_ =	shalt  }
0x73: {  	_ =	shalt  }
0x74: {  	_ =	shalt  }
0x75: {  	_ =	shalt  }
0x76: {  	_ =	shalt  }
0x77: {  	_ =	shalt  }
0x78: {  	_ =	shalt  }
0x79: {  	_ =	shalt  }
0x7a: {  	_ =	shalt  }
0x7b: {  	_ =	shalt  }
0x7c: {  	_ =	shalt  }
0x7d: {  	_ =	shalt  }
0x7e: {  	_ =	shalt  }
0x7f: {  	_ =	shalt  }
0x80: {  	_ =	shalt  }
0x81: {  	_ =	shalt  }
0x82: {  	_ =	shalt  }
0x83: {  	_ =	shalt  }
0x84: {  	_ =	shalt  }
0x85: {  	_ =	shalt  }
0x86: {  	_ =	shalt  }
0x87: {  	_ =	shalt  }
.Lfunc_end0:
.L_simem_size_0:
called_computation.1_lowered:
.L_overlay_start_0:
0x88: {  	s2 =	sld [smem:$0x3FD9]  }
0x89: {  	s3 =	sld [smem:$0x3FFE];
	_ =	sdelay $0x1  }
0x8a: {  	s1 =	srdreg.scid  }
0x8b: {  	s0 =	sand.u32 $0x1, s1  }
0x8c: {  	s16 =	sshll.u32 s0, $0xA;
	s2 =	sadd.s32 s3, s2  }
0x8d: {  	s2 =	sadd.s32 s2, s16  }
0x8e: {  	[smem:$0x3FA3] =	sst s2  }
0x8f: {  	_ = 	snop  }
0x90: {  	(tm) =	ssettm $0x1  }
0x91: {  	s17 =	sld [smem:$0x3FFB];
	_ =	sdelay $0x3  }
0x92: {  	_ =	strace s17  }
0x93: {  	s2 =	sld [smem:$0x3FFC];
	_ =	sdelay $0x3  }
0x94: {  	_ =	strace s2  }
0x95: {  	s2 =	sld [smem:$0x3FFD];
	_ =	sdelay $0x3  }
0x96: {  	_ =	strace s2  }
0x97: {  	_ =	strace $0x8FFFFFFF  }
0x98: {  	s18 =	sld [smem:$0x3FDB];
	_ =	sdelay $0x1  }
0x99: {  	s19 =	simm.s32 $_scs_section_size  }
0x9a: {  	s4 =	simm.s32 $_size__tile_overlayer_lowered;
	s5 =	simm.s32 $_tile_overlayer_lowered  }
0x9b: {  	s22 =	simm.s32 $0x1BFF;
	s21 =	sshll.u32 s5, $0x1;
	s2 =	sadd.s32 s19, s18  }
0x9c: {  	s6 =	simm.s32 $0x0;
	s20 =	sshll.u32 s4, $0x1;
	s4 =	sadd.s32 s21, s2  }
0x9d: {  	[timem:s6], [sflag:s22] =	dma.local [hbm:s4], s20  }
0x9e: {  	_ =	swait.ge [sflag:s22], s20  }
0x9f: {  	s3 =	ssub.s32 $0x0, s20;
	[sflag:s22] =	ssyncset.done $0x0  }
0xa0: {  	[sflag:s22] =	ssyncadd.s32 s3;
	_ =	sdelay $0x1  }
0xa1: {  	s23 =	simm.s32 $0x1B8B  }
0xa2: {  	_ =	swait.ge [sflag:s23], $0x1  }
0xa3: {  	[sflag:s23] =	ssyncset.done $0x0  }
0xa4: {  	s25 =	simm.s32 $0x1B8E;
	s24 =	sld [smem:$0x3FFE];
	[sflag:s23] =	ssyncadd.s32 $0xFFFFFFFF  }
0xa5: {  	s26 =	simm.s32 $execute0_lowered;
	[smem:$0x3FD2] =	sst s25  }
0xa6: {  	s4 =	sshll.u32 s26, $0x1;
	_ =	strace $0x80000049;
	[dreg:$0x1] =	wrdreg $0xFFFFFFFF  }
0xa7: {  	s28 =	simm.s32 $_size_execute0_lowered;
	s2 =	sadd.s32 s2, s4;
	[dreg:$0x0] =	wrdreg $0x0  }
0xa8: {  	s4 =	sshll.u32 s28, $0x1;
	[dreg:$0x2] =	wrdreg s2  }
0xa9: {  	[dreg:$0x3] =	wrdreg s4  }
0xaa: {  	[dreg:$0x4] =	wrdreg $0xC0  }
0xab: {  	_ =	task [dreg:s6], $0x5FFFF  }
0xac: {  	[dreg:$0x1] =	wrdreg $0xFFFFFFFF  }
0xad: {  	[dreg:$0x0] =	wrdreg $0x60  }
0xae: {  	[dreg:$0x2] =	wrdreg s24  }
0xaf: {  	[dreg:$0x3] =	wrdreg $0x0  }
0xb0: {  	[dreg:$0x4] =	wrdreg $0x9  }
0xb1: {  	_ =	task.clear_ibuf [dreg:s6], $0x5FFFF;
	_ =	strace $0x90000049  }
0xb2: {  	s29 =	simm.s32 $0x9;
	_ =	strace $0x8000004B  }
0xb3: {  	_ =	swait.ge [sflag:s29], $0x1  }
0xb4: {  	[sflag:s29] =	ssyncadd.s32 $0xFFFFFFFF  }
0xb5: {  	_ =	strace $0x9000004B  }
0xb6: {  	_ =	sfence  }
0xb7: {  	s30 =	sld [smem:$0x0];
	_ =	sdelay $0x2  }
0xb8: {  	s31 =	sshll.u32 s1, $0xD;
	s1 =	sshrl.u32 s1, $0x2  }
0xb9: {  	s3 =	sand.u32 $0x4000, s31;
	s1 =	sadd.s32 s1, s30  }
0xba: {  	s0 =	sor.u32 s3, s0;
	s1 =	sshll.u32 s1, $0x11  }
0xbb: {  	s0 =	sor.u32 s1, s0  }
0xbc: {  	s0 =	sadd.s32 $0x8F2B, s0  }
0xbd: {  	[sflag:s0] =	ssyncadd.remote.s32 $0x1  }
0xbe: {  	_ =	sfence.sel $0xFFFF  }
0xbf: {  	[dreg:$0x0] =	wrdreg $0xFFFFFFFF;
	(pc) =	sbr.abs _section_cstart, $3  }
0xc0: {  	[dreg:$0x1] =	wrdreg $0xFFFFFFFF  }
0xc1: {  	_ =	task.clear_ibuf [dreg:s6], $0x2FFFF;
	_ =	strace $0x9FFFFFFF  }
0xc2: {  	(tm) =	ssettm $0x7FFFFFFF  }
0xc3: {  	_ =	shalt  }
tec
execute0_lowered:
.L_overlay_start_1:
0x0: {  	(tag) =	ssettag $0x1  }
0x1: {  	s7 =	rddreg [dreg:$0x0]  }
0x2: {  	s1 =	rddreg [dreg:$0x1]  }
0x3: {  	s0 =	rddreg [dreg:$0x2]  }
0x4: {  	s2 =	simm.s32 $0x0;
	s8 =	srdreg.scid;
	s3 =	stileid.u32  }
0x5: {  	s17 =	simm.s32 $0x50;
	s18 =	simm.s32 $0x14800;
	s19 =	simm.s32 $0x17000  }
0x6: {  	s20 =	simm.s32 $0x1;
	s23 =	simm.s32 $0x0;
	[smem:$0x7FF] =	sst s2  }
0x7: {  	s4 =	sadd.s32 $0x27400, s7;
	s5 =	sadd.s32 $0xA09400, s7;
	s6 =	sadd.s32 $0x7400, s7  }
0x8: {  	s8 =	sand.u32 $0x1, s8;
	s9 =	smul.u32 $0x50000, s3;
	s12 =	sadd.s32 $0x17400, s7  }
0x9: {  	s13 =	sadd.s32 $0x4F400, s7;
	s14 =	smul.u32 $0x2800, s3;
	s15 =	sadd.s32 $0x77400, s7  }
0xa: {  	s31 =	sshll.u32 s3, $0x6;
	_ =	strace $0x8000004A;
	s10 =	ssub.s32 $0x2, s8  }
0xb: {  	p0 =	seq.s32 s8, $0x0;
	s8 =	smov.u32 s12;
	s11 =	sshrl.u32 s10, $0x1  }
0xc: {  	s9 =	sshrl.u32 s9, $0x2;
	s7 =	sadd.s32 s4, s14;
	s8 =	smov.u32 @p0 s6  }
0xd: {  	s6 =	smov.u32 @p0 s12;
	s15 =	smov.u32 @p0 s13;
	s11 =	ssub.s32 s10, s11  }
0xe: {  	s16 =	sadd.s32 s9, s1;
	s9 =	sor.u32 $0x1C02, s31;
	s10 =	sshll.u32 s3, $0x8  }
0xf: {  	s12 =	sadd.s32 s15, s14;
	s14 =	simm.s32 $0x2;
	s15 =	simm.s32 $0x14000  }
0x10: {  	s11 =	smax.u32 s11, $0x1;
	s13 =	sshrl.u32 s16, $0x3;
	s16 =	simm.s32 $0x14400  }
.LBB2_1:
0x11: {  	[spmem:s13], [sflag:s9] =	dma.local [hbm:s7], $0x2800  }
0x12: {  	_ =	swait.ge [sflag:s14], $0x2800  }
0x13: {  	[sflag:s14] =	ssyncset.done $0x0  }
0x14: {  	[sflag:s14] =	ssyncadd.s32 $0xFFFFD800  }
0x15: {  	s21 =	simm.s32 $0x0;
	[bflag:$0x0] =	sbarrier.arrive $0xFFFF  }
.LBB2_2:
0x16: {  	s22 =	sshll.u32 s21, $0x3  }
0x17: {  	s22 =	sadd.s32 s10, s22  }
0x18: {  	s24 =	sshll.u32 s22, $0x4  }
0x19: {  	s25 =	sadd.s32 s8, s24  }
0x1a: {  	[tilespmem:s15], [sflag:$0x2] =	stream.linear.gather [hbm4b:s25+s23], $0x400, $0x38;
	[tilespmem:$0x19800] =	vst v63  }
0x1b: {  	_ =	swait.ge [sflag:s14], $0x400  }
0x1c: {  	[sflag:s14] =	ssyncset.done $0x0  }
0x1d: {  	s24 =	sadd.s32 s6, s24;
	[sflag:s14] =	ssyncadd.s32 $0xFFFFFC00  }
0x1e: {  	[tilespmem:s16], [sflag:$0x2] =	stream.linear.gather [hbm4b:s24+s23], $0x400, $0x38;
	[tilespmem:$0x19800] =	vst v63  }
0x1f: {  	_ =	swait.ge [sflag:s14], $0x400  }
0x20: {  	[sflag:s14] =	ssyncset.done $0x0  }
0x21: {  	s24 =	simm.s32 $0x0;
	[sflag:s14] =	ssyncadd.s32 $0xFFFFFC00  }
.LBB2_3:
0x22: {  	s25 =	sshll.u32 s24, $0x7;
	s26 =	sadd.s32 s22, s24  }
0x23: {  	s28 =	sadd.s32 $0x14000, s25;
	s26 =	smul.u32 $0x500, s26  }
0x24: {  	[tilespmem:s18], [sflag:$0x1] =	stream.indirect.gather [hbm4b:s4+s17], $0x80, s28, s17, $0xb8;
	[tilespmem:$0x19800] =	vst v63  }
0x25: {  	s26 =	sadd.s32 s5, s26  }
0x26: {  	[tilespmem:s19], [sflag:$0x2] =	stream.linear.gather [hbm4b:s26+s23], $0x2800, $0x38;
	[tilespmem:$0x19800] =	vst v63  }
0x27: {  	_ =	swait.ge [sflag:s14], $0x2800  }
0x28: {  	[sflag:s14] =	ssyncset.done $0x0  }
0x29: {  	[sflag:s14] =	ssyncadd.s32 $0xFFFFD800  }
0x2a: {  	_ =	swait.ge [sflag:s20], $0x2800  }
0x2b: {  	[sflag:s20] =	ssyncset.done $0x0  }
0x2c: {  	s26 =	simm.s32 $0x0;
	[sflag:s20] =	ssyncadd.s32 $0xFFFFD800  }
0x2d: {  	v6 =	vld [tilespmem:s26+$0x17000]  }
0x2e: {  	v7 =	vld [tilespmem:s26+$0x17010]  }
0x2f: {  	v8 =	vld [tilespmem:s26+$0x17020]  }
0x30: {  	v9 =	vld [tilespmem:s26+$0x17030]  }
0x31: {  	v10 =	vld [tilespmem:s26+$0x17040]  }
0x32: {  	v11 =	vld [tilespmem:s26+$0x17050]  }
0x33: {  	v12 =	vld [tilespmem:s26+$0x17060]  }
0x34: {  	v13 =	vld [tilespmem:s26+$0x17070]  }
0x35: {  	v14 =	vld [tilespmem:s26+$0x17080]  }
0x36: {  	v15 =	vld [tilespmem:s26+$0x17090]  }
0x37: {  	v16 =	vld [tilespmem:s26+$0x170A0]  }
0x38: {  	v17 =	vld [tilespmem:s26+$0x170B0]  }
0x39: {  	v18 =	vld [tilespmem:s26+$0x170C0]  }
0x3a: {  	v19 =	vld [tilespmem:s26+$0x170D0]  }
0x3b: {  	v20 =	vld [tilespmem:s26+$0x170E0]  }
0x3c: {  	v21 =	vld [tilespmem:s26+$0x170F0]  }
0x3d: {  	v22 =	vld [tilespmem:s26+$0x17100]  }
0x3e: {  	v23 =	vld [tilespmem:s26+$0x17110]  }
0x3f: {  	v24 =	vld [tilespmem:s26+$0x17120]  }
0x40: {  	v25 =	vld [tilespmem:s26+$0x17130]  }
0x41: {  	v26 =	vld [tilespmem:s26+$0x17140]  }
0x42: {  	v32 =	vld [tilespmem:s26+$0x14800]  }
0x43: {  	v27 =	vld [tilespmem:s26+$0x17150]  }
0x44: {  	v33 =	vld [tilespmem:s26+$0x14810]  }
0x45: {  	v34 =	vld [tilespmem:s26+$0x14820]  }
0x46: {  	v28 =	vld [tilespmem:s26+$0x17160]  }
0x47: {  	v35 =	vld [tilespmem:s26+$0x14830];
	v6 =	vadd.f32 v6, v32  }
0x48: {  	v36 =	vld [tilespmem:s26+$0x14840]  }
0x49: {  	v29 =	vld [tilespmem:s26+$0x17170];
	v7 =	vadd.f32 v7, v33;
	v6 =	vmax.f32 v6, $0.0e+00  }
0x4a: {  	v62 =	vld [tilespmem:s26+$0x14850];
	[tilespmem:s26+$0x14800] =	vst v6;
	v6 =	vadd.f32 v8, v34  }
0x4b: {  	v37 =	vld [tilespmem:s26+$0x14860];
	v7 =	vmax.f32 v7, $0.0e+00  }
0x4c: {  	v30 =	vld [tilespmem:s26+$0x17180];
	[tilespmem:s26+$0x14810] =	vst v7;
	v7 =	vadd.f32 v9, v35;
	v6 =	vmax.f32 v6, $0.0e+00  }
0x4d: {  	v63 =	vld [tilespmem:s26+$0x14870];
	[tilespmem:s26+$0x14820] =	vst v6;
	v6 =	vadd.f32 v10, v36  }
0x4e: {  	v8 =	vld [tilespmem:s26+$0x14880];
	v7 =	vmax.f32 v7, $0.0e+00  }
0x4f: {  	v31 =	vld [tilespmem:s26+$0x17190];
	[tilespmem:s26+$0x14830] =	vst v7;
	v7 =	vadd.f32 v11, v62;
	v6 =	vmax.f32 v6, $0.0e+00  }
0x50: {  	v9 =	vld [tilespmem:s26+$0x14890];
	[tilespmem:s26+$0x14840] =	vst v6;
	v6 =	vadd.f32 v12, v37  }
0x51: {  	v10 =	vld [tilespmem:s26+$0x148A0];
	v7 =	vmax.f32 v7, $0.0e+00  }
0x52: {  	v5 =	vld [tilespmem:s26+$0x171A0];
	[tilespmem:s26+$0x14850] =	vst v7;
	v7 =	vadd.f32 v13, v63;
	v6 =	vmax.f32 v6, $0.0e+00  }
0x53: {  	v11 =	vld [tilespmem:s26+$0x148B0];
	[tilespmem:s26+$0x14860] =	vst v6;
	v6 =	vadd.f32 v14, v8  }
0x54: {  	v12 =	vld [tilespmem:s26+$0x148C0];
	v7 =	vmax.f32 v7, $0.0e+00  }
0x55: {  	v4 =	vld [tilespmem:s26+$0x171B0];
	[tilespmem:s26+$0x14870] =	vst v7;
	v7 =	vadd.f32 v15, v9;
	v6 =	vmax.f32 v6, $0.0e+00  }
0x56: {  	v13 =	vld [tilespmem:s26+$0x148D0];
	[tilespmem:s26+$0x14880] =	vst v6;
	v6 =	vadd.f32 v16, v10  }
0x57: {  	v8 =	vld [tilespmem:s26+$0x148E0];
	v7 =	vmax.f32 v7, $0.0e+00  }
0x58: {  	v3 =	vld [tilespmem:s26+$0x171C0];
	[tilespmem:s26+$0x14890] =	vst v7;
	v7 =	vadd.f32 v17, v11;
	v6 =	vmax.f32 v6, $0.0e+00  }
0x59: {  	v9 =	vld [tilespmem:s26+$0x148F0];
	[tilespmem:s26+$0x148A0] =	vst v6;
	v6 =	vadd.f32 v18, v12  }
0x5a: {  	v10 =	vld [tilespmem:s26+$0x14900];
	v7 =	vmax.f32 v7, $0.0e+00  }
0x5b: {  	v2 =	vld [tilespmem:s26+$0x171D0];
	[tilespmem:s26+$0x148B0] =	vst v7;
	v7 =	vadd.f32 v19, v13;
	v6 =	vmax.f32 v6, $0.0e+00  }
0x5c: {  	v11 =	vld [tilespmem:s26+$0x14910];
	[tilespmem:s26+$0x148C0] =	vst v6;
	v6 =	vadd.f32 v20, v8  }
0x5d: {  	v12 =	vld [tilespmem:s26+$0x14920];
	v7 =	vmax.f32 v7, $0.0e+00  }
0x5e: {  	v1 =	vld [tilespmem:s26+$0x171E0];
	[tilespmem:s26+$0x148D0] =	vst v7;
	v7 =	vadd.f32 v21, v9;
	v6 =	vmax.f32 v6, $0.0e+00  }
0x5f: {  	v13 =	vld [tilespmem:s26+$0x14930];
	[tilespmem:s26+$0x148E0] =	vst v6;
	v6 =	vadd.f32 v22, v10  }
0x60: {  	v8 =	vld [tilespmem:s26+$0x14940];
	v7 =	vmax.f32 v7, $0.0e+00  }
0x61: {  	v0 =	vld [tilespmem:s26+$0x171F0];
	[tilespmem:s26+$0x148F0] =	vst v7;
	v7 =	vadd.f32 v23, v11;
	v6 =	vmax.f32 v6, $0.0e+00  }
0x62: {  	v9 =	vld [tilespmem:s26+$0x14950];
	[tilespmem:s26+$0x14900] =	vst v6;
	v6 =	vadd.f32 v24, v12  }
0x63: {  	v14 =	vld [tilespmem:s26+$0x14960];
	v7 =	vmax.f32 v7, $0.0e+00  }
0x64: {  	v11 =	vld [tilespmem:s26+$0x14970];
	[tilespmem:s26+$0x14910] =	vst v7;
	v7 =	vadd.f32 v25, v13;
	v6 =	vmax.f32 v6, $0.0e+00  }
0x65: {  	v12 =	vld [tilespmem:s26+$0x14980];
	[tilespmem:s26+$0x14920] =	vst v6;
	v6 =	vadd.f32 v26, v8  }
0x66: {  	v15 =	vld [tilespmem:s26+$0x14990];
	v7 =	vmax.f32 v7, $0.0e+00  }
0x67: {  	v10 =	vld [tilespmem:s26+$0x149A0];
	[tilespmem:s26+$0x14930] =	vst v7;
	v7 =	vadd.f32 v27, v9;
	v6 =	vmax.f32 v6, $0.0e+00  }
0x68: {  	v9 =	vld [tilespmem:s26+$0x149B0];
	[tilespmem:s26+$0x14940] =	vst v6;
	v6 =	vadd.f32 v28, v14  }
0x69: {  	v11 =	vadd.f32 v29, v11;
	v8 =	vld [tilespmem:s26+$0x149C0];
	v7 =	vmax.f32 v7, $0.0e+00  }
0x6a: {  	v12 =	vadd.f32 v30, v12;
	[tilespmem:s26+$0x14950] =	vst v7;
	v7 =	vld [tilespmem:s26+$0x149D0];
	v6 =	vmax.f32 v6, $0.0e+00  }
0x6b: {  	s28 =	simm.s32 $0x800;
	v13 =	vmax.f32 v11, $0.0e+00;
	v11 =	vadd.f32 v31, v15;
	[tilespmem:s26+$0x14960] =	vst v6;
	v6 =	vld [tilespmem:s26+$0x149E0]  }
.LBB2_4:
0x6c: {  	s29 =	sshra.s32 s28, $0x2;
	p0 =	sne.s32 s28, $0x9800;
	[tilespmem:s26+$0x14970] =	vst v13;
	v12 =	vmax.f32 v12, $0.0e+00;
	v5 =	vadd.f32 v5, v10;
	v10 =	vld [tilespmem:s26+$0x149F0]  }
0x6d: {  	v13 =	vld [tilespmem:s29+$0x17000];
	[tilespmem:s26+$0x14980] =	vst v12;
	v11 =	vmax.f32 v11, $0.0e+00;
	v4 =	vadd.f32 v4, v9  }
0x6e: {  	v12 =	vld [tilespmem:s29+$0x17010];
	[tilespmem:s26+$0x14990] =	vst v11;
	v5 =	vmax.f32 v5, $0.0e+00;
	v3 =	vadd.f32 v3, v8  }
0x6f: {  	v14 =	vld [tilespmem:s29+$0x17020];
	[tilespmem:s26+$0x149A0] =	vst v5;
	v4 =	vmax.f32 v4, $0.0e+00;
	v2 =	vadd.f32 v2, v7  }
0x70: {  	v15 =	vld [tilespmem:s29+$0x17030];
	[tilespmem:s26+$0x149B0] =	vst v4;
	v3 =	vmax.f32 v3, $0.0e+00;
	v1 =	vadd.f32 v1, v6  }
0x71: {  	v16 =	vld [tilespmem:s29+$0x17040];
	[tilespmem:s26+$0x149C0] =	vst v3;
	v2 =	vmax.f32 v2, $0.0e+00;
	v0 =	vadd.f32 v0, v10  }
0x72: {  	v17 =	vld [tilespmem:s29+$0x17050];
	[tilespmem:s26+$0x149D0] =	vst v2;
	v1 =	vmax.f32 v1, $0.0e+00  }
0x73: {  	v18 =	vld [tilespmem:s29+$0x17060];
	[tilespmem:s26+$0x149E0] =	vst v1;
	v0 =	vmax.f32 v0, $0.0e+00  }
0x74: {  	v19 =	vld [tilespmem:s29+$0x17070];
	[tilespmem:s26+$0x149F0] =	vst v0;
	s26 =	smov.u32 s29  }
0x75: {  	v20 =	vld [tilespmem:s26+$0x17080]  }
0x76: {  	v21 =	vld [tilespmem:s26+$0x17090]  }
0x77: {  	v22 =	vld [tilespmem:s26+$0x170A0]  }
0x78: {  	v23 =	vld [tilespmem:s26+$0x170B0]  }
0x79: {  	v24 =	vld [tilespmem:s26+$0x170C0]  }
0x7a: {  	v25 =	vld [tilespmem:s26+$0x170D0]  }
0x7b: {  	v26 =	vld [tilespmem:s26+$0x170E0]  }
0x7c: {  	v27 =	vld [tilespmem:s26+$0x170F0]  }
0x7d: {  	v28 =	vld [tilespmem:s26+$0x17100]  }
0x7e: {  	v29 =	vld [tilespmem:s26+$0x17110]  }
0x7f: {  	v30 =	vld [tilespmem:s26+$0x17120]  }
0x80: {  	v31 =	vld [tilespmem:s26+$0x17130]  }
0x81: {  	v11 =	vld [tilespmem:s26+$0x17140]  }
0x82: {  	v10 =	vld [tilespmem:s26+$0x17150]  }
0x83: {  	v9 =	vld [tilespmem:s26+$0x17160]  }
0x84: {  	v8 =	vld [tilespmem:s26+$0x17170]  }
0x85: {  	v7 =	vld [tilespmem:s26+$0x17180]  }
0x86: {  	v6 =	vld [tilespmem:s26+$0x17190]  }
0x87: {  	v5 =	vld [tilespmem:s26+$0x171A0]  }
0x88: {  	v4 =	vld [tilespmem:s26+$0x171B0]  }
0x89: {  	v3 =	vld [tilespmem:s26+$0x171C0]  }
0x8a: {  	v2 =	vld [tilespmem:s26+$0x171D0]  }
0x8b: {  	v1 =	vld [tilespmem:s26+$0x171E0]  }
0x8c: {  	v0 =	vld [tilespmem:s26+$0x171F0]  }
0x8d: {  	v32 =	vld [tilespmem:s26+$0x14800]  }
0x8e: {  	v33 =	vld [tilespmem:s26+$0x14810]  }
0x8f: {  	v34 =	vld [tilespmem:s26+$0x14820]  }
0x90: {  	v35 =	vld [tilespmem:s26+$0x14830]  }
0x91: {  	v36 =	vld [tilespmem:s26+$0x14840]  }
0x92: {  	v13 =	vadd.f32 v13, v32;
	v32 =	vld [tilespmem:s26+$0x14850]  }
0x93: {  	v12 =	vadd.f32 v12, v33;
	v33 =	vld [tilespmem:s26+$0x14860]  }
0x94: {  	v13 =	vmax.f32 v13, $0.0e+00;
	v14 =	vadd.f32 v14, v34;
	v34 =	vld [tilespmem:s26+$0x14870]  }
0x95: {  	[tilespmem:s26+$0x14800] =	vst v13;
	v12 =	vmax.f32 v12, $0.0e+00;
	v13 =	vadd.f32 v15, v35;
	v15 =	vld [tilespmem:s26+$0x14880]  }
0x96: {  	[tilespmem:s26+$0x14810] =	vst v12;
	v12 =	vmax.f32 v14, $0.0e+00;
	v14 =	vadd.f32 v16, v36;
	v16 =	vld [tilespmem:s26+$0x14890]  }
0x97: {  	[tilespmem:s26+$0x14820] =	vst v12;
	v12 =	vmax.f32 v13, $0.0e+00;
	v13 =	vadd.f32 v17, v32;
	v17 =	vld [tilespmem:s26+$0x148A0]  }
0x98: {  	[tilespmem:s26+$0x14830] =	vst v12;
	v12 =	vmax.f32 v14, $0.0e+00;
	v14 =	vadd.f32 v18, v33;
	v18 =	vld [tilespmem:s26+$0x148B0]  }
0x99: {  	[tilespmem:s26+$0x14840] =	vst v12;
	v12 =	vmax.f32 v13, $0.0e+00;
	v13 =	vadd.f32 v19, v34;
	v19 =	vld [tilespmem:s26+$0x148C0]  }
0x9a: {  	[tilespmem:s26+$0x14850] =	vst v12;
	v12 =	vmax.f32 v14, $0.0e+00;
	v14 =	vadd.f32 v20, v15;
	v15 =	vld [tilespmem:s26+$0x148D0]  }
0x9b: {  	[tilespmem:s26+$0x14860] =	vst v12;
	v12 =	vmax.f32 v13, $0.0e+00;
	v13 =	vadd.f32 v21, v16;
	v16 =	vld [tilespmem:s26+$0x148E0]  }
0x9c: {  	[tilespmem:s26+$0x14870] =	vst v12;
	v12 =	vmax.f32 v14, $0.0e+00;
	v14 =	vadd.f32 v22, v17;
	v17 =	vld [tilespmem:s26+$0x148F0]  }
0x9d: {  	[tilespmem:s26+$0x14880] =	vst v12;
	v12 =	vmax.f32 v13, $0.0e+00;
	v13 =	vadd.f32 v23, v18;
	v18 =	vld [tilespmem:s26+$0x14900]  }
0x9e: {  	[tilespmem:s26+$0x14890] =	vst v12;
	v12 =	vmax.f32 v14, $0.0e+00;
	v14 =	vadd.f32 v24, v19;
	v19 =	vld [tilespmem:s26+$0x14910]  }
0x9f: {  	[tilespmem:s26+$0x148A0] =	vst v12;
	v12 =	vmax.f32 v13, $0.0e+00;
	v13 =	vadd.f32 v25, v15;
	v15 =	vld [tilespmem:s26+$0x14920]  }
0xa0: {  	[tilespmem:s26+$0x148B0] =	vst v12;
	v12 =	vmax.f32 v14, $0.0e+00;
	v14 =	vadd.f32 v26, v16;
	v16 =	vld [tilespmem:s26+$0x14930]  }
0xa1: {  	[tilespmem:s26+$0x148C0] =	vst v12;
	v12 =	vmax.f32 v13, $0.0e+00;
	v13 =	vadd.f32 v27, v17;
	v17 =	vld [tilespmem:s26+$0x14940]  }
0xa2: {  	[tilespmem:s26+$0x148D0] =	vst v12;
	v12 =	vmax.f32 v14, $0.0e+00;
	v14 =	vadd.f32 v28, v18;
	v18 =	vld [tilespmem:s26+$0x14950]  }
0xa3: {  	[tilespmem:s26+$0x148E0] =	vst v12;
	v12 =	vmax.f32 v13, $0.0e+00;
	v13 =	vadd.f32 v29, v19;
	v19 =	vld [tilespmem:s26+$0x14960]  }
0xa4: {  	[tilespmem:s26+$0x148F0] =	vst v12;
	v12 =	vmax.f32 v14, $0.0e+00;
	v14 =	vadd.f32 v30, v15;
	v15 =	vld [tilespmem:s26+$0x14970]  }
0xa5: {  	[tilespmem:s26+$0x14900] =	vst v12;
	v12 =	vmax.f32 v13, $0.0e+00;
	v13 =	vadd.f32 v31, v16;
	v16 =	vld [tilespmem:s26+$0x14980]  }
0xa6: {  	[tilespmem:s26+$0x14910] =	vst v12;
	v12 =	vmax.f32 v14, $0.0e+00;
	v11 =	vadd.f32 v11, v17;
	v14 =	vld [tilespmem:s26+$0x14990]  }
.Ltmp0:
0xa7: {  	[tilespmem:s26+$0x14920] =	vst v12;
	v12 =	vmax.f32 v13, $0.0e+00;
	v13 =	vadd.f32 v10, v18;
	v10 =	vld [tilespmem:s26+$0x149A0];
	(pc) =	sbr.rel @p0 .LBB2_4-.Ltmp0, $4  }
0xa8: {  	[tilespmem:s26+$0x14930] =	vst v12;
	v11 =	vmax.f32 v11, $0.0e+00;
	v12 =	vadd.f32 v9, v19;
	v9 =	vld [tilespmem:s26+$0x149B0]  }
0xa9: {  	[tilespmem:s26+$0x14940] =	vst v11;
	v11 =	vmax.f32 v13, $0.0e+00;
	v13 =	vadd.f32 v8, v15;
	v8 =	vld [tilespmem:s26+$0x149C0]  }
0xaa: {  	[tilespmem:s26+$0x14950] =	vst v11;
	v11 =	vmax.f32 v12, $0.0e+00;
	v12 =	vadd.f32 v7, v16;
	v7 =	vld [tilespmem:s26+$0x149D0]  }
0xab: {  	s28 =	sadd.s32 $0x800, s28;
	[tilespmem:s26+$0x14960] =	vst v11;
	v13 =	vmax.f32 v13, $0.0e+00;
	v11 =	vadd.f32 v6, v14;
	v6 =	vld [tilespmem:s26+$0x149E0]  }
0xac: {  	[tilespmem:s26+$0x14970] =	vst v13;
	v12 =	vmax.f32 v12, $0.0e+00;
	v5 =	vadd.f32 v5, v10;
	v63 =	vld [tilespmem:s26+$0x149F0]  }
0xad: {  	[tilespmem:s26+$0x14980] =	vst v12;
	v11 =	vmax.f32 v11, $0.0e+00;
	v4 =	vadd.f32 v4, v9  }
0xae: {  	[tilespmem:s26+$0x14990] =	vst v11;
	v5 =	vmax.f32 v5, $0.0e+00;
	v3 =	vadd.f32 v3, v8  }
0xaf: {  	[tilespmem:s26+$0x149A0] =	vst v5;
	v4 =	vmax.f32 v4, $0.0e+00;
	v2 =	vadd.f32 v2, v7  }
0xb0: {  	[tilespmem:s26+$0x149B0] =	vst v4;
	v3 =	vmax.f32 v3, $0.0e+00;
	v1 =	vadd.f32 v1, v6  }
0xb1: {  	[tilespmem:s26+$0x149C0] =	vst v3;
	v2 =	vmax.f32 v2, $0.0e+00;
	v0 =	vadd.f32 v0, v63  }
0xb2: {  	s24 =	sadd.s32 $0x1, s24;
	[tilespmem:s26+$0x149D0] =	vst v2;
	v1 =	vmax.f32 v1, $0.0e+00  }
0xb3: {  	p0 =	sne.s32 s24, $0x8;
	[tilespmem:s26+$0x149E0] =	vst v1;
	v0 =	vmax.f32 v0, $0.0e+00  }
.Ltmp1:
0xb4: {  	s25 =	sadd.s32 $0x14400, s25;
	[tilespmem:s26+$0x149F0] =	vst v0;
	(pc) =	sbr.rel @p0 .LBB2_3-.Ltmp1, $4  }
0xb5: {  	[spmem:s1] =	stream.indirect.scatter.add.f32 [tilespmem:s18], [sflag:$0x2], $0x80, s25, s17, $0xb8;
	[tilespmem:$0x19800] =	vst v63  }
0xb6: {  	_ =	swait.ge [sflag:s14], $0x2800  }
0xb7: {  	[sflag:s14] =	ssyncset.done $0x0  }
0xb8: {  	[sflag:s14] =	ssyncadd.s32 $0xFFFFD800  }
0xb9: {  	s21 =	sadd.s32 $0x1, s21  }
0xba: {  	p0 =	sne.s32 s21, $0x20  }
.Ltmp2:
0xbb: {  	_ = 	snop;
	(pc) =	sbr.rel @p0 .LBB2_2-.Ltmp2, $1  }
0xbc: {  	_ =	sdelay $0x3  }
0xbd: {  	s2 =	sadd.s32 $0x1, s2  }
0xbe: {  	p0 =	sne.s32 s2, s11  }
.Ltmp3:
0xbf: {  	[bflag:$0x0] =	sbarrier.arrive $0xFFFF;
	(pc) =	sbr.rel @p0 .LBB2_1-.Ltmp3, $4  }
0xc0: {  	[hbm:s12], [sflag:s9] =	dma.local [spmem:s13], $0x2800  }
0xc1: {  	_ =	swait.ge [sflag:s14], $0x2800  }
0xc2: {  	[sflag:s14] =	ssyncset.done $0x0  }
0xc3: {  	[sflag:s14] =	ssyncadd.s32 $0xFFFFD800  }
0xc4: {  	_ =	sfence.sel $0x180000  }
0xc5: {  	[bflag:$0x0] =	sbarrier.arrive $0xFFFF  }
0xc6: {  	p0 =	sne.s32 s3, $0x0;
	_ =	strace $0x9000004A  }
0xc7: {  	s0 =	sadd.s32 @!p0 $0x100000, s0;
	[bflag:$0x2] =	sbarrier.arrive $0xFFFF  }
0xc8: {  	[sflag:s0] =	ssyncadd.tile.s32 @!p0 $0x1;
	_ =	shalt  }
.Lfunc_end2:
_tile_overlayer_lowered:
.L_overlay_start_2:
0xc9: {  	(tag) =	ssettag $0x2  }
0xca: {  	s0 =	rddreg [dreg:$0x0];
	s2 =	stileid.u32  }
0xcb: {  	s1 =	rddreg [dreg:$0x1];
	p0 =	sne.s32 s2, $0x0  }
0xcc: {  	s3 =	rddreg [dreg:$0x2];
	[bflag:$0x3] =	sbarrier.arrive $0xFFFF;
	s2 =	simm.s32 @!p0 $0x1C02  }
0xcd: {  	[timem:s3], [sflag:s2] =	dma.local @!p0 [hbm:s0], s1  }
0xce: {  	s0 =	simm.s32 @!p0 $0x2  }
0xcf: {  	_ =	swait.ge @!p0 [sflag:s0], s1  }
0xd0: {  	s1 =	ssub.s32 @!p0 $0x0, s1;
	[sflag:s0] =	ssyncset.done @!p0 $0x0  }
0xd1: {  	[sflag:s0] =	ssyncadd.s32 @!p0 s1  }
0xd2: {  	[bflag:$0x3] =	sbarrier.arrive $0xFFFF  }
0xd3: {  	_ =	shalt  }

// kernel: kernel.9.cloned.1.call-start
scs
__scs_entry_jumppad:
0x0: {  	(pc) =	sbr.rel $0x88, $3  }
0x1: {  	(tag) =	ssettag $0x0;
	lr =	simm.s32 $0x1  }
0x2: {  	[smem:$0x3F7C] =	sst lr;
	_ =	strace $0xD0000000  }
0x3: {  	_ = 	snop  }
0x4: {  	_ = 	snop  }
0x5: {  	_ = 	snop  }
0x6: {  	_ = 	snop  }
0x7: {  	_ = 	snop  }
__scs_overlays_trampoline_lowered:
0x8: {  	[smem:$0x3F8B] =	sst s0  }
0x9: {  	[smem:$0x3F8C] =	sst s1  }
0xa: {  	[smem:$0x3F8D] =	sst s2  }
0xb: {  	[smem:$0x3F8E] =	sst s3  }
0xc: {  	[smem:$0x3F8F] =	sst s4  }
0xd: {  	[smem:$0x3F90] =	sst s5  }
0xe: {  	[smem:$0x3F91] =	sst s6  }
0xf: {  	[smem:$0x3F92] =	sst s7  }
0x10: {  	[smem:$0x3F93] =	sst s8  }
0x11: {  	[smem:$0x3F94] =	sst s9;
	s0 =	simm.s32 @!p0 $0x0  }
0x12: {  	s1 =	sld [smem:$0x3F7A];
	s0 =	simm.s32 @p0 $0x1  }
0x13: {  	[smem:$0x3F95] =	sst s0;
	s0 =	simm.s32 @!p1 $0x0  }
0x14: {  	s2 =	sld [smem:$0x3F79];
	s0 =	simm.s32 @p1 $0x1  }
0x15: {  	[smem:$0x3F96] =	sst s0;
	s0 =	simm.s32 @!p2 $0x0  }
0x16: {  	s3 =	sld [smem:$0x3FDB];
	s0 =	simm.s32 @p2 $0x1  }
0x17: {  	s4 =	simm.s32 $0x1BF5;
	[smem:$0x3F98] =	sst s0  }
0x18: {  	s0 =	sld [smem:$0x3F7B];
	_ =	swait.ge [sflag:s4], $0x0  }
0x19: {  	s7 =	sld [smem:$0x3F7C]  }
0x1a: {  	s8 =	sadd.s32 $0xFFFFE003, lr  }
0x1b: {  	s9 =	sadd.s32 $0xFFFFFEF7, lr;
	s5 =	simm.s32 $0xFFFFFFFF;
	p2 =	slt.u32 s8, $0xFFFFF086  }
0x1c: {  	p1 =	slt.u32 s9, $0xF7A;
	s5 =	simm.s32 @!p2 $0x0  }
0x1d: {  	s5 =	simm.s32 @p1 $0x1;
	p0 =	seq.s32 s7, s2  }
0x1e: {  	s7 =	smul.u32 @!p0 $0xF7A, s2;
	p2 =	seq.s32 @!p0 s5, $0x0  }
0x1f: {  	s9 =	smul.u32 $0xF7A, s1;
	s8 =	simm.s32 @!p0 $0x1BF5;
	p2 =	por !p2, p0  }
0x20: {  	[sflag:s8] =	ssyncset.s32 @!p0 $0xFFFFF086;
	s6 =	sadd.s32 @!p0 s3, s7;
	s7 =	simm.s32 @!p0 $0x108  }
0x21: {  	s3 =	sadd.s32 s3, s9;
	s6 =	sadd.s32 @!p0 $0x88, s6;
	s7 =	simm.s32 @p2 $0x1082  }
0x22: {  	[simem:s7], [sflag:s8] =	dma.local @!p0 [hbm:s6], $0xF7A  }
0x23: {  	s9 =	sor.u32 $0xD0000000, s2;
	s6 =	simm.s32 $0x108;
	_ =	swait.ge @!p0 [sflag:s8], $0x0  }
0x24: {  	s3 =	sadd.s32 $0x88, s3;
	s6 =	simm.s32 @!p1 $0x1082;
	[sflag:s4] =	ssyncset.s32 $0xFFFFF086  }
0x25: {  	[simem:s6], [sflag:s4] =	dma.local [hbm:s3], $0xF7A  }
0x26: {  	[smem:$0x3F7C] =	sst s1;
	(tag) =	ssettag s2;
	_ =	strace s9  }
0x27: {  	s1 =	sld [smem:$0x3F8C]  }
0x28: {  	s2 =	sld [smem:$0x3F8D]  }
0x29: {  	s4 =	sld [smem:$0x3F8F]  }
0x2a: {  	p0 =	seq.s32 s5, $0x0;
	s5 =	sld [smem:$0x3F90]  }
0x2b: {  	s6 =	sld [smem:$0x3F91]  }
0x2c: {  	s7 =	sld [smem:$0x3F92]  }
0x2d: {  	s3 =	simm.s32 $0x108;
	s8 =	sld [smem:$0x3F93]  }
0x2e: {  	s3 =	simm.s32 @!p0 $0x1082;
	s9 =	sld [smem:$0x3F94]  }
0x2f: {  	lr =	sadd.s32 s0, s3;
	s0 =	sld [smem:$0x3F8B]  }
0x30: {  	s3 =	sld [smem:$0x3F8E]  }
0x31: {  	[smem:$0x3F97] =	sst s10  }
0x32: {  	s10 =	sld [smem:$0x3F95];
	_ =	sdelay $0x3  }
0x33: {  	p0 =	seq.s32 s10, $0x1;
	s10 =	sld [smem:$0x3F97];
	_ =	sdelay $0x3  }
0x34: {  	[smem:$0x3F97] =	sst s10  }
0x35: {  	s10 =	sld [smem:$0x3F96];
	_ =	sdelay $0x3  }
0x36: {  	p1 =	seq.s32 s10, $0x1;
	s10 =	sld [smem:$0x3F97];
	_ =	sdelay $0x3  }
0x37: {  	[smem:$0x3F97] =	sst s10  }
0x38: {  	s10 =	sld [smem:$0x3F98]  }
0x39: {  	_ = 	snop;
	(pc) =	sbr.ind lr, $3  }
0x3a: {  	_ = 	snop  }
0x3b: {  	_ = 	snop  }
0x3c: {  	p2 =	seq.s32 s10, $0x1;
	s10 =	sld [smem:$0x3F97]  }
0x3d: {  	_ =	shalt  }
0x3e: {  	_ =	shalt  }
0x3f: {  	_ =	shalt  }
0x40: {  	_ =	shalt  }
0x41: {  	_ =	shalt  }
0x42: {  	_ =	shalt  }
0x43: {  	_ =	shalt  }
0x44: {  	_ =	shalt  }
0x45: {  	_ =	shalt  }
0x46: {  	_ =	shalt  }
0x47: {  	_ =	shalt  }
0x48: {  	_ =	shalt  }
0x49: {  	_ =	shalt  }
0x4a: {  	_ =	shalt  }
0x4b: {  	_ =	shalt  }
0x4c: {  	_ =	shalt  }
0x4d: {  	_ =	shalt  }
0x4e: {  	_ =	shalt  }
0x4f: {  	_ =	shalt  }
0x50: {  	_ =	shalt  }
0x51: {  	_ =	shalt  }
0x52: {  	_ =	shalt  }
0x53: {  	_ =	shalt  }
0x54: {  	_ =	shalt  }
0x55: {  	_ =	shalt  }
0x56: {  	_ =	shalt  }
0x57: {  	_ =	shalt  }
0x58: {  	_ =	shalt  }
0x59: {  	_ =	shalt  }
0x5a: {  	_ =	shalt  }
0x5b: {  	_ =	shalt  }
0x5c: {  	_ =	shalt  }
0x5d: {  	_ =	shalt  }
0x5e: {  	_ =	shalt  }
0x5f: {  	_ =	shalt  }
0x60: {  	_ =	shalt  }
0x61: {  	_ =	shalt  }
0x62: {  	_ =	shalt  }
0x63: {  	_ =	shalt  }
0x64: {  	_ =	shalt  }
0x65: {  	_ =	shalt  }
0x66: {  	_ =	shalt  }
0x67: {  	_ =	shalt  }
0x68: {  	_ =	shalt  }
0x69: {  	_ =	shalt  }
0x6a: {  	_ =	shalt  }
0x6b: {  	_ =	shalt  }
0x6c: {  	_ =	shalt  }
0x6d: {  	_ =	shalt  }
0x6e: {  	_ =	shalt  }
0x6f: {  	_ =	shalt  }
0x70: {  	_ =	shalt  }
0x71: {  	_ =	shalt  }
0x72: {  	_ =	shalt  }
0x73: {  	_ =	shalt  }
0x74: {  	_ =	shalt  }
0x75: {  	_ =	shalt  }
0x76: {  	_ =	shalt  }
0x77: {  	_ =	shalt  }
0x78: {  	_ =	shalt  }
0x79: {  	_ =	shalt  }
0x7a: {  	_ =	shalt  }
0x7b: {  	_ =	shalt  }
0x7c: {  	_ =	shalt  }
0x7d: {  	_ =	shalt  }
0x7e: {  	_ =	shalt  }
0x7f: {  	_ =	shalt  }
0x80: {  	_ =	shalt  }
0x81: {  	_ =	shalt  }
0x82: {  	_ =	shalt  }
0x83: {  	_ =	shalt  }
0x84: {  	_ =	shalt  }
0x85: {  	_ =	shalt  }
0x86: {  	_ =	shalt  }
0x87: {  	_ =	shalt  }
.Lfunc_end0:
.L_simem_size_0:
called_computation_lowered:
.L_overlay_start_0:
0x88: {  	s2 =	sld [smem:$0x3FD9]  }
0x89: {  	s3 =	sld [smem:$0x3FFE];
	_ =	sdelay $0x1  }
0x8a: {  	s1 =	srdreg.scid  }
0x8b: {  	s0 =	sand.u32 $0x1, s1  }
0x8c: {  	s16 =	sshll.u32 s0, $0xA;
	s2 =	sadd.s32 s3, s2  }
0x8d: {  	s2 =	sadd.s32 s2, s16  }
0x8e: {  	[smem:$0x3FA3] =	sst s2  }
0x8f: {  	_ = 	snop  }
0x90: {  	(tm) =	ssettm $0x1  }
0x91: {  	s17 =	sld [smem:$0x3FFB];
	_ =	sdelay $0x3  }
0x92: {  	_ =	strace s17  }
0x93: {  	s2 =	sld [smem:$0x3FFC];
	_ =	sdelay $0x3  }
0x94: {  	_ =	strace s2  }
0x95: {  	s2 =	sld [smem:$0x3FFD];
	_ =	sdelay $0x3  }
0x96: {  	_ =	strace s2  }
0x97: {  	_ =	strace $0x8FFFFFFF  }
0x98: {  	s18 =	sld [smem:$0x3FDB];
	_ =	sdelay $0x1  }
0x99: {  	s19 =	simm.s32 $_scs_section_size  }
0x9a: {  	s4 =	simm.s32 $_size__tile_overlayer_lowered;
	s5 =	simm.s32 $_tile_overlayer_lowered  }
0x9b: {  	s22 =	simm.s32 $0x1BFF;
	s21 =	sshll.u32 s5, $0x1;
	s2 =	sadd.s32 s19, s18  }
0x9c: {  	s6 =	simm.s32 $0x0;
	s20 =	sshll.u32 s4, $0x1;
	s4 =	sadd.s32 s21, s2  }
0x9d: {  	[timem:s6], [sflag:s22] =	dma.local [hbm:s4], s20  }
0x9e: {  	_ =	swait.ge [sflag:s22], s20  }
0x9f: {  	s3 =	ssub.s32 $0x0, s20;
	[sflag:s22] =	ssyncset.done $0x0  }
0xa0: {  	[sflag:s22] =	ssyncadd.s32 s3;
	_ =	sdelay $0x1  }
0xa1: {  	s23 =	simm.s32 $0x1B8B  }
0xa2: {  	_ =	swait.ge [sflag:s23], $0x1  }
0xa3: {  	[sflag:s23] =	ssyncset.done $0x0  }
0xa4: {  	s25 =	simm.s32 $0x1B8E;
	s24 =	sld [smem:$0x3FFE];
	[sflag:s23] =	ssyncadd.s32 $0xFFFFFFFF  }
0xa5: {  	s26 =	simm.s32 $execute0_lowered;
	[smem:$0x3FD2] =	sst s25  }
0xa6: {  	s4 =	sshll.u32 s26, $0x1;
	_ =	strace $0x80000046;
	[dreg:$0x1] =	wrdreg $0xFFFFFFFF  }
0xa7: {  	s28 =	simm.s32 $_size_execute0_lowered;
	s2 =	sadd.s32 s2, s4;
	[dreg:$0x0] =	wrdreg $0x0  }
0xa8: {  	s4 =	sshll.u32 s28, $0x1;
	[dreg:$0x2] =	wrdreg s2  }
0xa9: {  	[dreg:$0x3] =	wrdreg s4  }
0xaa: {  	[dreg:$0x4] =	wrdreg $0xC0  }
0xab: {  	_ =	task [dreg:s6], $0x5FFFF  }
0xac: {  	[dreg:$0x1] =	wrdreg $0xFFFFFFFF  }
0xad: {  	[dreg:$0x0] =	wrdreg $0x60  }
0xae: {  	[dreg:$0x2] =	wrdreg s24  }
0xaf: {  	[dreg:$0x3] =	wrdreg $0x0  }
0xb0: {  	[dreg:$0x4] =	wrdreg $0x9  }
0xb1: {  	_ =	task.clear_ibuf [dreg:s6], $0x5FFFF;
	_ =	strace $0x90000046  }
0xb2: {  	s29 =	simm.s32 $0x9;
	_ =	strace $0x80000048  }
0xb3: {  	_ =	swait.ge [sflag:s29], $0x1  }
0xb4: {  	[sflag:s29] =	ssyncadd.s32 $0xFFFFFFFF  }
0xb5: {  	_ =	strace $0x90000048  }
0xb6: {  	_ =	sfence  }
0xb7: {  	s30 =	sld [smem:$0x0];
	_ =	sdelay $0x2  }
0xb8: {  	s31 =	sshll.u32 s1, $0xD;
	s1 =	sshrl.u32 s1, $0x2  }
0xb9: {  	s3 =	sand.u32 $0x4000, s31;
	s1 =	sadd.s32 s1, s30  }
0xba: {  	s0 =	sor.u32 s3, s0;
	s1 =	sshll.u32 s1, $0x11  }
0xbb: {  	s0 =	sor.u32 s1, s0  }
0xbc: {  	s0 =	sadd.s32 $0x8F2B, s0  }
0xbd: {  	[sflag:s0] =	ssyncadd.remote.s32 $0x1  }
0xbe: {  	_ =	sfence.sel $0xFFFF  }
0xbf: {  	[dreg:$0x0] =	wrdreg $0xFFFFFFFF;
	(pc) =	sbr.abs _section_cstart, $3  }
0xc0: {  	[dreg:$0x1] =	wrdreg $0xFFFFFFFF  }
0xc1: {  	_ =	task.clear_ibuf [dreg:s6], $0x2FFFF;
	_ =	strace $0x9FFFFFFF  }
0xc2: {  	(tm) =	ssettm $0x7FFFFFFF  }
0xc3: {  	_ =	shalt  }
tec
execute0_lowered:
.L_overlay_start_1:
0x0: {  	(tag) =	ssettag $0x1  }
0x1: {  	s7 =	rddreg [dreg:$0x0]  }
0x2: {  	s1 =	rddreg [dreg:$0x1]  }
0x3: {  	s0 =	rddreg [dreg:$0x2]  }
0x4: {  	s2 =	simm.s32 $0x0;
	s8 =	srdreg.scid;
	s3 =	stileid.u32  }
0x5: {  	s17 =	simm.s32 $0x50;
	s18 =	simm.s32 $0x14800;
	s19 =	simm.s32 $0x17000  }
0x6: {  	s20 =	simm.s32 $0x1;
	s23 =	simm.s32 $0x0;
	[smem:$0x7FF] =	sst s2  }
0x7: {  	s4 =	sadd.s32 $0x27400, s7;
	s5 =	sadd.s32 $0xA09400, s7;
	s6 =	sadd.s32 $0x7400, s7  }
0x8: {  	s8 =	sand.u32 $0x1, s8;
	s9 =	smul.u32 $0x50000, s3;
	s12 =	sadd.s32 $0x17400, s7  }
0x9: {  	s13 =	sadd.s32 $0x4F400, s7;
	s14 =	smul.u32 $0x2800, s3;
	s15 =	sadd.s32 $0x77400, s7  }
0xa: {  	s31 =	sshll.u32 s3, $0x6;
	_ =	strace $0x80000047;
	s10 =	ssub.s32 $0x2, s8  }
0xb: {  	p0 =	seq.s32 s8, $0x0;
	s8 =	smov.u32 s12;
	s11 =	sshrl.u32 s10, $0x1  }
0xc: {  	s9 =	sshrl.u32 s9, $0x2;
	s7 =	sadd.s32 s4, s14;
	s8 =	smov.u32 @p0 s6  }
0xd: {  	s6 =	smov.u32 @p0 s12;
	s15 =	smov.u32 @p0 s13;
	s11 =	ssub.s32 s10, s11  }
0xe: {  	s16 =	sadd.s32 s9, s1;
	s9 =	sor.u32 $0x1C02, s31;
	s10 =	sshll.u32 s3, $0x8  }
0xf: {  	s12 =	sadd.s32 s15, s14;
	s14 =	simm.s32 $0x2;
	s15 =	simm.s32 $0x14000  }
0x10: {  	s11 =	smax.u32 s11, $0x1;
	s13 =	sshrl.u32 s16, $0x3;
	s16 =	simm.s32 $0x14400  }
.LBB2_1:
0x11: {  	[spmem:s13], [sflag:s9] =	dma.local [hbm:s7], $0x2800  }
0x12: {  	_ =	swait.ge [sflag:s14], $0x2800  }
0x13: {  	[sflag:s14] =	ssyncset.done $0x0  }
0x14: {  	[sflag:s14] =	ssyncadd.s32 $0xFFFFD800  }
0x15: {  	s21 =	simm.s32 $0x0;
	[bflag:$0x0] =	sbarrier.arrive $0xFFFF  }
.LBB2_2:
0x16: {  	s22 =	sshll.u32 s21, $0x3  }
0x17: {  	s22 =	sadd.s32 s10, s22  }
0x18: {  	s24 =	sshll.u32 s22, $0x4  }
0x19: {  	s25 =	sadd.s32 s8, s24  }
0x1a: {  	[tilespmem:s15], [sflag:$0x2] =	stream.linear.gather [hbm4b:s25+s23], $0x400, $0x38;
	[tilespmem:$0x19800] =	vst v63  }
0x1b: {  	_ =	swait.ge [sflag:s14], $0x400  }
0x1c: {  	[sflag:s14] =	ssyncset.done $0x0  }
0x1d: {  	s24 =	sadd.s32 s6, s24;
	[sflag:s14] =	ssyncadd.s32 $0xFFFFFC00  }
0x1e: {  	[tilespmem:s16], [sflag:$0x2] =	stream.linear.gather [hbm4b:s24+s23], $0x400, $0x38;
	[tilespmem:$0x19800] =	vst v63  }
0x1f: {  	_ =	swait.ge [sflag:s14], $0x400  }
0x20: {  	[sflag:s14] =	ssyncset.done $0x0  }
0x21: {  	s24 =	simm.s32 $0x0;
	[sflag:s14] =	ssyncadd.s32 $0xFFFFFC00  }
.LBB2_3:
0x22: {  	s25 =	sshll.u32 s24, $0x7;
	s26 =	sadd.s32 s22, s24  }
0x23: {  	s28 =	sadd.s32 $0x14000, s25;
	s26 =	smul.u32 $0x500, s26  }
0x24: {  	[tilespmem:s18], [sflag:$0x1] =	stream.indirect.gather [hbm4b:s4+s17], $0x80, s28, s17, $0xb8;
	[tilespmem:$0x19800] =	vst v63  }
0x25: {  	s26 =	sadd.s32 s5, s26  }
0x26: {  	[tilespmem:s19], [sflag:$0x2] =	stream.linear.gather [hbm4b:s26+s23], $0x2800, $0x38;
	[tilespmem:$0x19800] =	vst v63  }
0x27: {  	_ =	swait.ge [sflag:s14], $0x2800  }
0x28: {  	[sflag:s14] =	ssyncset.done $0x0  }
0x29: {  	[sflag:s14] =	ssyncadd.s32 $0xFFFFD800  }
0x2a: {  	_ =	swait.ge [sflag:s20], $0x2800  }
0x2b: {  	[sflag:s20] =	ssyncset.done $0x0  }
0x2c: {  	s26 =	simm.s32 $0x0;
	[sflag:s20] =	ssyncadd.s32 $0xFFFFD800  }
0x2d: {  	v6 =	vld [tilespmem:s26+$0x17000]  }
0x2e: {  	v7 =	vld [tilespmem:s26+$0x17010]  }
0x2f: {  	v8 =	vld [tilespmem:s26+$0x17020]  }
0x30: {  	v9 =	vld [tilespmem:s26+$0x17030]  }
0x31: {  	v10 =	vld [tilespmem:s26+$0x17040]  }
0x32: {  	v11 =	vld [tilespmem:s26+$0x17050]  }
0x33: {  	v12 =	vld [tilespmem:s26+$0x17060]  }
0x34: {  	v13 =	vld [tilespmem:s26+$0x17070]  }
0x35: {  	v14 =	vld [tilespmem:s26+$0x17080]  }
0x36: {  	v15 =	vld [tilespmem:s26+$0x17090]  }
0x37: {  	v16 =	vld [tilespmem:s26+$0x170A0]  }
0x38: {  	v17 =	vld [tilespmem:s26+$0x170B0]  }
0x39: {  	v18 =	vld [tilespmem:s26+$0x170C0]  }
0x3a: {  	v19 =	vld [tilespmem:s26+$0x170D0]  }
0x3b: {  	v20 =	vld [tilespmem:s26+$0x170E0]  }
0x3c: {  	v21 =	vld [tilespmem:s26+$0x170F0]  }
0x3d: {  	v22 =	vld [tilespmem:s26+$0x17100]  }
0x3e: {  	v23 =	vld [tilespmem:s26+$0x17110]  }
0x3f: {  	v24 =	vld [tilespmem:s26+$0x17120]  }
0x40: {  	v25 =	vld [tilespmem:s26+$0x17130]  }
0x41: {  	v26 =	vld [tilespmem:s26+$0x17140]  }
0x42: {  	v32 =	vld [tilespmem:s26+$0x14800]  }
0x43: {  	v27 =	vld [tilespmem:s26+$0x17150]  }
0x44: {  	v33 =	vld [tilespmem:s26+$0x14810]  }
0x45: {  	v34 =	vld [tilespmem:s26+$0x14820]  }
0x46: {  	v28 =	vld [tilespmem:s26+$0x17160]  }
0x47: {  	v35 =	vld [tilespmem:s26+$0x14830];
	v6 =	vadd.f32 v6, v32  }
0x48: {  	v36 =	vld [tilespmem:s26+$0x14840]  }
0x49: {  	v29 =	vld [tilespmem:s26+$0x17170];
	v7 =	vadd.f32 v7, v33;
	v6 =	vmax.f32 v6, $0.0e+00  }
0x4a: {  	v62 =	vld [tilespmem:s26+$0x14850];
	[tilespmem:s26+$0x14800] =	vst v6;
	v6 =	vadd.f32 v8, v34  }
0x4b: {  	v37 =	vld [tilespmem:s26+$0x14860];
	v7 =	vmax.f32 v7, $0.0e+00  }
0x4c: {  	v30 =	vld [tilespmem:s26+$0x17180];
	[tilespmem:s26+$0x14810] =	vst v7;
	v7 =	vadd.f32 v9, v35;
	v6 =	vmax.f32 v6, $0.0e+00  }
0x4d: {  	v63 =	vld [tilespmem:s26+$0x14870];
	[tilespmem:s26+$0x14820] =	vst v6;
	v6 =	vadd.f32 v10, v36  }
0x4e: {  	v8 =	vld [tilespmem:s26+$0x14880];
	v7 =	vmax.f32 v7, $0.0e+00  }
0x4f: {  	v31 =	vld [tilespmem:s26+$0x17190];
	[tilespmem:s26+$0x14830] =	vst v7;
	v7 =	vadd.f32 v11, v62;
	v6 =	vmax.f32 v6, $0.0e+00  }
0x50: {  	v9 =	vld [tilespmem:s26+$0x14890];
	[tilespmem:s26+$0x14840] =	vst v6;
	v6 =	vadd.f32 v12, v37  }
0x51: {  	v10 =	vld [tilespmem:s26+$0x148A0];
	v7 =	vmax.f32 v7, $0.0e+00  }
0x52: {  	v5 =	vld [tilespmem:s26+$0x171A0];
	[tilespmem:s26+$0x14850] =	vst v7;
	v7 =	vadd.f32 v13, v63;
	v6 =	vmax.f32 v6, $0.0e+00  }
0x53: {  	v11 =	vld [tilespmem:s26+$0x148B0];
	[tilespmem:s26+$0x14860] =	vst v6;
	v6 =	vadd.f32 v14, v8  }
0x54: {  	v12 =	vld [tilespmem:s26+$0x148C0];
	v7 =	vmax.f32 v7, $0.0e+00  }
0x55: {  	v4 =	vld [tilespmem:s26+$0x171B0];
	[tilespmem:s26+$0x14870] =	vst v7;
	v7 =	vadd.f32 v15, v9;
	v6 =	vmax.f32 v6, $0.0e+00  }
0x56: {  	v13 =	vld [tilespmem:s26+$0x148D0];
	[tilespmem:s26+$0x14880] =	vst v6;
	v6 =	vadd.f32 v16, v10  }
0x57: {  	v8 =	vld [tilespmem:s26+$0x148E0];
	v7 =	vmax.f32 v7, $0.0e+00  }
0x58: {  	v3 =	vld [tilespmem:s26+$0x171C0];
	[tilespmem:s26+$0x14890] =	vst v7;
	v7 =	vadd.f32 v17, v11;
	v6 =	vmax.f32 v6, $0.0e+00  }
0x59: {  	v9 =	vld [tilespmem:s26+$0x148F0];
	[tilespmem:s26+$0x148A0] =	vst v6;
	v6 =	vadd.f32 v18, v12  }
0x5a: {  	v10 =	vld [tilespmem:s26+$0x14900];
	v7 =	vmax.f32 v7, $0.0e+00  }
0x5b: {  	v2 =	vld [tilespmem:s26+$0x171D0];
	[tilespmem:s26+$0x148B0] =	vst v7;
	v7 =	vadd.f32 v19, v13;
	v6 =	vmax.f32 v6, $0.0e+00  }
0x5c: {  	v11 =	vld [tilespmem:s26+$0x14910];
	[tilespmem:s26+$0x148C0] =	vst v6;
	v6 =	vadd.f32 v20, v8  }
0x5d: {  	v12 =	vld [tilespmem:s26+$0x14920];
	v7 =	vmax.f32 v7, $0.0e+00  }
0x5e: {  	v1 =	vld [tilespmem:s26+$0x171E0];
	[tilespmem:s26+$0x148D0] =	vst v7;
	v7 =	vadd.f32 v21, v9;
	v6 =	vmax.f32 v6, $0.0e+00  }
0x5f: {  	v13 =	vld [tilespmem:s26+$0x14930];
	[tilespmem:s26+$0x148E0] =	vst v6;
	v6 =	vadd.f32 v22, v10  }
0x60: {  	v8 =	vld [tilespmem:s26+$0x14940];
	v7 =	vmax.f32 v7, $0.0e+00  }
0x61: {  	v0 =	vld [tilespmem:s26+$0x171F0];
	[tilespmem:s26+$0x148F0] =	vst v7;
	v7 =	vadd.f32 v23, v11;
	v6 =	vmax.f32 v6, $0.0e+00  }
0x62: {  	v9 =	vld [tilespmem:s26+$0x14950];
	[tilespmem:s26+$0x14900] =	vst v6;
	v6 =	vadd.f32 v24, v12  }
0x63: {  	v14 =	vld [tilespmem:s26+$0x14960];
	v7 =	vmax.f32 v7, $0.0e+00  }
0x64: {  	v11 =	vld [tilespmem:s26+$0x14970];
	[tilespmem:s26+$0x14910] =	vst v7;
	v7 =	vadd.f32 v25, v13;
	v6 =	vmax.f32 v6, $0.0e+00  }
0x65: {  	v12 =	vld [tilespmem:s26+$0x14980];
	[tilespmem:s26+$0x14920] =	vst v6;
	v6 =	vadd.f32 v26, v8  }
0x66: {  	v15 =	vld [tilespmem:s26+$0x14990];
	v7 =	vmax.f32 v7, $0.0e+00  }
0x67: {  	v10 =	vld [tilespmem:s26+$0x149A0];
	[tilespmem:s26+$0x14930] =	vst v7;
	v7 =	vadd.f32 v27, v9;
	v6 =	vmax.f32 v6, $0.0e+00  }
0x68: {  	v9 =	vld [tilespmem:s26+$0x149B0];
	[tilespmem:s26+$0x14940] =	vst v6;
	v6 =	vadd.f32 v28, v14  }
0x69: {  	v11 =	vadd.f32 v29, v11;
	v8 =	vld [tilespmem:s26+$0x149C0];
	v7 =	vmax.f32 v7, $0.0e+00  }
0x6a: {  	v12 =	vadd.f32 v30, v12;
	[tilespmem:s26+$0x14950] =	vst v7;
	v7 =	vld [tilespmem:s26+$0x149D0];
	v6 =	vmax.f32 v6, $0.0e+00  }
0x6b: {  	s28 =	simm.s32 $0x800;
	v13 =	vmax.f32 v11, $0.0e+00;
	v11 =	vadd.f32 v31, v15;
	[tilespmem:s26+$0x14960] =	vst v6;
	v6 =	vld [tilespmem:s26+$0x149E0]  }
.LBB2_4:
0x6c: {  	s29 =	sshra.s32 s28, $0x2;
	p0 =	sne.s32 s28, $0x9800;
	[tilespmem:s26+$0x14970] =	vst v13;
	v12 =	vmax.f32 v12, $0.0e+00;
	v5 =	vadd.f32 v5, v10;
	v10 =	vld [tilespmem:s26+$0x149F0]  }
0x6d: {  	v13 =	vld [tilespmem:s29+$0x17000];
	[tilespmem:s26+$0x14980] =	vst v12;
	v11 =	vmax.f32 v11, $0.0e+00;
	v4 =	vadd.f32 v4, v9  }
0x6e: {  	v12 =	vld [tilespmem:s29+$0x17010];
	[tilespmem:s26+$0x14990] =	vst v11;
	v5 =	vmax.f32 v5, $0.0e+00;
	v3 =	vadd.f32 v3, v8  }
0x6f: {  	v14 =	vld [tilespmem:s29+$0x17020];
	[tilespmem:s26+$0x149A0] =	vst v5;
	v4 =	vmax.f32 v4, $0.0e+00;
	v2 =	vadd.f32 v2, v7  }
0x70: {  	v15 =	vld [tilespmem:s29+$0x17030];
	[tilespmem:s26+$0x149B0] =	vst v4;
	v3 =	vmax.f32 v3, $0.0e+00;
	v1 =	vadd.f32 v1, v6  }
0x71: {  	v16 =	vld [tilespmem:s29+$0x17040];
	[tilespmem:s26+$0x149C0] =	vst v3;
	v2 =	vmax.f32 v2, $0.0e+00;
	v0 =	vadd.f32 v0, v10  }
0x72: {  	v17 =	vld [tilespmem:s29+$0x17050];
	[tilespmem:s26+$0x149D0] =	vst v2;
	v1 =	vmax.f32 v1, $0.0e+00  }
0x73: {  	v18 =	vld [tilespmem:s29+$0x17060];
	[tilespmem:s26+$0x149E0] =	vst v1;
	v0 =	vmax.f32 v0, $0.0e+00  }
0x74: {  	v19 =	vld [tilespmem:s29+$0x17070];
	[tilespmem:s26+$0x149F0] =	vst v0;
	s26 =	smov.u32 s29  }
0x75: {  	v20 =	vld [tilespmem:s26+$0x17080]  }
0x76: {  	v21 =	vld [tilespmem:s26+$0x17090]  }
0x77: {  	v22 =	vld [tilespmem:s26+$0x170A0]  }
0x78: {  	v23 =	vld [tilespmem:s26+$0x170B0]  }
0x79: {  	v24 =	vld [tilespmem:s26+$0x170C0]  }
0x7a: {  	v25 =	vld [tilespmem:s26+$0x170D0]  }
0x7b: {  	v26 =	vld [tilespmem:s26+$0x170E0]  }
0x7c: {  	v27 =	vld [tilespmem:s26+$0x170F0]  }
0x7d: {  	v28 =	vld [tilespmem:s26+$0x17100]  }
0x7e: {  	v29 =	vld [tilespmem:s26+$0x17110]  }
0x7f: {  	v30 =	vld [tilespmem:s26+$0x17120]  }
0x80: {  	v31 =	vld [tilespmem:s26+$0x17130]  }
0x81: {  	v11 =	vld [tilespmem:s26+$0x17140]  }
0x82: {  	v10 =	vld [tilespmem:s26+$0x17150]  }
0x83: {  	v9 =	vld [tilespmem:s26+$0x17160]  }
0x84: {  	v8 =	vld [tilespmem:s26+$0x17170]  }
0x85: {  	v7 =	vld [tilespmem:s26+$0x17180]  }
0x86: {  	v6 =	vld [tilespmem:s26+$0x17190]  }
0x87: {  	v5 =	vld [tilespmem:s26+$0x171A0]  }
0x88: {  	v4 =	vld [tilespmem:s26+$0x171B0]  }
0x89: {  	v3 =	vld [tilespmem:s26+$0x171C0]  }
0x8a: {  	v2 =	vld [tilespmem:s26+$0x171D0]  }
0x8b: {  	v1 =	vld [tilespmem:s26+$0x171E0]  }
0x8c: {  	v0 =	vld [tilespmem:s26+$0x171F0]  }
0x8d: {  	v32 =	vld [tilespmem:s26+$0x14800]  }
0x8e: {  	v33 =	vld [tilespmem:s26+$0x14810]  }
0x8f: {  	v34 =	vld [tilespmem:s26+$0x14820]  }
0x90: {  	v35 =	vld [tilespmem:s26+$0x14830]  }
0x91: {  	v36 =	vld [tilespmem:s26+$0x14840]  }
0x92: {  	v13 =	vadd.f32 v13, v32;
	v32 =	vld [tilespmem:s26+$0x14850]  }
0x93: {  	v12 =	vadd.f32 v12, v33;
	v33 =	vld [tilespmem:s26+$0x14860]  }
0x94: {  	v13 =	vmax.f32 v13, $0.0e+00;
	v14 =	vadd.f32 v14, v34;
	v34 =	vld [tilespmem:s26+$0x14870]  }
0x95: {  	[tilespmem:s26+$0x14800] =	vst v13;
	v12 =	vmax.f32 v12, $0.0e+00;
	v13 =	vadd.f32 v15, v35;
	v15 =	vld [tilespmem:s26+$0x14880]  }
0x96: {  	[tilespmem:s26+$0x14810] =	vst v12;
	v12 =	vmax.f32 v14, $0.0e+00;
	v14 =	vadd.f32 v16, v36;
	v16 =	vld [tilespmem:s26+$0x14890]  }
0x97: {  	[tilespmem:s26+$0x14820] =	vst v12;
	v12 =	vmax.f32 v13, $0.0e+00;
	v13 =	vadd.f32 v17, v32;
	v17 =	vld [tilespmem:s26+$0x148A0]  }
0x98: {  	[tilespmem:s26+$0x14830] =	vst v12;
	v12 =	vmax.f32 v14, $0.0e+00;
	v14 =	vadd.f32 v18, v33;
	v18 =	vld [tilespmem:s26+$0x148B0]  }
0x99: {  	[tilespmem:s26+$0x14840] =	vst v12;
	v12 =	vmax.f32 v13, $0.0e+00;
	v13 =	vadd.f32 v19, v34;
	v19 =	vld [tilespmem:s26+$0x148C0]  }
0x9a: {  	[tilespmem:s26+$0x14850] =	vst v12;
	v12 =	vmax.f32 v14, $0.0e+00;
	v14 =	vadd.f32 v20, v15;
	v15 =	vld [tilespmem:s26+$0x148D0]  }
0x9b: {  	[tilespmem:s26+$0x14860] =	vst v12;
	v12 =	vmax.f32 v13, $0.0e+00;
	v13 =	vadd.f32 v21, v16;
	v16 =	vld [tilespmem:s26+$0x148E0]  }
0x9c: {  	[tilespmem:s26+$0x14870] =	vst v12;
	v12 =	vmax.f32 v14, $0.0e+00;
	v14 =	vadd.f32 v22, v17;
	v17 =	vld [tilespmem:s26+$0x148F0]  }
0x9d: {  	[tilespmem:s26+$0x14880] =	vst v12;
	v12 =	vmax.f32 v13, $0.0e+00;
	v13 =	vadd.f32 v23, v18;
	v18 =	vld [tilespmem:s26+$0x14900]  }
0x9e: {  	[tilespmem:s26+$0x14890] =	vst v12;
	v12 =	vmax.f32 v14, $0.0e+00;
	v14 =	vadd.f32 v24, v19;
	v19 =	vld [tilespmem:s26+$0x14910]  }
0x9f: {  	[tilespmem:s26+$0x148A0] =	vst v12;
	v12 =	vmax.f32 v13, $0.0e+00;
	v13 =	vadd.f32 v25, v15;
	v15 =	vld [tilespmem:s26+$0x14920]  }
0xa0: {  	[tilespmem:s26+$0x148B0] =	vst v12;
	v12 =	vmax.f32 v14, $0.0e+00;
	v14 =	vadd.f32 v26, v16;
	v16 =	vld [tilespmem:s26+$0x14930]  }
0xa1: {  	[tilespmem:s26+$0x148C0] =	vst v12;
	v12 =	vmax.f32 v13, $0.0e+00;
	v13 =	vadd.f32 v27, v17;
	v17 =	vld [tilespmem:s26+$0x14940]  }
0xa2: {  	[tilespmem:s26+$0x148D0] =	vst v12;
	v12 =	vmax.f32 v14, $0.0e+00;
	v14 =	vadd.f32 v28, v18;
	v18 =	vld [tilespmem:s26+$0x14950]  }
0xa3: {  	[tilespmem:s26+$0x148E0] =	vst v12;
	v12 =	vmax.f32 v13, $0.0e+00;
	v13 =	vadd.f32 v29, v19;
	v19 =	vld [tilespmem:s26+$0x14960]  }
0xa4: {  	[tilespmem:s26+$0x148F0] =	vst v12;
	v12 =	vmax.f32 v14, $0.0e+00;
	v14 =	vadd.f32 v30, v15;
	v15 =	vld [tilespmem:s26+$0x14970]  }
0xa5: {  	[tilespmem:s26+$0x14900] =	vst v12;
	v12 =	vmax.f32 v13, $0.0e+00;
	v13 =	vadd.f32 v31, v16;
	v16 =	vld [tilespmem:s26+$0x14980]  }
0xa6: {  	[tilespmem:s26+$0x14910] =	vst v12;
	v12 =	vmax.f32 v14, $0.0e+00;
	v11 =	vadd.f32 v11, v17;
	v14 =	vld [tilespmem:s26+$0x14990]  }
.Ltmp0:
0xa7: {  	[tilespmem:s26+$0x14920] =	vst v12;
	v12 =	vmax.f32 v13, $0.0e+00;
	v13 =	vadd.f32 v10, v18;
	v10 =	vld [tilespmem:s26+$0x149A0];
	(pc) =	sbr.rel @p0 .LBB2_4-.Ltmp0, $4  }
0xa8: {  	[tilespmem:s26+$0x14930] =	vst v12;
	v11 =	vmax.f32 v11, $0.0e+00;
	v12 =	vadd.f32 v9, v19;
	v9 =	vld [tilespmem:s26+$0x149B0]  }
0xa9: {  	[tilespmem:s26+$0x14940] =	vst v11;
	v11 =	vmax.f32 v13, $0.0e+00;
	v13 =	vadd.f32 v8, v15;
	v8 =	vld [tilespmem:s26+$0x149C0]  }
0xaa: {  	[tilespmem:s26+$0x14950] =	vst v11;
	v11 =	vmax.f32 v12, $0.0e+00;
	v12 =	vadd.f32 v7, v16;
	v7 =	vld [tilespmem:s26+$0x149D0]  }
0xab: {  	s28 =	sadd.s32 $0x800, s28;
	[tilespmem:s26+$0x14960] =	vst v11;
	v13 =	vmax.f32 v13, $0.0e+00;
	v11 =	vadd.f32 v6, v14;
	v6 =	vld [tilespmem:s26+$0x149E0]  }
0xac: {  	[tilespmem:s26+$0x14970] =	vst v13;
	v12 =	vmax.f32 v12, $0.0e+00;
	v5 =	vadd.f32 v5, v10;
	v63 =	vld [tilespmem:s26+$0x149F0]  }
0xad: {  	[tilespmem:s26+$0x14980] =	vst v12;
	v11 =	vmax.f32 v11, $0.0e+00;
	v4 =	vadd.f32 v4, v9  }
0xae: {  	[tilespmem:s26+$0x14990] =	vst v11;
	v5 =	vmax.f32 v5, $0.0e+00;
	v3 =	vadd.f32 v3, v8  }
0xaf: {  	[tilespmem:s26+$0x149A0] =	vst v5;
	v4 =	vmax.f32 v4, $0.0e+00;
	v2 =	vadd.f32 v2, v7  }
0xb0: {  	[tilespmem:s26+$0x149B0] =	vst v4;
	v3 =	vmax.f32 v3, $0.0e+00;
	v1 =	vadd.f32 v1, v6  }
0xb1: {  	[tilespmem:s26+$0x149C0] =	vst v3;
	v2 =	vmax.f32 v2, $0.0e+00;
	v0 =	vadd.f32 v0, v63  }
0xb2: {  	s24 =	sadd.s32 $0x1, s24;
	[tilespmem:s26+$0x149D0] =	vst v2;
	v1 =	vmax.f32 v1, $0.0e+00  }
0xb3: {  	p0 =	sne.s32 s24, $0x8;
	[tilespmem:s26+$0x149E0] =	vst v1;
	v0 =	vmax.f32 v0, $0.0e+00  }
.Ltmp1:
0xb4: {  	s25 =	sadd.s32 $0x14400, s25;
	[tilespmem:s26+$0x149F0] =	vst v0;
	(pc) =	sbr.rel @p0 .LBB2_3-.Ltmp1, $4  }
0xb5: {  	[spmem:s1] =	stream.indirect.scatter.add.f32 [tilespmem:s18], [sflag:$0x2], $0x80, s25, s17, $0xb8;
	[tilespmem:$0x19800] =	vst v63  }
0xb6: {  	_ =	swait.ge [sflag:s14], $0x2800  }
0xb7: {  	[sflag:s14] =	ssyncset.done $0x0  }
0xb8: {  	[sflag:s14] =	ssyncadd.s32 $0xFFFFD800  }
0xb9: {  	s21 =	sadd.s32 $0x1, s21  }
0xba: {  	p0 =	sne.s32 s21, $0x20  }
.Ltmp2:
0xbb: {  	_ = 	snop;
	(pc) =	sbr.rel @p0 .LBB2_2-.Ltmp2, $1  }
0xbc: {  	_ =	sdelay $0x3  }
0xbd: {  	s2 =	sadd.s32 $0x1, s2  }
0xbe: {  	p0 =	sne.s32 s2, s11  }
.Ltmp3:
0xbf: {  	[bflag:$0x0] =	sbarrier.arrive $0xFFFF;
	(pc) =	sbr.rel @p0 .LBB2_1-.Ltmp3, $4  }
0xc0: {  	[hbm:s12], [sflag:s9] =	dma.local [spmem:s13], $0x2800  }
0xc1: {  	_ =	swait.ge [sflag:s14], $0x2800  }
0xc2: {  	[sflag:s14] =	ssyncset.done $0x0  }
0xc3: {  	[sflag:s14] =	ssyncadd.s32 $0xFFFFD800  }
0xc4: {  	_ =	sfence.sel $0x180000  }
0xc5: {  	[bflag:$0x0] =	sbarrier.arrive $0xFFFF  }
0xc6: {  	p0 =	sne.s32 s3, $0x0;
	_ =	strace $0x90000047  }
0xc7: {  	s0 =	sadd.s32 @!p0 $0x100000, s0;
	[bflag:$0x2] =	sbarrier.arrive $0xFFFF  }
0xc8: {  	[sflag:s0] =	ssyncadd.tile.s32 @!p0 $0x1;
	_ =	shalt  }
.Lfunc_end2:
_tile_overlayer_lowered:
.L_overlay_start_2:
0xc9: {  	(tag) =	ssettag $0x2  }
0xca: {  	s0 =	rddreg [dreg:$0x0];
	s2 =	stileid.u32  }
0xcb: {  	s1 =	rddreg [dreg:$0x1];
	p0 =	sne.s32 s2, $0x0  }
0xcc: {  	s3 =	rddreg [dreg:$0x2];
	[bflag:$0x3] =	sbarrier.arrive $0xFFFF;
	s2 =	simm.s32 @!p0 $0x1C02  }
0xcd: {  	[timem:s3], [sflag:s2] =	dma.local @!p0 [hbm:s0], s1  }
0xce: {  	s0 =	simm.s32 @!p0 $0x2  }
0xcf: {  	_ =	swait.ge @!p0 [sflag:s0], s1  }
0xd0: {  	s1 =	ssub.s32 @!p0 $0x0, s1;
	[sflag:s0] =	ssyncset.done @!p0 $0x0  }
0xd1: {  	[sflag:s0] =	ssyncadd.s32 @!p0 s1  }
0xd2: {  	[bflag:$0x3] =	sbarrier.arrive $0xFFFF  }
0xd3: {  	_ =	shalt  }

</sc_bundles>
